<compile_context>
chip_gen: v7x
topology: tpu7x:2x2x1
jax: 0.10.2.dev20260603
libtpu: 0.0.44.dev20260713+nightly
codegen_flags: <defaults>
</compile_context>

<pallas_src>
import functools

import jax
import jax.numpy as jnp
from jax import lax
from jax.experimental import pallas as pl
from jax.experimental.pallas import tpu as pltpu
from jax.experimental.pallas import tpu_sc as plsc

N = 10000
E = 320000
DF = 128
DH = 128
DO = 64
DE = 16
G = 64

HW = DH // 2
NTILES = 32
GRP = 128
C = 79
EPAD = NTILES * C * GRP
NPAD = 10240
RPT = NPAD // 16
BLK = 1000
NB = N // BLK

_HIGH = jax.lax.Precision.HIGHEST


def _dot(a, b):
    return jax.lax.dot(a, b, precision=_HIGH, preferred_element_type=jnp.float32)


def _prelu(v, a):
    return jnp.where(v >= 0, v, a * v)



_NBUF = 6


def _sc_scatter(hn, srcb, dstb, z, outp, src_v, dst_v, rows, acc, gs, ss):
    c = lax.axis_index("c")
    s = lax.axis_index("s")
    b = c * 16 + s
    pltpu.sync_copy(srcb.at[b], src_v)
    pltpu.sync_copy(dstb.at[b], dst_v)
    r0 = s * RPT
    pltpu.sync_copy(z, acc.at[pl.ds(r0, RPT)])

    def start_rows(g, p):
        pltpu.async_copy(hn.at[src_v.at[g]], rows[p], gs[p])

    def wait_rows(p):
        pltpu.make_async_copy(hn.at[src_v.at[0]], rows[p], gs[p]).wait()

    def start_scat(g, p):
        pltpu.async_copy(rows[p], acc.at[dst_v.at[g]], ss[p], add=True)

    def wait_scat(p):
        pltpu.make_async_copy(rows[p], acc.at[dst_v.at[0]], ss[p]).wait()

    depth = _NBUF - 2
    for k in range(depth):
        start_rows(k, k)
    plsc.subcore_barrier()

    def phase(g, p):
        wait_rows(p)

        @pl.when(g >= 2)
        def _():
            wait_scat((p - 2) % _NBUF)

        start_scat(g, p)

        @pl.when(g + depth < C)
        def _():
            start_rows(g + depth, (p + depth) % _NBUF)

    def body(i, carry):
        j = i * _NBUF
        phase(j, 0)
        for p in range(1, _NBUF):
            @pl.when(j + p < C)
            def _(p=p):
                phase(j + p, p)
        return carry

    lax.fori_loop(0, (C + _NBUF - 1) // _NBUF, body, 0)
    wait_scat((C - 1) % _NBUF)
    wait_scat((C - 2) % _NBUF)
    plsc.subcore_barrier()
    pltpu.sync_copy(acc.at[pl.ds(r0, RPT)], outp.at[c, pl.ds(r0, RPT)])


def _sc_ea(ea, dstb, z16, out16, dst_v, eab, acc16, egs, ess):
    c = lax.axis_index("c")
    s = lax.axis_index("s")
    b = c * 16 + s
    pltpu.sync_copy(dstb.at[b], dst_v)
    r0 = s * RPT
    pltpu.sync_copy(z16, acc16.at[pl.ds(r0, RPT)])
    ebase = b * (C * GRP)

    def start_ea(g, p):
        pltpu.async_copy(ea.at[pl.ds(ebase + g * GRP, GRP)], eab[p], egs[p])

    def wait_ea(p):
        pltpu.make_async_copy(ea.at[pl.ds(0, GRP)], eab[p], egs[p]).wait()

    def start_escat(g, p):
        pltpu.async_copy(eab[p], acc16.at[dst_v.at[g]], ess[p], add=True)

    def wait_escat(p):
        pltpu.make_async_copy(eab[p], acc16.at[dst_v.at[0]], ess[p]).wait()

    depth = _NBUF - 2
    for k in range(depth):
        start_ea(k, k)
    plsc.subcore_barrier()

    def phase(g, p):
        wait_ea(p)

        @pl.when(g >= 2)
        def _():
            wait_escat((p - 2) % _NBUF)

        start_escat(g, p)

        @pl.when(g + depth < C)
        def _():
            start_ea(g + depth, (p + depth) % _NBUF)

    def body(i, carry):
        j = i * _NBUF
        phase(j, 0)
        for p in range(1, _NBUF):
            @pl.when(j + p < C)
            def _(p=p):
                phase(j + p, p)
        return carry

    lax.fori_loop(0, (C + _NBUF - 1) // _NBUF, body, 0)
    wait_escat((C - 1) % _NBUF)
    wait_escat((C - 2) % _NBUF)
    plsc.subcore_barrier()
    pltpu.sync_copy(acc16.at[pl.ds(r0, RPT)], out16.at[c, pl.ds(r0, RPT)])


@functools.lru_cache(maxsize=None)
def _sc_calls():
    mesh = plsc.VectorSubcoreMesh(core_axis_name="c", subcore_axis_name="s")
    cparams = pltpu.CompilerParams(use_tc_tiling_on_sc=False)
    ea_call = functools.partial(
        pl.kernel,
        out_type=jax.ShapeDtypeStruct((2, NPAD, DE), jnp.float32),
        mesh=mesh,
        compiler_params=cparams,
        scratch_types=[
            pltpu.VMEM((C, GRP), jnp.int32),
            [pltpu.VMEM((GRP, DE), jnp.float32)] * _NBUF,
            pltpu.VMEM_SHARED((NPAD, DE), jnp.float32),
            [pltpu.SemaphoreType.DMA] * _NBUF,
            [pltpu.SemaphoreType.DMA] * _NBUF,
        ],
    )(_sc_ea)
    scatter = functools.partial(
        pl.kernel,
        out_type=jax.ShapeDtypeStruct((2, NPAD, DH), jnp.bfloat16),
        mesh=mesh,
        compiler_params=cparams,
        scratch_types=[
            pltpu.VMEM((C, GRP), jnp.int32),
            pltpu.VMEM((C, GRP), jnp.int32),
            [pltpu.VMEM((GRP, DH), jnp.bfloat16)] * _NBUF,
            pltpu.VMEM_SHARED((NPAD, DH), jnp.bfloat16),
            [pltpu.SemaphoreType.DMA] * _NBUF,
            [pltpu.SemaphoreType.DMA] * _NBUF,
        ],
    )(_sc_scatter)
    return ea_call, scatter



def _agg(p_ref):
    return (p_ref[0].astype(jnp.float32) + p_ref[1].astype(jnp.float32))


def _tc1_body(x_ref, w1_ref, b1_ref, a1_ref, wn_ref, h0_ref, hn_ref):
    h = _dot(x_ref[...], w1_ref[...]) + b1_ref[...]
    h = _prelu(h, a1_ref[0, 0])
    h0_ref[...] = h
    hn_ref[...] = _dot(h, wn_ref[...]).astype(jnp.bfloat16)


def _tc2_body(h_ref, p_ref, e_ref, wr_ref, we_ref, b_ref, a_ref, wn_ref,
              h1_ref, hn_ref):
    eagg = e_ref[0] + e_ref[1]
    v = (_dot(h_ref[...], wr_ref[...]) + _agg(p_ref)
         + _dot(eagg, we_ref[...]) + b_ref[...])
    h1 = _prelu(v, a_ref[0, 0])
    h1_ref[...] = h1
    hn_ref[...] = _dot(h1, wn_ref[...]).astype(jnp.bfloat16)


def _tc3_body(h_ref, p_ref, e_ref, wr_ref, we_ref, b_ref, a_ref, bat_ref,
              w2_ref, b2_ref, out_ref, acc_ref, cnt_ref):
    i = pl.program_id(0)
    eagg = e_ref[0] + e_ref[1]
    v = (_dot(h_ref[...], wr_ref[...]) + _agg(p_ref)
         + _dot(eagg, we_ref[...]) + b_ref[...])
    h2 = _prelu(v, a_ref[0, 0])

    bb = bat_ref[0, 0, :]
    gi = lax.broadcasted_iota(jnp.int32, (G, BLK), 0)
    oh = (bb[None, :] == gi).astype(jnp.float32)

    @pl.when(i == 0)
    def _():
        acc_ref[...] = jnp.zeros((G, DH), jnp.float32)
        cnt_ref[...] = jnp.zeros((G, DH), jnp.float32)

    acc_ref[...] += _dot(oh, h2)
    cnt_ref[...] += jnp.broadcast_to(jnp.sum(oh, axis=1, keepdims=True), (G, DH))

    @pl.when(i == NB - 1)
    def _():
        sums = acc_ref[...]
        counts = cnt_ref[...][:, :1]
        hg = sums / jnp.maximum(counts, 1.0)
        nrm = jnp.sqrt(jnp.sum(hg * hg, axis=1, keepdims=True))
        hg = hg / jnp.maximum(nrm, 1e-12)
        out_ref[...] = _dot(hg, w2_ref[...]) + b2_ref[...]


def _full(shape):
    return pl.BlockSpec(shape, lambda i: tuple(0 for _ in shape))


def _rows(width):
    return pl.BlockSpec((BLK, width), lambda i: (i, 0))


_PSPEC = pl.BlockSpec((2, BLK, DH), lambda i: (0, i, 0))
_ESPEC = pl.BlockSpec((2, BLK, DE), lambda i: (0, i, 0))


def _tc1(x, w1, b1, a1, wn):
    return pl.pallas_call(
        _tc1_body,
        grid=(NB,),
        in_specs=[_rows(DF), _full((DF, DH)), _full((1, DH)), _full((1, 1)),
                  _full((DH, DH))],
        out_specs=[_rows(DH), _rows(DH)],
        out_shape=[jax.ShapeDtypeStruct((N, DH), jnp.float32),
                   jax.ShapeDtypeStruct((N, DH), jnp.bfloat16)],
    )(x, w1, b1, a1, wn)


def _tc2(h, p, e, wr, we, b, a, wn):
    return pl.pallas_call(
        _tc2_body,
        grid=(NB,),
        in_specs=[_rows(DH), _PSPEC, _ESPEC, _full((DH, DH)),
                  _full((DE, DH)), _full((1, DH)), _full((1, 1)),
                  _full((DH, DH))],
        out_specs=[_rows(DH), _rows(DH)],
        out_shape=[jax.ShapeDtypeStruct((N, DH), jnp.float32),
                   jax.ShapeDtypeStruct((N, DH), jnp.bfloat16)],
    )(h, p, e, wr, we, b, a, wn)


def _tc3(h, p, e, wr, we, b, a, bat, w2, b2):
    return pl.pallas_call(
        _tc3_body,
        grid=(NB,),
        in_specs=[_rows(DH), _PSPEC, _ESPEC, _full((DH, DH)),
                  _full((DE, DH)), _full((1, DH)), _full((1, 1)),
                  pl.BlockSpec((1, 1, BLK), lambda i: (i, 0, 0)),
                  _full((DH, DO)), _full((1, DO))],
        out_specs=_full((G, DO)),
        out_shape=jax.ShapeDtypeStruct((G, DO), jnp.float32),
        scratch_shapes=[pltpu.VMEM((G, DH), jnp.float32),
                        pltpu.VMEM((G, DH), jnp.float32)],
    )(h, p, e, wr, we, b, a, bat, w2, b2)



def kernel(x, edge_index, edge_attr, batch, fc1_W, fc1_b, a_fc1,
           gc1_Wr, gc1_Wn, gc1_We, gc1_b, a_gc1,
           gc2_Wr, gc2_Wn, gc2_We, gc2_b, a_gc2,
           fc2_W, fc2_b):
    src = edge_index[0]
    dst = edge_index[1]
    pad = EPAD - E
    cyc = jnp.arange(pad, dtype=jnp.int32)
    src_b = jnp.concatenate([src, cyc % N]).reshape(NTILES, C, GRP)
    dst_b = jnp.concatenate(
        [dst, N + (cyc % (NPAD - N))]).reshape(NTILES, C, GRP)
    ea_p = jnp.concatenate([edge_attr, jnp.zeros((pad, DE), jnp.float32)])
    zb = jnp.zeros((RPT, DH), jnp.bfloat16)
    z16 = jnp.zeros((RPT, DE), jnp.float32)
    bat3 = batch.reshape(NB, 1, BLK)

    b1 = fc1_b.reshape(1, DH)
    bg1 = gc1_b.reshape(1, DH)
    bg2 = gc2_b.reshape(1, DH)
    b2 = fc2_b.reshape(1, DO)
    a1 = a_fc1.reshape(1, 1)
    ag1 = a_gc1.reshape(1, 1)
    ag2 = a_gc2.reshape(1, 1)

    ea_call, scatter_call = _sc_calls()
    e16 = ea_call(ea_p, dst_b, z16)
    h0, hn1 = _tc1(x, fc1_W, b1, a1, gc1_Wn)
    dep = (e16[0, 0, 0] * 0.0).astype(jnp.int32)
    p1 = scatter_call(hn1, src_b + dep, dst_b, zb)
    h1, hn2 = _tc2(h0, p1, e16, gc1_Wr, gc1_We, bg1, ag1, gc2_Wn)
    p2 = scatter_call(hn2, src_b, dst_b, zb)
    out = _tc3(h1, p2, e16, gc2_Wr, gc2_We, bg2, ag2, bat3, fc2_W, b2)
    return out

# --- scband reference (transcript-rebuilt; emitter-appended) ---
"""Pipeline reference for scband-gnn-37769942401636 (READ-ONLY COPY).

The authoritative reference and input builder live on the scoring server;
editing this copy changes nothing except your own understanding.
"""

import jax, jax.numpy as jnp
import numpy as np

N = 10000
E = 320000
DF = 128
DH = 128
DO = 64
DE = 16
G = 64


def setup_inputs(seed: int = 0) -> dict:
    key = jax.random.key(seed)
    ks = jax.random.split(key, 20)
    x = jax.random.normal(ks[0], (N, DF), dtype=jnp.float32)
    edge_index = jax.random.randint(ks[1], (2, E), 0, N, dtype=jnp.int32)
    edge_attr = jax.random.normal(ks[2], (E, DE), dtype=jnp.float32)
    batch = jnp.sort(jax.random.randint(ks[3], (N,), 0, G, dtype=jnp.int32))
    s_df = 1.0 / np.sqrt(DF)
    s_dh = 1.0 / np.sqrt(DH)
    s_de = 1.0 / np.sqrt(DE)
    inp = {
        "x": x,
        "edge_index": edge_index,
        "edge_attr": edge_attr,
        "batch": batch,
        "fc1_W": jax.random.normal(ks[4], (DF, DH), dtype=jnp.float32) * s_df,
        "fc1_b": jnp.zeros((DH,), dtype=jnp.float32),
        "a_fc1": jnp.array(0.25, dtype=jnp.float32),
        "gc1_Wr": jax.random.normal(ks[5], (DH, DH), dtype=jnp.float32) * s_dh,
        "gc1_Wn": jax.random.normal(ks[6], (DH, DH), dtype=jnp.float32) * s_dh,
        "gc1_We": jax.random.normal(ks[7], (DE, DH), dtype=jnp.float32) * s_de,
        "gc1_b": jnp.zeros((DH,), dtype=jnp.float32),
        "a_gc1": jnp.array(0.25, dtype=jnp.float32),
        "gc2_Wr": jax.random.normal(ks[8], (DH, DH), dtype=jnp.float32) * s_dh,
        "gc2_Wn": jax.random.normal(ks[9], (DH, DH), dtype=jnp.float32) * s_dh,
        "gc2_We": jax.random.normal(ks[10], (DE, DH), dtype=jnp.float32) * s_de,
        "gc2_b": jnp.zeros((DH,), dtype=jnp.float32),
        "a_gc2": jnp.array(0.25, dtype=jnp.float32),
        "fc2_W": jax.random.normal(ks[11], (DH, DO), dtype=jnp.float32) * s_dh,
        "fc2_b": jnp.zeros((DO,), dtype=jnp.float32),
    }
    return inp


def reference(x, edge_index, edge_attr, batch, fc1_W, fc1_b, a_fc1,
              gc1_Wr, gc1_Wn, gc1_We, gc1_b, a_gc1,
              gc2_Wr, gc2_Wn, gc2_We, gc2_b, a_gc2,
              fc2_W, fc2_b):
    def prelu(v, a):
        return jnp.where(v >= 0, v, a * v)

    src = edge_index[0]
    dst = edge_index[1]

    def gc(h, Wr, Wn, We, b):
        # edge-conditioned message passing: gather src features,
        # transform with neighbor weight, add edge-attr projection,
        # scatter-add into destination nodes.
        msg = h[src] @ Wn + edge_attr @ We
        agg = jax.ops.segment_sum(msg, dst, num_segments=N)
        return h @ Wr + agg + b

    h = prelu(x @ fc1_W + fc1_b, a_fc1)
    h = prelu(gc(h, gc1_Wr, gc1_Wn, gc1_We, gc1_b), a_gc1)
    h = prelu(gc(h, gc2_Wr, gc2_Wn, gc2_We, gc2_b), a_gc2)

    # global mean pool per graph
    counts = jax.ops.segment_sum(jnp.ones((N, 1), dtype=h.dtype), batch, num_segments=G)
    hg = jax.ops.segment_sum(h, batch, num_segments=G) / jnp.maximum(counts, 1.0)
    # L2 normalize (p=2, dim=1)
    hg = hg / jnp.maximum(jnp.linalg.norm(hg, axis=1, keepdims=True), 1e-12)
    out = hg @ fc2_W + fc2_b
    return out

if __name__ == "__main__":
    import jax
    _d = setup_inputs()
    print(jax.jit(kernel)(*tuple(_d.values())))

</pallas_src>

<mosaic_0001>
#map = affine_map<(d0, d1) -> (0, 0)>
#map1 = affine_map<(d0, d1) -> (0, 0, 0)>
module attributes {stable_mosaic.version = 14 : i64} {
  func.func @_sc_scatter(%arg0: i32, %arg1: i32, %arg2: memref<10000x128xbf16, #tpu.memory_space<hbm>>, %arg3: memref<32x79x128xi32, #tpu.memory_space<hbm>>, %arg4: memref<32x79x128xi32, #tpu.memory_space<hbm>>, %arg5: memref<640x128xbf16, #tpu.memory_space<hbm>>, %arg6: memref<2x10240x128xbf16, #tpu.memory_space<hbm>>, %arg7: memref<79x128xi32, #tpu.memory_space<vmem>>, %arg8: memref<79x128xi32, #tpu.memory_space<vmem>>, %arg9: memref<128x128xbf16, #tpu.memory_space<vmem>>, %arg10: memref<128x128xbf16, #tpu.memory_space<vmem>>, %arg11: memref<128x128xbf16, #tpu.memory_space<vmem>>, %arg12: memref<128x128xbf16, #tpu.memory_space<vmem>>, %arg13: memref<128x128xbf16, #tpu.memory_space<vmem>>, %arg14: memref<128x128xbf16, #tpu.memory_space<vmem>>, %arg15: memref<10240x128xbf16, #tpu.memory_space<vmem_shared>>, %arg16: memref<!tpu.dma_semaphore, #tpu.memory_space<semaphore_mem>>, %arg17: memref<!tpu.dma_semaphore, #tpu.memory_space<semaphore_mem>>, %arg18: memref<!tpu.dma_semaphore, #tpu.memory_space<semaphore_mem>>, %arg19: memref<!tpu.dma_semaphore, #tpu.memory_space<semaphore_mem>>, %arg20: memref<!tpu.dma_semaphore, #tpu.memory_space<semaphore_mem>>, %arg21: memref<!tpu.dma_semaphore, #tpu.memory_space<semaphore_mem>>, %arg22: memref<!tpu.dma_semaphore, #tpu.memory_space<semaphore_mem>>, %arg23: memref<!tpu.dma_semaphore, #tpu.memory_space<semaphore_mem>>, %arg24: memref<!tpu.dma_semaphore, #tpu.memory_space<semaphore_mem>>, %arg25: memref<!tpu.dma_semaphore, #tpu.memory_space<semaphore_mem>>, %arg26: memref<!tpu.dma_semaphore, #tpu.memory_space<semaphore_mem>>, %arg27: memref<!tpu.dma_semaphore, #tpu.memory_space<semaphore_mem>>) attributes {dimension_semantics = [#tpu.dimension_semantics<core_parallel>, #tpu.dimension_semantics<subcore_parallel>], iteration_bounds = array<i64: 2, 16>, scalar_prefetch = 0 : i64, scratch_operands = 21 : i64, tpu.core_type = #tpu.core_type<sc_vector_subcore>, window_params = [{transform_indices = #map}, {transform_indices = #map1}, {transform_indices = #map1}, {transform_indices = #map}, {transform_indices = #map1}]} {
    %mul3A = arith.constant 16 : i32
    %mul3A_0 = arith.muli %arg0, %mul3A : i32
    %add3A = arith.addi %mul3A_0, %arg1 : i32
    "tpu.region"() ({
      %run_scoped3A = tpu.sem_alloc : memref<!tpu.dma_semaphore, #tpu.memory_space<semaphore_mem>>
      %dma_start3A_49 = arith.constant 0 : i32
      %dma_start3A_50 = arith.constant 0 : i32
      %dma_start3A_51 = tpu.memref_slice %arg3[%add3A, %dma_start3A_49, %dma_start3A_50] : memref<32x79x128xi32, #tpu.memory_space<hbm>> -> memref<1x79x128xi32, #tpu.memory_space<hbm>>
      %dma_start3A_52 = tpu.memref_squeeze %dma_start3A_51 : memref<1x79x128xi32, #tpu.memory_space<hbm>> -> memref<79x128xi32, #tpu.memory_space<hbm>>
      %dma_start3A_53 = arith.constant 0 : i32
      %dma_start3A_54 = arith.constant 0 : i32
      %dma_start3A_55 = tpu.memref_slice %arg3[%add3A, %dma_start3A_53, %dma_start3A_54] : memref<32x79x128xi32, #tpu.memory_space<hbm>> -> memref<1x79x128xi32, #tpu.memory_space<hbm>>
      %dma_start3A_56 = tpu.memref_squeeze %dma_start3A_55 : memref<1x79x128xi32, #tpu.memory_space<hbm>> -> memref<79x128xi32, #tpu.memory_space<hbm>>
      tpu.enqueue_dma source(%dma_start3A_56 : memref<79x128xi32, #tpu.memory_space<hbm>>) target(%arg7 : memref<79x128xi32, #tpu.memory_space<vmem>>) target_semaphore(%run_scoped3A : memref<!tpu.dma_semaphore, #tpu.memory_space<semaphore_mem>>)
      %dma_wait3A_57 = arith.constant 0 : i32
      %dma_wait3A_58 = arith.constant 0 : i32
      %dma_wait3A_59 = tpu.memref_slice %arg3[%add3A, %dma_wait3A_57, %dma_wait3A_58] : memref<32x79x128xi32, #tpu.memory_space<hbm>> -> memref<1x79x128xi32, #tpu.memory_space<hbm>>
      %dma_wait3A_60 = tpu.memref_squeeze %dma_wait3A_59 : memref<1x79x128xi32, #tpu.memory_space<hbm>> -> memref<79x128xi32, #tpu.memory_space<hbm>>
      %dma_wait3A_61 = arith.constant 0 : i32
      %dma_wait3A_62 = arith.constant 0 : i32
      %dma_wait3A_63 = tpu.memref_slice %arg3[%add3A, %dma_wait3A_61, %dma_wait3A_62] : memref<32x79x128xi32, #tpu.memory_space<hbm>> -> memref<1x79x128xi32, #tpu.memory_space<hbm>>
      %dma_wait3A_64 = tpu.memref_squeeze %dma_wait3A_63 : memref<1x79x128xi32, #tpu.memory_space<hbm>> -> memref<79x128xi32, #tpu.memory_space<hbm>>
      tpu.wait_dma2 semaphore(%run_scoped3A : memref<!tpu.dma_semaphore, #tpu.memory_space<semaphore_mem>>) src(%dma_wait3A_64 : memref<79x128xi32, #tpu.memory_space<hbm>>) dst(%arg7 : memref<79x128xi32, #tpu.memory_space<vmem>>)
      tpu.yield
    }) : () -> ()
    "tpu.region"() ({
      %run_scoped3A = tpu.sem_alloc : memref<!tpu.dma_semaphore, #tpu.memory_space<semaphore_mem>>
      %dma_start3A_49 = arith.constant 0 : i32
      %dma_start3A_50 = arith.constant 0 : i32
      %dma_start3A_51 = tpu.memref_slice %arg4[%add3A, %dma_start3A_49, %dma_start3A_50] : memref<32x79x128xi32, #tpu.memory_space<hbm>> -> memref<1x79x128xi32, #tpu.memory_space<hbm>>
      %dma_start3A_52 = tpu.memref_squeeze %dma_start3A_51 : memref<1x79x128xi32, #tpu.memory_space<hbm>> -> memref<79x128xi32, #tpu.memory_space<hbm>>
      %dma_start3A_53 = arith.constant 0 : i32
      %dma_start3A_54 = arith.constant 0 : i32
      %dma_start3A_55 = tpu.memref_slice %arg4[%add3A, %dma_start3A_53, %dma_start3A_54] : memref<32x79x128xi32, #tpu.memory_space<hbm>> -> memref<1x79x128xi32, #tpu.memory_space<hbm>>
      %dma_start3A_56 = tpu.memref_squeeze %dma_start3A_55 : memref<1x79x128xi32, #tpu.memory_space<hbm>> -> memref<79x128xi32, #tpu.memory_space<hbm>>
      tpu.enqueue_dma source(%dma_start3A_56 : memref<79x128xi32, #tpu.memory_space<hbm>>) target(%arg8 : memref<79x128xi32, #tpu.memory_space<vmem>>) target_semaphore(%run_scoped3A : memref<!tpu.dma_semaphore, #tpu.memory_space<semaphore_mem>>)
      %dma_wait3A_57 = arith.constant 0 : i32
      %dma_wait3A_58 = arith.constant 0 : i32
      %dma_wait3A_59 = tpu.memref_slice %arg4[%add3A, %dma_wait3A_57, %dma_wait3A_58] : memref<32x79x128xi32, #tpu.memory_space<hbm>> -> memref<1x79x128xi32, #tpu.memory_space<hbm>>
      %dma_wait3A_60 = tpu.memref_squeeze %dma_wait3A_59 : memref<1x79x128xi32, #tpu.memory_space<hbm>> -> memref<79x128xi32, #tpu.memory_space<hbm>>
      %dma_wait3A_61 = arith.constant 0 : i32
      %dma_wait3A_62 = arith.constant 0 : i32
      %dma_wait3A_63 = tpu.memref_slice %arg4[%add3A, %dma_wait3A_61, %dma_wait3A_62] : memref<32x79x128xi32, #tpu.memory_space<hbm>> -> memref<1x79x128xi32, #tpu.memory_space<hbm>>
      %dma_wait3A_64 = tpu.memref_squeeze %dma_wait3A_63 : memref<1x79x128xi32, #tpu.memory_space<hbm>> -> memref<79x128xi32, #tpu.memory_space<hbm>>
      tpu.wait_dma2 semaphore(%run_scoped3A : memref<!tpu.dma_semaphore, #tpu.memory_space<semaphore_mem>>) src(%dma_wait3A_64 : memref<79x128xi32, #tpu.memory_space<hbm>>) dst(%arg8 : memref<79x128xi32, #tpu.memory_space<vmem>>)
      tpu.yield
    }) : () -> ()
    %mul3A_1 = arith.constant 640 : i32
    %mul3A_2 = arith.muli %arg1, %mul3A_1 : i32
    "tpu.region"() ({
      %run_scoped3A = tpu.sem_alloc : memref<!tpu.dma_semaphore, #tpu.memory_space<semaphore_mem>>
      %dma_start3A_49 = arith.constant 0 : i32
      %dma_start3A_50 = tpu.memref_slice %arg15[%mul3A_2, %dma_start3A_49] : memref<10240x128xbf16, #tpu.memory_space<vmem_shared>> -> memref<640x128xbf16, #tpu.memory_space<vmem_shared>>
      tpu.enqueue_dma source(%arg5 : memref<640x128xbf16, #tpu.memory_space<hbm>>) target(%dma_start3A_50 : memref<640x128xbf16, #tpu.memory_space<vmem_shared>>) target_semaphore(%run_scoped3A : memref<!tpu.dma_semaphore, #tpu.memory_space<semaphore_mem>>)
      %dma_wait3A_51 = arith.constant 0 : i32
      %dma_wait3A_52 = tpu.memref_slice %arg15[%mul3A_2, %dma_wait3A_51] : memref<10240x128xbf16, #tpu.memory_space<vmem_shared>> -> memref<640x128xbf16, #tpu.memory_space<vmem_shared>>
      tpu.wait_dma2 semaphore(%run_scoped3A : memref<!tpu.dma_semaphore, #tpu.memory_space<semaphore_mem>>) src(%arg5 : memref<640x128xbf16, #tpu.memory_space<hbm>>) dst(%dma_wait3A_52 : memref<640x128xbf16, #tpu.memory_space<vmem_shared>>)
      tpu.yield
    }) : () -> ()
    %dma_start3A = arith.constant 0 : i32
    %dma_start3A_3 = arith.constant 0 : i32
    %dma_start3A_4 = tpu.memref_slice %arg7[%dma_start3A, %dma_start3A_3] : memref<79x128xi32, #tpu.memory_space<vmem>> -> memref<1x128xi32, #tpu.memory_space<vmem>>
    %dma_start3A_5 = tpu.memref_squeeze %dma_start3A_4 : memref<1x128xi32, #tpu.memory_space<vmem>> -> memref<128xi32, #tpu.memory_space<vmem>>
    %dma_start3A_6 = arith.constant 0 : i32
    %dma_start3A_7 = arith.constant 0 : i32
    %dma_start3A_8 = tpu.memref_slice %arg2[%dma_start3A_6, %dma_start3A_7] : memref<10000x128xbf16, #tpu.memory_space<hbm>> -> memref<10000x128xbf16, #tpu.memory_space<hbm>>
    tpu.enqueue_indirect_dma source(%dma_start3A_8 : memref<10000x128xbf16, #tpu.memory_space<hbm>>) target(%arg9 : memref<128x128xbf16, #tpu.memory_space<vmem>>) offsets(%dma_start3A_5 : memref<128xi32, #tpu.memory_space<vmem>>) semaphore(%arg16 : memref<!tpu.dma_semaphore, #tpu.memory_space<semaphore_mem>>)
    %dma_start3A_9 = arith.constant 1 : i32
    %dma_start3A_10 = arith.constant 0 : i32
    %dma_start3A_11 = tpu.memref_slice %arg7[%dma_start3A_9, %dma_start3A_10] : memref<79x128xi32, #tpu.memory_space<vmem>> -> memref<1x128xi32, #tpu.memory_space<vmem>>
    %dma_start3A_12 = tpu.memref_squeeze %dma_start3A_11 : memref<1x128xi32, #tpu.memory_space<vmem>> -> memref<128xi32, #tpu.memory_space<vmem>>
    %dma_start3A_13 = arith.constant 0 : i32
    %dma_start3A_14 = arith.constant 0 : i32
    %dma_start3A_15 = tpu.memref_slice %arg2[%dma_start3A_13, %dma_start3A_14] : memref<10000x128xbf16, #tpu.memory_space<hbm>> -> memref<10000x128xbf16, #tpu.memory_space<hbm>>
    tpu.enqueue_indirect_dma source(%dma_start3A_15 : memref<10000x128xbf16, #tpu.memory_space<hbm>>) target(%arg10 : memref<128x128xbf16, #tpu.memory_space<vmem>>) offsets(%dma_start3A_12 : memref<128xi32, #tpu.memory_space<vmem>>) semaphore(%arg17 : memref<!tpu.dma_semaphore, #tpu.memory_space<semaphore_mem>>)
    %dma_start3A_16 = arith.constant 2 : i32
    %dma_start3A_17 = arith.constant 0 : i32
    %dma_start3A_18 = tpu.memref_slice %arg7[%dma_start3A_16, %dma_start3A_17] : memref<79x128xi32, #tpu.memory_space<vmem>> -> memref<1x128xi32, #tpu.memory_space<vmem>>
    %dma_start3A_19 = tpu.memref_squeeze %dma_start3A_18 : memref<1x128xi32, #tpu.memory_space<vmem>> -> memref<128xi32, #tpu.memory_space<vmem>>
    %dma_start3A_20 = arith.constant 0 : i32
    %dma_start3A_21 = arith.constant 0 : i32
    %dma_start3A_22 = tpu.memref_slice %arg2[%dma_start3A_20, %dma_start3A_21] : memref<10000x128xbf16, #tpu.memory_space<hbm>> -> memref<10000x128xbf16, #tpu.memory_space<hbm>>
    tpu.enqueue_indirect_dma source(%dma_start3A_22 : memref<10000x128xbf16, #tpu.memory_space<hbm>>) target(%arg11 : memref<128x128xbf16, #tpu.memory_space<vmem>>) offsets(%dma_start3A_19 : memref<128xi32, #tpu.memory_space<vmem>>) semaphore(%arg18 : memref<!tpu.dma_semaphore, #tpu.memory_space<semaphore_mem>>)
    %dma_start3A_23 = arith.constant 3 : i32
    %dma_start3A_24 = arith.constant 0 : i32
    %dma_start3A_25 = tpu.memref_slice %arg7[%dma_start3A_23, %dma_start3A_24] : memref<79x128xi32, #tpu.memory_space<vmem>> -> memref<1x128xi32, #tpu.memory_space<vmem>>
    %dma_start3A_26 = tpu.memref_squeeze %dma_start3A_25 : memref<1x128xi32, #tpu.memory_space<vmem>> -> memref<128xi32, #tpu.memory_space<vmem>>
    %dma_start3A_27 = arith.constant 0 : i32
    %dma_start3A_28 = arith.constant 0 : i32
    %dma_start3A_29 = tpu.memref_slice %arg2[%dma_start3A_27, %dma_start3A_28] : memref<10000x128xbf16, #tpu.memory_space<hbm>> -> memref<10000x128xbf16, #tpu.memory_space<hbm>>
    tpu.enqueue_indirect_dma source(%dma_start3A_29 : memref<10000x128xbf16, #tpu.memory_space<hbm>>) target(%arg12 : memref<128x128xbf16, #tpu.memory_space<vmem>>) offsets(%dma_start3A_26 : memref<128xi32, #tpu.memory_space<vmem>>) semaphore(%arg19 : memref<!tpu.dma_semaphore, #tpu.memory_space<semaphore_mem>>)
    %barrier3A = arith.constant 0 : index
    tpu.barrier barrier_id(%barrier3A)
    %scan3A = arith.constant 0 : i32
    %scan3A_30 = arith.constant 0 : i32
    %scan3A_31 = arith.constant 14 : i32
    %scan3A_32 = arith.addi %scan3A_30, %scan3A_31 : i32
    %scan3A_33 = arith.constant 1 : i32
    scf.for %scan3A_49 = %scan3A_30 to %scan3A_32 step %scan3A_33  : i32 {
      %mul3A_50 = arith.constant 6 : i32
      %mul3A_51 = arith.muli %scan3A_49, %mul3A_50 : i32
      %dma_wait3A_52 = arith.constant 0 : i32
      %dma_wait3A_53 = arith.constant 0 : i32
      %dma_wait3A_54 = tpu.memref_slice %arg7[%dma_wait3A_52, %dma_wait3A_53] : memref<79x128xi32, #tpu.memory_space<vmem>> -> memref<1x128xi32, #tpu.memory_space<vmem>>
      %dma_wait3A_55 = tpu.memref_squeeze %dma_wait3A_54 : memref<1x128xi32, #tpu.memory_space<vmem>> -> memref<128xi32, #tpu.memory_space<vmem>>
      %dma_wait3A_56 = arith.constant 0 : i32
      %dma_wait3A_57 = arith.constant 0 : i32
      %dma_wait3A_58 = tpu.memref_slice %arg2[%dma_wait3A_56, %dma_wait3A_57] : memref<10000x128xbf16, #tpu.memory_space<hbm>> -> memref<10000x128xbf16, #tpu.memory_space<hbm>>
      tpu.wait_indirect_dma semaphore(%arg16 : memref<!tpu.dma_semaphore, #tpu.memory_space<semaphore_mem>>) src(%dma_wait3A_58 : memref<10000x128xbf16, #tpu.memory_space<hbm>>) dst(%arg9 : memref<128x128xbf16, #tpu.memory_space<vmem>>)
      %ge3A = arith.constant 2 : i32
      %ge3A_59 = arith.cmpi sge, %mul3A_51, %ge3A : i32
      %convert_element_type3A = arith.extui %ge3A_59 : i1 to i32
      %cond3A = arith.constant 0 : i32
      %cond3A_60 = arith.cmpi ne, %convert_element_type3A, %cond3A : i32
      scf.if %cond3A_60 {
        %dma_wait3A_108 = arith.constant 0 : i32
        %dma_wait3A_109 = arith.constant 0 : i32
        %dma_wait3A_110 = tpu.memref_slice %arg8[%dma_wait3A_108, %dma_wait3A_109] : memref<79x128xi32, #tpu.memory_space<vmem>> -> memref<1x128xi32, #tpu.memory_space<vmem>>
        %dma_wait3A_111 = tpu.memref_squeeze %dma_wait3A_110 : memref<1x128xi32, #tpu.memory_space<vmem>> -> memref<128xi32, #tpu.memory_space<vmem>>
        %dma_wait3A_112 = arith.constant 0 : i32
        %dma_wait3A_113 = arith.constant 0 : i32
        %dma_wait3A_114 = tpu.memref_slice %arg15[%dma_wait3A_112, %dma_wait3A_113] : memref<10240x128xbf16, #tpu.memory_space<vmem_shared>> -> memref<10240x128xbf16, #tpu.memory_space<vmem_shared>>
        tpu.wait_indirect_dma semaphore(%arg26 : memref<!tpu.dma_semaphore, #tpu.memory_space<semaphore_mem>>) src(%arg13 : memref<128x128xbf16, #tpu.memory_space<vmem>>) dst(%dma_wait3A_114 : memref<10240x128xbf16, #tpu.memory_space<vmem_shared>>)
      } else {
      }
      %dma_start3A_61 = arith.constant 0 : i32
      %dma_start3A_62 = tpu.memref_slice %arg8[%mul3A_51, %dma_start3A_61] : memref<79x128xi32, #tpu.memory_space<vmem>> -> memref<1x128xi32, #tpu.memory_space<vmem>>
      %dma_start3A_63 = tpu.memref_squeeze %dma_start3A_62 : memref<1x128xi32, #tpu.memory_space<vmem>> -> memref<128xi32, #tpu.memory_space<vmem>>
      %dma_start3A_64 = arith.constant 0 : i32
      %dma_start3A_65 = arith.constant 0 : i32
      %dma_start3A_66 = tpu.memref_slice %arg15[%dma_start3A_64, %dma_start3A_65] : memref<10240x128xbf16, #tpu.memory_space<vmem_shared>> -> memref<10240x128xbf16, #tpu.memory_space<vmem_shared>>
      tpu.enqueue_indirect_dma source(%arg9 : memref<128x128xbf16, #tpu.memory_space<vmem>>) target(%dma_start3A_66 : memref<10240x128xbf16, #tpu.memory_space<vmem_shared>>) offsets(%dma_start3A_63 : memref<128xi32, #tpu.memory_space<vmem>>) semaphore(%arg22 : memref<!tpu.dma_semaphore, #tpu.memory_space<semaphore_mem>>) {add = true}
      %add3A_67 = arith.constant 4 : i32
      %add3A_68 = arith.addi %mul3A_51, %add3A_67 : i32
      %lt3A = arith.constant 79 : i32
      %lt3A_69 = arith.cmpi slt, %add3A_68, %lt3A : i32
      %convert_element_type3A_70 = arith.extui %lt3A_69 : i1 to i32
      %cond3A_71 = arith.constant 0 : i32
      %cond3A_72 = arith.cmpi ne, %convert_element_type3A_70, %cond3A_71 : i32
      scf.if %cond3A_72 {
        %add3A_108 = arith.constant 4 : i32
        %add3A_109 = arith.addi %mul3A_51, %add3A_108 : i32
        %dma_start3A_110 = arith.constant 0 : i32
        %dma_start3A_111 = tpu.memref_slice %arg7[%add3A_109, %dma_start3A_110] : memref<79x128xi32, #tpu.memory_space<vmem>> -> memref<1x128xi32, #tpu.memory_space<vmem>>
        %dma_start3A_112 = tpu.memref_squeeze %dma_start3A_111 : memref<1x128xi32, #tpu.memory_space<vmem>> -> memref<128xi32, #tpu.memory_space<vmem>>
        %dma_start3A_113 = arith.constant 0 : i32
        %dma_start3A_114 = arith.constant 0 : i32
        %dma_start3A_115 = tpu.memref_slice %arg2[%dma_start3A_113, %dma_start3A_114] : memref<10000x128xbf16, #tpu.memory_space<hbm>> -> memref<10000x128xbf16, #tpu.memory_space<hbm>>
        tpu.enqueue_indirect_dma source(%dma_start3A_115 : memref<10000x128xbf16, #tpu.memory_space<hbm>>) target(%arg13 : memref<128x128xbf16, #tpu.memory_space<vmem>>) offsets(%dma_start3A_112 : memref<128xi32, #tpu.memory_space<vmem>>) semaphore(%arg20 : memref<!tpu.dma_semaphore, #tpu.memory_space<semaphore_mem>>)
      } else {
      }
      %add3A_73 = arith.constant 1 : i32
      %add3A_74 = arith.addi %mul3A_51, %add3A_73 : i32
      %lt3A_75 = arith.constant 79 : i32
      %lt3A_76 = arith.cmpi slt, %add3A_74, %lt3A_75 : i32
      %convert_element_type3A_77 = arith.extui %lt3A_76 : i1 to i32
      %cond3A_78 = arith.constant 0 : i32
      %cond3A_79 = arith.cmpi ne, %convert_element_type3A_77, %cond3A_78 : i32
      scf.if %cond3A_79 {
        %add3A_108 = arith.constant 1 : i32
        %add3A_109 = arith.addi %mul3A_51, %add3A_108 : i32
        %dma_wait3A_110 = arith.constant 0 : i32
        %dma_wait3A_111 = arith.constant 0 : i32
        %dma_wait3A_112 = tpu.memref_slice %arg7[%dma_wait3A_110, %dma_wait3A_111] : memref<79x128xi32, #tpu.memory_space<vmem>> -> memref<1x128xi32, #tpu.memory_space<vmem>>
        %dma_wait3A_113 = tpu.memref_squeeze %dma_wait3A_112 : memref<1x128xi32, #tpu.memory_space<vmem>> -> memref<128xi32, #tpu.memory_space<vmem>>
        %dma_wait3A_114 = arith.constant 0 : i32
        %dma_wait3A_115 = arith.constant 0 : i32
        %dma_wait3A_116 = tpu.memref_slice %arg2[%dma_wait3A_114, %dma_wait3A_115] : memref<10000x128xbf16, #tpu.memory_space<hbm>> -> memref<10000x128xbf16, #tpu.memory_space<hbm>>
        tpu.wait_indirect_dma semaphore(%arg17 : memref<!tpu.dma_semaphore, #tpu.memory_space<semaphore_mem>>) src(%dma_wait3A_116 : memref<10000x128xbf16, #tpu.memory_space<hbm>>) dst(%arg10 : memref<128x128xbf16, #tpu.memory_space<vmem>>)
        %ge3A_117 = arith.constant 2 : i32
        %ge3A_118 = arith.cmpi sge, %add3A_109, %ge3A_117 : i32
        %convert_element_type3A_119 = arith.extui %ge3A_118 : i1 to i32
        %cond3A_120 = arith.constant 0 : i32
        %cond3A_121 = arith.cmpi ne, %convert_element_type3A_119, %cond3A_120 : i32
        scf.if %cond3A_121 {
          %dma_wait3A_135 = arith.constant 0 : i32
          %dma_wait3A_136 = arith.constant 0 : i32
          %dma_wait3A_137 = tpu.memref_slice %arg8[%dma_wait3A_135, %dma_wait3A_136] : memref<79x128xi32, #tpu.memory_space<vmem>> -> memref<1x128xi32, #tpu.memory_space<vmem>>
          %dma_wait3A_138 = tpu.memref_squeeze %dma_wait3A_137 : memref<1x128xi32, #tpu.memory_space<vmem>> -> memref<128xi32, #tpu.memory_space<vmem>>
          %dma_wait3A_139 = arith.constant 0 : i32
          %dma_wait3A_140 = arith.constant 0 : i32
          %dma_wait3A_141 = tpu.memref_slice %arg15[%dma_wait3A_139, %dma_wait3A_140] : memref<10240x128xbf16, #tpu.memory_space<vmem_shared>> -> memref<10240x128xbf16, #tpu.memory_space<vmem_shared>>
          tpu.wait_indirect_dma semaphore(%arg27 : memref<!tpu.dma_semaphore, #tpu.memory_space<semaphore_mem>>) src(%arg14 : memref<128x128xbf16, #tpu.memory_space<vmem>>) dst(%dma_wait3A_141 : memref<10240x128xbf16, #tpu.memory_space<vmem_shared>>)
        } else {
        }
        %dma_start3A_122 = arith.constant 0 : i32
        %dma_start3A_123 = tpu.memref_slice %arg8[%add3A_109, %dma_start3A_122] : memref<79x128xi32, #tpu.memory_space<vmem>> -> memref<1x128xi32, #tpu.memory_space<vmem>>
        %dma_start3A_124 = tpu.memref_squeeze %dma_start3A_123 : memref<1x128xi32, #tpu.memory_space<vmem>> -> memref<128xi32, #tpu.memory_space<vmem>>
        %dma_start3A_125 = arith.constant 0 : i32
        %dma_start3A_126 = arith.constant 0 : i32
        %dma_start3A_127 = tpu.memref_slice %arg15[%dma_start3A_125, %dma_start3A_126] : memref<10240x128xbf16, #tpu.memory_space<vmem_shared>> -> memref<10240x128xbf16, #tpu.memory_space<vmem_shared>>
        tpu.enqueue_indirect_dma source(%arg10 : memref<128x128xbf16, #tpu.memory_space<vmem>>) target(%dma_start3A_127 : memref<10240x128xbf16, #tpu.memory_space<vmem_shared>>) offsets(%dma_start3A_124 : memref<128xi32, #tpu.memory_space<vmem>>) semaphore(%arg23 : memref<!tpu.dma_semaphore, #tpu.memory_space<semaphore_mem>>) {add = true}
        %add3A_128 = arith.constant 4 : i32
        %add3A_129 = arith.addi %add3A_109, %add3A_128 : i32
        %lt3A_130 = arith.constant 79 : i32
        %lt3A_131 = arith.cmpi slt, %add3A_129, %lt3A_130 : i32
        %convert_element_type3A_132 = arith.extui %lt3A_131 : i1 to i32
        %cond3A_133 = arith.constant 0 : i32
        %cond3A_134 = arith.cmpi ne, %convert_element_type3A_132, %cond3A_133 : i32
        scf.if %cond3A_134 {
          %add3A_135 = arith.constant 4 : i32
          %add3A_136 = arith.addi %add3A_109, %add3A_135 : i32
          %dma_start3A_137 = arith.constant 0 : i32
          %dma_start3A_138 = tpu.memref_slice %arg7[%add3A_136, %dma_start3A_137] : memref<79x128xi32, #tpu.memory_space<vmem>> -> memref<1x128xi32, #tpu.memory_space<vmem>>
          %dma_start3A_139 = tpu.memref_squeeze %dma_start3A_138 : memref<1x128xi32, #tpu.memory_space<vmem>> -> memref<128xi32, #tpu.memory_space<vmem>>
          %dma_start3A_140 = arith.constant 0 : i32
          %dma_start3A_141 = arith.constant 0 : i32
          %dma_start3A_142 = tpu.memref_slice %arg2[%dma_start3A_140, %dma_start3A_141] : memref<10000x128xbf16, #tpu.memory_space<hbm>> -> memref<10000x128xbf16, #tpu.memory_space<hbm>>
          tpu.enqueue_indirect_dma source(%dma_start3A_142 : memref<10000x128xbf16, #tpu.memory_space<hbm>>) target(%arg14 : memref<128x128xbf16, #tpu.memory_space<vmem>>) offsets(%dma_start3A_139 : memref<128xi32, #tpu.memory_space<vmem>>) semaphore(%arg21 : memref<!tpu.dma_semaphore, #tpu.memory_space<semaphore_mem>>)
        } else {
        }
      } else {
      }
      %add3A_80 = arith.constant 2 : i32
      %add3A_81 = arith.addi %mul3A_51, %add3A_80 : i32
      %lt3A_82 = arith.constant 79 : i32
      %lt3A_83 = arith.cmpi slt, %add3A_81, %lt3A_82 : i32
      %convert_element_type3A_84 = arith.extui %lt3A_83 : i1 to i32
      %cond3A_85 = arith.constant 0 : i32
      %cond3A_86 = arith.cmpi ne, %convert_element_type3A_84, %cond3A_85 : i32
      scf.if %cond3A_86 {
        %add3A_108 = arith.constant 2 : i32
        %add3A_109 = arith.addi %mul3A_51, %add3A_108 : i32
        %dma_wait3A_110 = arith.constant 0 : i32
        %dma_wait3A_111 = arith.constant 0 : i32
        %dma_wait3A_112 = tpu.memref_slice %arg7[%dma_wait3A_110, %dma_wait3A_111] : memref<79x128xi32, #tpu.memory_space<vmem>> -> memref<1x128xi32, #tpu.memory_space<vmem>>
        %dma_wait3A_113 = tpu.memref_squeeze %dma_wait3A_112 : memref<1x128xi32, #tpu.memory_space<vmem>> -> memref<128xi32, #tpu.memory_space<vmem>>
        %dma_wait3A_114 = arith.constant 0 : i32
        %dma_wait3A_115 = arith.constant 0 : i32
        %dma_wait3A_116 = tpu.memref_slice %arg2[%dma_wait3A_114, %dma_wait3A_115] : memref<10000x128xbf16, #tpu.memory_space<hbm>> -> memref<10000x128xbf16, #tpu.memory_space<hbm>>
        tpu.wait_indirect_dma semaphore(%arg18 : memref<!tpu.dma_semaphore, #tpu.memory_space<semaphore_mem>>) src(%dma_wait3A_116 : memref<10000x128xbf16, #tpu.memory_space<hbm>>) dst(%arg11 : memref<128x128xbf16, #tpu.memory_space<vmem>>)
        %ge3A_117 = arith.constant 2 : i32
        %ge3A_118 = arith.cmpi sge, %add3A_109, %ge3A_117 : i32
        %convert_element_type3A_119 = arith.extui %ge3A_118 : i1 to i32
        %cond3A_120 = arith.constant 0 : i32
        %cond3A_121 = arith.cmpi ne, %convert_element_type3A_119, %cond3A_120 : i32
        scf.if %cond3A_121 {
          %dma_wait3A_135 = arith.constant 0 : i32
          %dma_wait3A_136 = arith.constant 0 : i32
          %dma_wait3A_137 = tpu.memref_slice %arg8[%dma_wait3A_135, %dma_wait3A_136] : memref<79x128xi32, #tpu.memory_space<vmem>> -> memref<1x128xi32, #tpu.memory_space<vmem>>
          %dma_wait3A_138 = tpu.memref_squeeze %dma_wait3A_137 : memref<1x128xi32, #tpu.memory_space<vmem>> -> memref<128xi32, #tpu.memory_space<vmem>>
          %dma_wait3A_139 = arith.constant 0 : i32
          %dma_wait3A_140 = arith.constant 0 : i32
          %dma_wait3A_141 = tpu.memref_slice %arg15[%dma_wait3A_139, %dma_wait3A_140] : memref<10240x128xbf16, #tpu.memory_space<vmem_shared>> -> memref<10240x128xbf16, #tpu.memory_space<vmem_shared>>
          tpu.wait_indirect_dma semaphore(%arg22 : memref<!tpu.dma_semaphore, #tpu.memory_space<semaphore_mem>>) src(%arg9 : memref<128x128xbf16, #tpu.memory_space<vmem>>) dst(%dma_wait3A_141 : memref<10240x128xbf16, #tpu.memory_space<vmem_shared>>)
        } else {
        }
        %dma_start3A_122 = arith.constant 0 : i32
        %dma_start3A_123 = tpu.memref_slice %arg8[%add3A_109, %dma_start3A_122] : memref<79x128xi32, #tpu.memory_space<vmem>> -> memref<1x128xi32, #tpu.memory_space<vmem>>
        %dma_start3A_124 = tpu.memref_squeeze %dma_start3A_123 : memref<1x128xi32, #tpu.memory_space<vmem>> -> memref<128xi32, #tpu.memory_space<vmem>>
        %dma_start3A_125 = arith.constant 0 : i32
        %dma_start3A_126 = arith.constant 0 : i32
        %dma_start3A_127 = tpu.memref_slice %arg15[%dma_start3A_125, %dma_start3A_126] : memref<10240x128xbf16, #tpu.memory_space<vmem_shared>> -> memref<10240x128xbf16, #tpu.memory_space<vmem_shared>>
        tpu.enqueue_indirect_dma source(%arg11 : memref<128x128xbf16, #tpu.memory_space<vmem>>) target(%dma_start3A_127 : memref<10240x128xbf16, #tpu.memory_space<vmem_shared>>) offsets(%dma_start3A_124 : memref<128xi32, #tpu.memory_space<vmem>>) semaphore(%arg24 : memref<!tpu.dma_semaphore, #tpu.memory_space<semaphore_mem>>) {add = true}
        %add3A_128 = arith.constant 4 : i32
        %add3A_129 = arith.addi %add3A_109, %add3A_128 : i32
        %lt3A_130 = arith.constant 79 : i32
        %lt3A_131 = arith.cmpi slt, %add3A_129, %lt3A_130 : i32
        %convert_element_type3A_132 = arith.extui %lt3A_131 : i1 to i32
        %cond3A_133 = arith.constant 0 : i32
        %cond3A_134 = arith.cmpi ne, %convert_element_type3A_132, %cond3A_133 : i32
        scf.if %cond3A_134 {
          %add3A_135 = arith.constant 4 : i32
          %add3A_136 = arith.addi %add3A_109, %add3A_135 : i32
          %dma_start3A_137 = arith.constant 0 : i32
          %dma_start3A_138 = tpu.memref_slice %arg7[%add3A_136, %dma_start3A_137] : memref<79x128xi32, #tpu.memory_space<vmem>> -> memref<1x128xi32, #tpu.memory_space<vmem>>
          %dma_start3A_139 = tpu.memref_squeeze %dma_start3A_138 : memref<1x128xi32, #tpu.memory_space<vmem>> -> memref<128xi32, #tpu.memory_space<vmem>>
          %dma_start3A_140 = arith.constant 0 : i32
          %dma_start3A_141 = arith.constant 0 : i32
          %dma_start3A_142 = tpu.memref_slice %arg2[%dma_start3A_140, %dma_start3A_141] : memref<10000x128xbf16, #tpu.memory_space<hbm>> -> memref<10000x128xbf16, #tpu.memory_space<hbm>>
          tpu.enqueue_indirect_dma source(%dma_start3A_142 : memref<10000x128xbf16, #tpu.memory_space<hbm>>) target(%arg9 : memref<128x128xbf16, #tpu.memory_space<vmem>>) offsets(%dma_start3A_139 : memref<128xi32, #tpu.memory_space<vmem>>) semaphore(%arg16 : memref<!tpu.dma_semaphore, #tpu.memory_space<semaphore_mem>>)
        } else {
        }
      } else {
      }
      %add3A_87 = arith.constant 3 : i32
      %add3A_88 = arith.addi %mul3A_51, %add3A_87 : i32
      %lt3A_89 = arith.constant 79 : i32
      %lt3A_90 = arith.cmpi slt, %add3A_88, %lt3A_89 : i32
      %convert_element_type3A_91 = arith.extui %lt3A_90 : i1 to i32
      %cond3A_92 = arith.constant 0 : i32
      %cond3A_93 = arith.cmpi ne, %convert_element_type3A_91, %cond3A_92 : i32
      scf.if %cond3A_93 {
        %add3A_108 = arith.constant 3 : i32
        %add3A_109 = arith.addi %mul3A_51, %add3A_108 : i32
        %dma_wait3A_110 = arith.constant 0 : i32
        %dma_wait3A_111 = arith.constant 0 : i32
        %dma_wait3A_112 = tpu.memref_slice %arg7[%dma_wait3A_110, %dma_wait3A_111] : memref<79x128xi32, #tpu.memory_space<vmem>> -> memref<1x128xi32, #tpu.memory_space<vmem>>
        %dma_wait3A_113 = tpu.memref_squeeze %dma_wait3A_112 : memref<1x128xi32, #tpu.memory_space<vmem>> -> memref<128xi32, #tpu.memory_space<vmem>>
        %dma_wait3A_114 = arith.constant 0 : i32
        %dma_wait3A_115 = arith.constant 0 : i32
        %dma_wait3A_116 = tpu.memref_slice %arg2[%dma_wait3A_114, %dma_wait3A_115] : memref<10000x128xbf16, #tpu.memory_space<hbm>> -> memref<10000x128xbf16, #tpu.memory_space<hbm>>
        tpu.wait_indirect_dma semaphore(%arg19 : memref<!tpu.dma_semaphore, #tpu.memory_space<semaphore_mem>>) src(%dma_wait3A_116 : memref<10000x128xbf16, #tpu.memory_space<hbm>>) dst(%arg12 : memref<128x128xbf16, #tpu.memory_space<vmem>>)
        %ge3A_117 = arith.constant 2 : i32
        %ge3A_118 = arith.cmpi sge, %add3A_109, %ge3A_117 : i32
        %convert_element_type3A_119 = arith.extui %ge3A_118 : i1 to i32
        %cond3A_120 = arith.constant 0 : i32
        %cond3A_121 = arith.cmpi ne, %convert_element_type3A_119, %cond3A_120 : i32
        scf.if %cond3A_121 {
          %dma_wait3A_135 = arith.constant 0 : i32
          %dma_wait3A_136 = arith.constant 0 : i32
          %dma_wait3A_137 = tpu.memref_slice %arg8[%dma_wait3A_135, %dma_wait3A_136] : memref<79x128xi32, #tpu.memory_space<vmem>> -> memref<1x128xi32, #tpu.memory_space<vmem>>
          %dma_wait3A_138 = tpu.memref_squeeze %dma_wait3A_137 : memref<1x128xi32, #tpu.memory_space<vmem>> -> memref<128xi32, #tpu.memory_space<vmem>>
          %dma_wait3A_139 = arith.constant 0 : i32
          %dma_wait3A_140 = arith.constant 0 : i32
          %dma_wait3A_141 = tpu.memref_slice %arg15[%dma_wait3A_139, %dma_wait3A_140] : memref<10240x128xbf16, #tpu.memory_space<vmem_shared>> -> memref<10240x128xbf16, #tpu.memory_space<vmem_shared>>
          tpu.wait_indirect_dma semaphore(%arg23 : memref<!tpu.dma_semaphore, #tpu.memory_space<semaphore_mem>>) src(%arg10 : memref<128x128xbf16, #tpu.memory_space<vmem>>) dst(%dma_wait3A_141 : memref<10240x128xbf16, #tpu.memory_space<vmem_shared>>)
        } else {
        }
        %dma_start3A_122 = arith.constant 0 : i32
        %dma_start3A_123 = tpu.memref_slice %arg8[%add3A_109, %dma_start3A_122] : memref<79x128xi32, #tpu.memory_space<vmem>> -> memref<1x128xi32, #tpu.memory_space<vmem>>
        %dma_start3A_124 = tpu.memref_squeeze %dma_start3A_123 : memref<1x128xi32, #tpu.memory_space<vmem>> -> memref<128xi32, #tpu.memory_space<vmem>>
        %dma_start3A_125 = arith.constant 0 : i32
        %dma_start3A_126 = arith.constant 0 : i32
        %dma_start3A_127 = tpu.memref_slice %arg15[%dma_start3A_125, %dma_start3A_126] : memref<10240x128xbf16, #tpu.memory_space<vmem_shared>> -> memref<10240x128xbf16, #tpu.memory_space<vmem_shared>>
        tpu.enqueue_indirect_dma source(%arg12 : memref<128x128xbf16, #tpu.memory_space<vmem>>) target(%dma_start3A_127 : memref<10240x128xbf16, #tpu.memory_space<vmem_shared>>) offsets(%dma_start3A_124 : memref<128xi32, #tpu.memory_space<vmem>>) semaphore(%arg25 : memref<!tpu.dma_semaphore, #tpu.memory_space<semaphore_mem>>) {add = true}
        %add3A_128 = arith.constant 4 : i32
        %add3A_129 = arith.addi %add3A_109, %add3A_128 : i32
        %lt3A_130 = arith.constant 79 : i32
        %lt3A_131 = arith.cmpi slt, %add3A_129, %lt3A_130 : i32
        %convert_element_type3A_132 = arith.extui %lt3A_131 : i1 to i32
        %cond3A_133 = arith.constant 0 : i32
        %cond3A_134 = arith.cmpi ne, %convert_element_type3A_132, %cond3A_133 : i32
        scf.if %cond3A_134 {
          %add3A_135 = arith.constant 4 : i32
          %add3A_136 = arith.addi %add3A_109, %add3A_135 : i32
          %dma_start3A_137 = arith.constant 0 : i32
          %dma_start3A_138 = tpu.memref_slice %arg7[%add3A_136, %dma_start3A_137] : memref<79x128xi32, #tpu.memory_space<vmem>> -> memref<1x128xi32, #tpu.memory_space<vmem>>
          %dma_start3A_139 = tpu.memref_squeeze %dma_start3A_138 : memref<1x128xi32, #tpu.memory_space<vmem>> -> memref<128xi32, #tpu.memory_space<vmem>>
          %dma_start3A_140 = arith.constant 0 : i32
          %dma_start3A_141 = arith.constant 0 : i32
          %dma_start3A_142 = tpu.memref_slice %arg2[%dma_start3A_140, %dma_start3A_141] : memref<10000x128xbf16, #tpu.memory_space<hbm>> -> memref<10000x128xbf16, #tpu.memory_space<hbm>>
          tpu.enqueue_indirect_dma source(%dma_start3A_142 : memref<10000x128xbf16, #tpu.memory_space<hbm>>) target(%arg10 : memref<128x128xbf16, #tpu.memory_space<vmem>>) offsets(%dma_start3A_139 : memref<128xi32, #tpu.memory_space<vmem>>) semaphore(%arg17 : memref<!tpu.dma_semaphore, #tpu.memory_space<semaphore_mem>>)
        } else {
        }
      } else {
      }
      %add3A_94 = arith.constant 4 : i32
      %add3A_95 = arith.addi %mul3A_51, %add3A_94 : i32
      %lt3A_96 = arith.constant 79 : i32
      %lt3A_97 = arith.cmpi slt, %add3A_95, %lt3A_96 : i32
      %convert_element_type3A_98 = arith.extui %lt3A_97 : i1 to i32
      %cond3A_99 = arith.constant 0 : i32
      %cond3A_100 = arith.cmpi ne, %convert_element_type3A_98, %cond3A_99 : i32
      scf.if %cond3A_100 {
        %add3A_108 = arith.constant 4 : i32
        %add3A_109 = arith.addi %mul3A_51, %add3A_108 : i32
        %dma_wait3A_110 = arith.constant 0 : i32
        %dma_wait3A_111 = arith.constant 0 : i32
        %dma_wait3A_112 = tpu.memref_slice %arg7[%dma_wait3A_110, %dma_wait3A_111] : memref<79x128xi32, #tpu.memory_space<vmem>> -> memref<1x128xi32, #tpu.memory_space<vmem>>
        %dma_wait3A_113 = tpu.memref_squeeze %dma_wait3A_112 : memref<1x128xi32, #tpu.memory_space<vmem>> -> memref<128xi32, #tpu.memory_space<vmem>>
        %dma_wait3A_114 = arith.constant 0 : i32
        %dma_wait3A_115 = arith.constant 0 : i32
        %dma_wait3A_116 = tpu.memref_slice %arg2[%dma_wait3A_114, %dma_wait3A_115] : memref<10000x128xbf16, #tpu.memory_space<hbm>> -> memref<10000x128xbf16, #tpu.memory_space<hbm>>
        tpu.wait_indirect_dma semaphore(%arg20 : memref<!tpu.dma_semaphore, #tpu.memory_space<semaphore_mem>>) src(%dma_wait3A_116 : memref<10000x128xbf16, #tpu.memory_space<hbm>>) dst(%arg13 : memref<128x128xbf16, #tpu.memory_space<vmem>>)
        %ge3A_117 = arith.constant 2 : i32
        %ge3A_118 = arith.cmpi sge, %add3A_109, %ge3A_117 : i32
        %convert_element_type3A_119 = arith.extui %ge3A_118 : i1 to i32
        %cond3A_120 = arith.constant 0 : i32
        %cond3A_121 = arith.cmpi ne, %convert_element_type3A_119, %cond3A_120 : i32
        scf.if %cond3A_121 {
          %dma_wait3A_135 = arith.constant 0 : i32
          %dma_wait3A_136 = arith.constant 0 : i32
          %dma_wait3A_137 = tpu.memref_slice %arg8[%dma_wait3A_135, %dma_wait3A_136] : memref<79x128xi32, #tpu.memory_space<vmem>> -> memref<1x128xi32, #tpu.memory_space<vmem>>
          %dma_wait3A_138 = tpu.memref_squeeze %dma_wait3A_137 : memref<1x128xi32, #tpu.memory_space<vmem>> -> memref<128xi32, #tpu.memory_space<vmem>>
          %dma_wait3A_139 = arith.constant 0 : i32
          %dma_wait3A_140 = arith.constant 0 : i32
          %dma_wait3A_141 = tpu.memref_slice %arg15[%dma_wait3A_139, %dma_wait3A_140] : memref<10240x128xbf16, #tpu.memory_space<vmem_shared>> -> memref<10240x128xbf16, #tpu.memory_space<vmem_shared>>
          tpu.wait_indirect_dma semaphore(%arg24 : memref<!tpu.dma_semaphore, #tpu.memory_space<semaphore_mem>>) src(%arg11 : memref<128x128xbf16, #tpu.memory_space<vmem>>) dst(%dma_wait3A_141 : memref<10240x128xbf16, #tpu.memory_space<vmem_shared>>)
        } else {
        }
        %dma_start3A_122 = arith.constant 0 : i32
        %dma_start3A_123 = tpu.memref_slice %arg8[%add3A_109, %dma_start3A_122] : memref<79x128xi32, #tpu.memory_space<vmem>> -> memref<1x128xi32, #tpu.memory_space<vmem>>
        %dma_start3A_124 = tpu.memref_squeeze %dma_start3A_123 : memref<1x128xi32, #tpu.memory_space<vmem>> -> memref<128xi32, #tpu.memory_space<vmem>>
        %dma_start3A_125 = arith.constant 0 : i32
        %dma_start3A_126 = arith.constant 0 : i32
        %dma_start3A_127 = tpu.memref_slice %arg15[%dma_start3A_125, %dma_start3A_126] : memref<10240x128xbf16, #tpu.memory_space<vmem_shared>> -> memref<10240x128xbf16, #tpu.memory_space<vmem_shared>>
        tpu.enqueue_indirect_dma source(%arg13 : memref<128x128xbf16, #tpu.memory_space<vmem>>) target(%dma_start3A_127 : memref<10240x128xbf16, #tpu.memory_space<vmem_shared>>) offsets(%dma_start3A_124 : memref<128xi32, #tpu.memory_space<vmem>>) semaphore(%arg26 : memref<!tpu.dma_semaphore, #tpu.memory_space<semaphore_mem>>) {add = true}
        %add3A_128 = arith.constant 4 : i32
        %add3A_129 = arith.addi %add3A_109, %add3A_128 : i32
        %lt3A_130 = arith.constant 79 : i32
        %lt3A_131 = arith.cmpi slt, %add3A_129, %lt3A_130 : i32
        %convert_element_type3A_132 = arith.extui %lt3A_131 : i1 to i32
        %cond3A_133 = arith.constant 0 : i32
        %cond3A_134 = arith.cmpi ne, %convert_element_type3A_132, %cond3A_133 : i32
        scf.if %cond3A_134 {
          %add3A_135 = arith.constant 4 : i32
          %add3A_136 = arith.addi %add3A_109, %add3A_135 : i32
          %dma_start3A_137 = arith.constant 0 : i32
          %dma_start3A_138 = tpu.memref_slice %arg7[%add3A_136, %dma_start3A_137] : memref<79x128xi32, #tpu.memory_space<vmem>> -> memref<1x128xi32, #tpu.memory_space<vmem>>
          %dma_start3A_139 = tpu.memref_squeeze %dma_start3A_138 : memref<1x128xi32, #tpu.memory_space<vmem>> -> memref<128xi32, #tpu.memory_space<vmem>>
          %dma_start3A_140 = arith.constant 0 : i32
          %dma_start3A_141 = arith.constant 0 : i32
          %dma_start3A_142 = tpu.memref_slice %arg2[%dma_start3A_140, %dma_start3A_141] : memref<10000x128xbf16, #tpu.memory_space<hbm>> -> memref<10000x128xbf16, #tpu.memory_space<hbm>>
          tpu.enqueue_indirect_dma source(%dma_start3A_142 : memref<10000x128xbf16, #tpu.memory_space<hbm>>) target(%arg11 : memref<128x128xbf16, #tpu.memory_space<vmem>>) offsets(%dma_start3A_139 : memref<128xi32, #tpu.memory_space<vmem>>) semaphore(%arg18 : memref<!tpu.dma_semaphore, #tpu.memory_space<semaphore_mem>>)
        } else {
        }
      } else {
      }
      %add3A_101 = arith.constant 5 : i32
      %add3A_102 = arith.addi %mul3A_51, %add3A_101 : i32
      %lt3A_103 = arith.constant 79 : i32
      %lt3A_104 = arith.cmpi slt, %add3A_102, %lt3A_103 : i32
      %convert_element_type3A_105 = arith.extui %lt3A_104 : i1 to i32
      %cond3A_106 = arith.constant 0 : i32
      %cond3A_107 = arith.cmpi ne, %convert_element_type3A_105, %cond3A_106 : i32
      scf.if %cond3A_107 {
        %add3A_108 = arith.constant 5 : i32
        %add3A_109 = arith.addi %mul3A_51, %add3A_108 : i32
        %dma_wait3A_110 = arith.constant 0 : i32
        %dma_wait3A_111 = arith.constant 0 : i32
        %dma_wait3A_112 = tpu.memref_slice %arg7[%dma_wait3A_110, %dma_wait3A_111] : memref<79x128xi32, #tpu.memory_space<vmem>> -> memref<1x128xi32, #tpu.memory_space<vmem>>
        %dma_wait3A_113 = tpu.memref_squeeze %dma_wait3A_112 : memref<1x128xi32, #tpu.memory_space<vmem>> -> memref<128xi32, #tpu.memory_space<vmem>>
        %dma_wait3A_114 = arith.constant 0 : i32
        %dma_wait3A_115 = arith.constant 0 : i32
        %dma_wait3A_116 = tpu.memref_slice %arg2[%dma_wait3A_114, %dma_wait3A_115] : memref<10000x128xbf16, #tpu.memory_space<hbm>> -> memref<10000x128xbf16, #tpu.memory_space<hbm>>
        tpu.wait_indirect_dma semaphore(%arg21 : memref<!tpu.dma_semaphore, #tpu.memory_space<semaphore_mem>>) src(%dma_wait3A_116 : memref<10000x128xbf16, #tpu.memory_space<hbm>>) dst(%arg14 : memref<128x128xbf16, #tpu.memory_space<vmem>>)
        %ge3A_117 = arith.constant 2 : i32
        %ge3A_118 = arith.cmpi sge, %add3A_109, %ge3A_117 : i32
        %convert_element_type3A_119 = arith.extui %ge3A_118 : i1 to i32
        %cond3A_120 = arith.constant 0 : i32
        %cond3A_121 = arith.cmpi ne, %convert_element_type3A_119, %cond3A_120 : i32
        scf.if %cond3A_121 {
          %dma_wait3A_135 = arith.constant 0 : i32
          %dma_wait3A_136 = arith.constant 0 : i32
          %dma_wait3A_137 = tpu.memref_slice %arg8[%dma_wait3A_135, %dma_wait3A_136] : memref<79x128xi32, #tpu.memory_space<vmem>> -> memref<1x128xi32, #tpu.memory_space<vmem>>
          %dma_wait3A_138 = tpu.memref_squeeze %dma_wait3A_137 : memref<1x128xi32, #tpu.memory_space<vmem>> -> memref<128xi32, #tpu.memory_space<vmem>>
          %dma_wait3A_139 = arith.constant 0 : i32
          %dma_wait3A_140 = arith.constant 0 : i32
          %dma_wait3A_141 = tpu.memref_slice %arg15[%dma_wait3A_139, %dma_wait3A_140] : memref<10240x128xbf16, #tpu.memory_space<vmem_shared>> -> memref<10240x128xbf16, #tpu.memory_space<vmem_shared>>
          tpu.wait_indirect_dma semaphore(%arg25 : memref<!tpu.dma_semaphore, #tpu.memory_space<semaphore_mem>>) src(%arg12 : memref<128x128xbf16, #tpu.memory_space<vmem>>) dst(%dma_wait3A_141 : memref<10240x128xbf16, #tpu.memory_space<vmem_shared>>)
        } else {
        }
        %dma_start3A_122 = arith.constant 0 : i32
        %dma_start3A_123 = tpu.memref_slice %arg8[%add3A_109, %dma_start3A_122] : memref<79x128xi32, #tpu.memory_space<vmem>> -> memref<1x128xi32, #tpu.memory_space<vmem>>
        %dma_start3A_124 = tpu.memref_squeeze %dma_start3A_123 : memref<1x128xi32, #tpu.memory_space<vmem>> -> memref<128xi32, #tpu.memory_space<vmem>>
        %dma_start3A_125 = arith.constant 0 : i32
        %dma_start3A_126 = arith.constant 0 : i32
        %dma_start3A_127 = tpu.memref_slice %arg15[%dma_start3A_125, %dma_start3A_126] : memref<10240x128xbf16, #tpu.memory_space<vmem_shared>> -> memref<10240x128xbf16, #tpu.memory_space<vmem_shared>>
        tpu.enqueue_indirect_dma source(%arg14 : memref<128x128xbf16, #tpu.memory_space<vmem>>) target(%dma_start3A_127 : memref<10240x128xbf16, #tpu.memory_space<vmem_shared>>) offsets(%dma_start3A_124 : memref<128xi32, #tpu.memory_space<vmem>>) semaphore(%arg27 : memref<!tpu.dma_semaphore, #tpu.memory_space<semaphore_mem>>) {add = true}
        %add3A_128 = arith.constant 4 : i32
        %add3A_129 = arith.addi %add3A_109, %add3A_128 : i32
        %lt3A_130 = arith.constant 79 : i32
        %lt3A_131 = arith.cmpi slt, %add3A_129, %lt3A_130 : i32
        %convert_element_type3A_132 = arith.extui %lt3A_131 : i1 to i32
        %cond3A_133 = arith.constant 0 : i32
        %cond3A_134 = arith.cmpi ne, %convert_element_type3A_132, %cond3A_133 : i32
        scf.if %cond3A_134 {
          %add3A_135 = arith.constant 4 : i32
          %add3A_136 = arith.addi %add3A_109, %add3A_135 : i32
          %dma_start3A_137 = arith.constant 0 : i32
          %dma_start3A_138 = tpu.memref_slice %arg7[%add3A_136, %dma_start3A_137] : memref<79x128xi32, #tpu.memory_space<vmem>> -> memref<1x128xi32, #tpu.memory_space<vmem>>
          %dma_start3A_139 = tpu.memref_squeeze %dma_start3A_138 : memref<1x128xi32, #tpu.memory_space<vmem>> -> memref<128xi32, #tpu.memory_space<vmem>>
          %dma_start3A_140 = arith.constant 0 : i32
          %dma_start3A_141 = arith.constant 0 : i32
          %dma_start3A_142 = tpu.memref_slice %arg2[%dma_start3A_140, %dma_start3A_141] : memref<10000x128xbf16, #tpu.memory_space<hbm>> -> memref<10000x128xbf16, #tpu.memory_space<hbm>>
          tpu.enqueue_indirect_dma source(%dma_start3A_142 : memref<10000x128xbf16, #tpu.memory_space<hbm>>) target(%arg12 : memref<128x128xbf16, #tpu.memory_space<vmem>>) offsets(%dma_start3A_139 : memref<128xi32, #tpu.memory_space<vmem>>) semaphore(%arg19 : memref<!tpu.dma_semaphore, #tpu.memory_space<semaphore_mem>>)
        } else {
        }
      } else {
      }
    }
    %scan3A_34 = arith.constant 14 : i32
    %dma_wait3A = arith.constant 0 : i32
    %dma_wait3A_35 = arith.constant 0 : i32
    %dma_wait3A_36 = tpu.memref_slice %arg8[%dma_wait3A, %dma_wait3A_35] : memref<79x128xi32, #tpu.memory_space<vmem>> -> memref<1x128xi32, #tpu.memory_space<vmem>>
    %dma_wait3A_37 = tpu.memref_squeeze %dma_wait3A_36 : memref<1x128xi32, #tpu.memory_space<vmem>> -> memref<128xi32, #tpu.memory_space<vmem>>
    %dma_wait3A_38 = arith.constant 0 : i32
    %dma_wait3A_39 = arith.constant 0 : i32
    %dma_wait3A_40 = tpu.memref_slice %arg15[%dma_wait3A_38, %dma_wait3A_39] : memref<10240x128xbf16, #tpu.memory_space<vmem_shared>> -> memref<10240x128xbf16, #tpu.memory_space<vmem_shared>>
    tpu.wait_indirect_dma semaphore(%arg22 : memref<!tpu.dma_semaphore, #tpu.memory_space<semaphore_mem>>) src(%arg9 : memref<128x128xbf16, #tpu.memory_space<vmem>>) dst(%dma_wait3A_40 : memref<10240x128xbf16, #tpu.memory_space<vmem_shared>>)
    %dma_wait3A_41 = arith.constant 0 : i32
    %dma_wait3A_42 = arith.constant 0 : i32
    %dma_wait3A_43 = tpu.memref_slice %arg8[%dma_wait3A_41, %dma_wait3A_42] : memref<79x128xi32, #tpu.memory_space<vmem>> -> memref<1x128xi32, #tpu.memory_space<vmem>>
    %dma_wait3A_44 = tpu.memref_squeeze %dma_wait3A_43 : memref<1x128xi32, #tpu.memory_space<vmem>> -> memref<128xi32, #tpu.memory_space<vmem>>
    %dma_wait3A_45 = arith.constant 0 : i32
    %dma_wait3A_46 = arith.constant 0 : i32
    %dma_wait3A_47 = tpu.memref_slice %arg15[%dma_wait3A_45, %dma_wait3A_46] : memref<10240x128xbf16, #tpu.memory_space<vmem_shared>> -> memref<10240x128xbf16, #tpu.memory_space<vmem_shared>>
    tpu.wait_indirect_dma semaphore(%arg27 : memref<!tpu.dma_semaphore, #tpu.memory_space<semaphore_mem>>) src(%arg14 : memref<128x128xbf16, #tpu.memory_space<vmem>>) dst(%dma_wait3A_47 : memref<10240x128xbf16, #tpu.memory_space<vmem_shared>>)
    %barrier3A_48 = arith.constant 0 : index
    tpu.barrier barrier_id(%barrier3A_48)
    "tpu.region"() ({
      %run_scoped3A = tpu.sem_alloc : memref<!tpu.dma_semaphore, #tpu.memory_space<semaphore_mem>>
      %dma_start3A_49 = arith.constant 0 : i32
      %dma_start3A_50 = tpu.memref_slice %arg6[%arg0, %mul3A_2, %dma_start3A_49] : memref<2x10240x128xbf16, #tpu.memory_space<hbm>> -> memref<1x640x128xbf16, #tpu.memory_space<hbm>>
      %dma_start3A_51 = tpu.memref_squeeze %dma_start3A_50 : memref<1x640x128xbf16, #tpu.memory_space<hbm>> -> memref<640x128xbf16, #tpu.memory_space<hbm>>
      %dma_start3A_52 = arith.constant 0 : i32
      %dma_start3A_53 = tpu.memref_slice %arg15[%mul3A_2, %dma_start3A_52] : memref<10240x128xbf16, #tpu.memory_space<vmem_shared>> -> memref<640x128xbf16, #tpu.memory_space<vmem_shared>>
      tpu.enqueue_dma source(%dma_start3A_53 : memref<640x128xbf16, #tpu.memory_space<vmem_shared>>) target(%dma_start3A_51 : memref<640x128xbf16, #tpu.memory_space<hbm>>) target_semaphore(%run_scoped3A : memref<!tpu.dma_semaphore, #tpu.memory_space<semaphore_mem>>)
      %dma_wait3A_54 = arith.constant 0 : i32
      %dma_wait3A_55 = tpu.memref_slice %arg6[%arg0, %mul3A_2, %dma_wait3A_54] : memref<2x10240x128xbf16, #tpu.memory_space<hbm>> -> memref<1x640x128xbf16, #tpu.memory_space<hbm>>
      %dma_wait3A_56 = tpu.memref_squeeze %dma_wait3A_55 : memref<1x640x128xbf16, #tpu.memory_space<hbm>> -> memref<640x128xbf16, #tpu.memory_space<hbm>>
      %dma_wait3A_57 = arith.constant 0 : i32
      %dma_wait3A_58 = tpu.memref_slice %arg15[%mul3A_2, %dma_wait3A_57] : memref<10240x128xbf16, #tpu.memory_space<vmem_shared>> -> memref<640x128xbf16, #tpu.memory_space<vmem_shared>>
      tpu.wait_dma2 semaphore(%run_scoped3A : memref<!tpu.dma_semaphore, #tpu.memory_space<semaphore_mem>>) src(%dma_wait3A_58 : memref<640x128xbf16, #tpu.memory_space<vmem_shared>>) dst(%dma_wait3A_56 : memref<640x128xbf16, #tpu.memory_space<hbm>>)
      tpu.yield
    }) : () -> ()
    return
  }
}

#map = affine_map<(d0, d1) -> (0, 0)>
#map1 = affine_map<(d0, d1) -> (0, 0, 0)>
module attributes {stable_mosaic.version = 14 : i64} {
  func.func @_sc_ea(%arg0: i32, %arg1: i32, %arg2: memref<323584x16xf32, #tpu.memory_space<hbm>>, %arg3: memref<32x79x128xi32, #tpu.memory_space<hbm>>, %arg4: memref<640x16xf32, #tpu.memory_space<hbm>>, %arg5: memref<2x10240x16xf32, #tpu.memory_space<hbm>>, %arg6: memref<79x128xi32, #tpu.memory_space<vmem>>, %arg7: memref<128x16xf32, #tpu.memory_space<vmem>>, %arg8: memref<128x16xf32, #tpu.memory_space<vmem>>, %arg9: memref<128x16xf32, #tpu.memory_space<vmem>>, %arg10: memref<128x16xf32, #tpu.memory_space<vmem>>, %arg11: memref<128x16xf32, #tpu.memory_space<vmem>>, %arg12: memref<128x16xf32, #tpu.memory_space<vmem>>, %arg13: memref<10240x16xf32, #tpu.memory_space<vmem_shared>>, %arg14: memref<!tpu.dma_semaphore, #tpu.memory_space<semaphore_mem>>, %arg15: memref<!tpu.dma_semaphore, #tpu.memory_space<semaphore_mem>>, %arg16: memref<!tpu.dma_semaphore, #tpu.memory_space<semaphore_mem>>, %arg17: memref<!tpu.dma_semaphore, #tpu.memory_space<semaphore_mem>>, %arg18: memref<!tpu.dma_semaphore, #tpu.memory_space<semaphore_mem>>, %arg19: memref<!tpu.dma_semaphore, #tpu.memory_space<semaphore_mem>>, %arg20: memref<!tpu.dma_semaphore, #tpu.memory_space<semaphore_mem>>, %arg21: memref<!tpu.dma_semaphore, #tpu.memory_space<semaphore_mem>>, %arg22: memref<!tpu.dma_semaphore, #tpu.memory_space<semaphore_mem>>, %arg23: memref<!tpu.dma_semaphore, #tpu.memory_space<semaphore_mem>>, %arg24: memref<!tpu.dma_semaphore, #tpu.memory_space<semaphore_mem>>, %arg25: memref<!tpu.dma_semaphore, #tpu.memory_space<semaphore_mem>>) attributes {dimension_semantics = [#tpu.dimension_semantics<core_parallel>, #tpu.dimension_semantics<subcore_parallel>], iteration_bounds = array<i64: 2, 16>, scalar_prefetch = 0 : i64, scratch_operands = 20 : i64, tpu.core_type = #tpu.core_type<sc_vector_subcore>, window_params = [{transform_indices = #map}, {transform_indices = #map1}, {transform_indices = #map}, {transform_indices = #map1}]} {
    %mul3A = arith.constant 16 : i32
    %mul3A_0 = arith.muli %arg0, %mul3A : i32
    %add3A = arith.addi %mul3A_0, %arg1 : i32
    "tpu.region"() ({
      %run_scoped3A = tpu.sem_alloc : memref<!tpu.dma_semaphore, #tpu.memory_space<semaphore_mem>>
      %dma_start3A_47 = arith.constant 0 : i32
      %dma_start3A_48 = arith.constant 0 : i32
      %dma_start3A_49 = tpu.memref_slice %arg3[%add3A, %dma_start3A_47, %dma_start3A_48] : memref<32x79x128xi32, #tpu.memory_space<hbm>> -> memref<1x79x128xi32, #tpu.memory_space<hbm>>
      %dma_start3A_50 = tpu.memref_squeeze %dma_start3A_49 : memref<1x79x128xi32, #tpu.memory_space<hbm>> -> memref<79x128xi32, #tpu.memory_space<hbm>>
      %dma_start3A_51 = arith.constant 0 : i32
      %dma_start3A_52 = arith.constant 0 : i32
      %dma_start3A_53 = tpu.memref_slice %arg3[%add3A, %dma_start3A_51, %dma_start3A_52] : memref<32x79x128xi32, #tpu.memory_space<hbm>> -> memref<1x79x128xi32, #tpu.memory_space<hbm>>
      %dma_start3A_54 = tpu.memref_squeeze %dma_start3A_53 : memref<1x79x128xi32, #tpu.memory_space<hbm>> -> memref<79x128xi32, #tpu.memory_space<hbm>>
      tpu.enqueue_dma source(%dma_start3A_54 : memref<79x128xi32, #tpu.memory_space<hbm>>) target(%arg6 : memref<79x128xi32, #tpu.memory_space<vmem>>) target_semaphore(%run_scoped3A : memref<!tpu.dma_semaphore, #tpu.memory_space<semaphore_mem>>)
      %dma_wait3A_55 = arith.constant 0 : i32
      %dma_wait3A_56 = arith.constant 0 : i32
      %dma_wait3A_57 = tpu.memref_slice %arg3[%add3A, %dma_wait3A_55, %dma_wait3A_56] : memref<32x79x128xi32, #tpu.memory_space<hbm>> -> memref<1x79x128xi32, #tpu.memory_space<hbm>>
      %dma_wait3A_58 = tpu.memref_squeeze %dma_wait3A_57 : memref<1x79x128xi32, #tpu.memory_space<hbm>> -> memref<79x128xi32, #tpu.memory_space<hbm>>
      %dma_wait3A_59 = arith.constant 0 : i32
      %dma_wait3A_60 = arith.constant 0 : i32
      %dma_wait3A_61 = tpu.memref_slice %arg3[%add3A, %dma_wait3A_59, %dma_wait3A_60] : memref<32x79x128xi32, #tpu.memory_space<hbm>> -> memref<1x79x128xi32, #tpu.memory_space<hbm>>
      %dma_wait3A_62 = tpu.memref_squeeze %dma_wait3A_61 : memref<1x79x128xi32, #tpu.memory_space<hbm>> -> memref<79x128xi32, #tpu.memory_space<hbm>>
      tpu.wait_dma2 semaphore(%run_scoped3A : memref<!tpu.dma_semaphore, #tpu.memory_space<semaphore_mem>>) src(%dma_wait3A_62 : memref<79x128xi32, #tpu.memory_space<hbm>>) dst(%arg6 : memref<79x128xi32, #tpu.memory_space<vmem>>)
      tpu.yield
    }) : () -> ()
    %mul3A_1 = arith.constant 640 : i32
    %mul3A_2 = arith.muli %arg1, %mul3A_1 : i32
    "tpu.region"() ({
      %run_scoped3A = tpu.sem_alloc : memref<!tpu.dma_semaphore, #tpu.memory_space<semaphore_mem>>
      %dma_start3A_47 = arith.constant 0 : i32
      %dma_start3A_48 = tpu.memref_slice %arg13[%mul3A_2, %dma_start3A_47] : memref<10240x16xf32, #tpu.memory_space<vmem_shared>> -> memref<640x16xf32, #tpu.memory_space<vmem_shared>>
      tpu.enqueue_dma source(%arg4 : memref<640x16xf32, #tpu.memory_space<hbm>>) target(%dma_start3A_48 : memref<640x16xf32, #tpu.memory_space<vmem_shared>>) target_semaphore(%run_scoped3A : memref<!tpu.dma_semaphore, #tpu.memory_space<semaphore_mem>>)
      %dma_wait3A_49 = arith.constant 0 : i32
      %dma_wait3A_50 = tpu.memref_slice %arg13[%mul3A_2, %dma_wait3A_49] : memref<10240x16xf32, #tpu.memory_space<vmem_shared>> -> memref<640x16xf32, #tpu.memory_space<vmem_shared>>
      tpu.wait_dma2 semaphore(%run_scoped3A : memref<!tpu.dma_semaphore, #tpu.memory_space<semaphore_mem>>) src(%arg4 : memref<640x16xf32, #tpu.memory_space<hbm>>) dst(%dma_wait3A_50 : memref<640x16xf32, #tpu.memory_space<vmem_shared>>)
      tpu.yield
    }) : () -> ()
    %mul3A_3 = arith.constant 10112 : i32
    %mul3A_4 = arith.muli %add3A, %mul3A_3 : i32
    %add3A_5 = arith.constant 0 : i32
    %add3A_6 = arith.addi %mul3A_4, %add3A_5 : i32
    %dma_start3A = arith.constant 0 : i32
    %dma_start3A_7 = tpu.memref_slice %arg2[%add3A_6, %dma_start3A] : memref<323584x16xf32, #tpu.memory_space<hbm>> -> memref<128x16xf32, #tpu.memory_space<hbm>>
    %dma_start3A_8 = arith.constant 0 : i32
    %dma_start3A_9 = tpu.memref_slice %arg2[%add3A_6, %dma_start3A_8] : memref<323584x16xf32, #tpu.memory_space<hbm>> -> memref<128x16xf32, #tpu.memory_space<hbm>>
    tpu.enqueue_dma source(%dma_start3A_9 : memref<128x16xf32, #tpu.memory_space<hbm>>) target(%arg7 : memref<128x16xf32, #tpu.memory_space<vmem>>) target_semaphore(%arg14 : memref<!tpu.dma_semaphore, #tpu.memory_space<semaphore_mem>>)
    %add3A_10 = arith.constant 128 : i32
    %add3A_11 = arith.addi %mul3A_4, %add3A_10 : i32
    %dma_start3A_12 = arith.constant 0 : i32
    %dma_start3A_13 = tpu.memref_slice %arg2[%add3A_11, %dma_start3A_12] : memref<323584x16xf32, #tpu.memory_space<hbm>> -> memref<128x16xf32, #tpu.memory_space<hbm>>
    %dma_start3A_14 = arith.constant 0 : i32
    %dma_start3A_15 = tpu.memref_slice %arg2[%add3A_11, %dma_start3A_14] : memref<323584x16xf32, #tpu.memory_space<hbm>> -> memref<128x16xf32, #tpu.memory_space<hbm>>
    tpu.enqueue_dma source(%dma_start3A_15 : memref<128x16xf32, #tpu.memory_space<hbm>>) target(%arg8 : memref<128x16xf32, #tpu.memory_space<vmem>>) target_semaphore(%arg15 : memref<!tpu.dma_semaphore, #tpu.memory_space<semaphore_mem>>)
    %add3A_16 = arith.constant 256 : i32
    %add3A_17 = arith.addi %mul3A_4, %add3A_16 : i32
    %dma_start3A_18 = arith.constant 0 : i32
    %dma_start3A_19 = tpu.memref_slice %arg2[%add3A_17, %dma_start3A_18] : memref<323584x16xf32, #tpu.memory_space<hbm>> -> memref<128x16xf32, #tpu.memory_space<hbm>>
    %dma_start3A_20 = arith.constant 0 : i32
    %dma_start3A_21 = tpu.memref_slice %arg2[%add3A_17, %dma_start3A_20] : memref<323584x16xf32, #tpu.memory_space<hbm>> -> memref<128x16xf32, #tpu.memory_space<hbm>>
    tpu.enqueue_dma source(%dma_start3A_21 : memref<128x16xf32, #tpu.memory_space<hbm>>) target(%arg9 : memref<128x16xf32, #tpu.memory_space<vmem>>) target_semaphore(%arg16 : memref<!tpu.dma_semaphore, #tpu.memory_space<semaphore_mem>>)
    %add3A_22 = arith.constant 384 : i32
    %add3A_23 = arith.addi %mul3A_4, %add3A_22 : i32
    %dma_start3A_24 = arith.constant 0 : i32
    %dma_start3A_25 = tpu.memref_slice %arg2[%add3A_23, %dma_start3A_24] : memref<323584x16xf32, #tpu.memory_space<hbm>> -> memref<128x16xf32, #tpu.memory_space<hbm>>
    %dma_start3A_26 = arith.constant 0 : i32
    %dma_start3A_27 = tpu.memref_slice %arg2[%add3A_23, %dma_start3A_26] : memref<323584x16xf32, #tpu.memory_space<hbm>> -> memref<128x16xf32, #tpu.memory_space<hbm>>
    tpu.enqueue_dma source(%dma_start3A_27 : memref<128x16xf32, #tpu.memory_space<hbm>>) target(%arg10 : memref<128x16xf32, #tpu.memory_space<vmem>>) target_semaphore(%arg17 : memref<!tpu.dma_semaphore, #tpu.memory_space<semaphore_mem>>)
    %barrier3A = arith.constant 0 : index
    tpu.barrier barrier_id(%barrier3A)
    %scan3A = arith.constant 0 : i32
    %scan3A_28 = arith.constant 0 : i32
    %scan3A_29 = arith.constant 14 : i32
    %scan3A_30 = arith.addi %scan3A_28, %scan3A_29 : i32
    %scan3A_31 = arith.constant 1 : i32
    scf.for %scan3A_47 = %scan3A_28 to %scan3A_30 step %scan3A_31  : i32 {
      %mul3A_48 = arith.constant 6 : i32
      %mul3A_49 = arith.muli %scan3A_47, %mul3A_48 : i32
      %dma_wait3A_50 = arith.constant 0 : i32
      %dma_wait3A_51 = arith.constant 0 : i32
      %dma_wait3A_52 = tpu.memref_slice %arg2[%dma_wait3A_50, %dma_wait3A_51] : memref<323584x16xf32, #tpu.memory_space<hbm>> -> memref<128x16xf32, #tpu.memory_space<hbm>>
      %dma_wait3A_53 = arith.constant 0 : i32
      %dma_wait3A_54 = arith.constant 0 : i32
      %dma_wait3A_55 = tpu.memref_slice %arg2[%dma_wait3A_53, %dma_wait3A_54] : memref<323584x16xf32, #tpu.memory_space<hbm>> -> memref<128x16xf32, #tpu.memory_space<hbm>>
      tpu.wait_dma2 semaphore(%arg14 : memref<!tpu.dma_semaphore, #tpu.memory_space<semaphore_mem>>) src(%dma_wait3A_55 : memref<128x16xf32, #tpu.memory_space<hbm>>) dst(%arg7 : memref<128x16xf32, #tpu.memory_space<vmem>>)
      %ge3A = arith.constant 2 : i32
      %ge3A_56 = arith.cmpi sge, %mul3A_49, %ge3A : i32
      %convert_element_type3A = arith.extui %ge3A_56 : i1 to i32
      %cond3A = arith.constant 0 : i32
      %cond3A_57 = arith.cmpi ne, %convert_element_type3A, %cond3A : i32
      scf.if %cond3A_57 {
        %dma_wait3A_105 = arith.constant 0 : i32
        %dma_wait3A_106 = arith.constant 0 : i32
        %dma_wait3A_107 = tpu.memref_slice %arg6[%dma_wait3A_105, %dma_wait3A_106] : memref<79x128xi32, #tpu.memory_space<vmem>> -> memref<1x128xi32, #tpu.memory_space<vmem>>
        %dma_wait3A_108 = tpu.memref_squeeze %dma_wait3A_107 : memref<1x128xi32, #tpu.memory_space<vmem>> -> memref<128xi32, #tpu.memory_space<vmem>>
        %dma_wait3A_109 = arith.constant 0 : i32
        %dma_wait3A_110 = arith.constant 0 : i32
        %dma_wait3A_111 = tpu.memref_slice %arg13[%dma_wait3A_109, %dma_wait3A_110] : memref<10240x16xf32, #tpu.memory_space<vmem_shared>> -> memref<10240x16xf32, #tpu.memory_space<vmem_shared>>
        tpu.wait_indirect_dma semaphore(%arg24 : memref<!tpu.dma_semaphore, #tpu.memory_space<semaphore_mem>>) src(%arg11 : memref<128x16xf32, #tpu.memory_space<vmem>>) dst(%dma_wait3A_111 : memref<10240x16xf32, #tpu.memory_space<vmem_shared>>)
      } else {
      }
      %dma_start3A_58 = arith.constant 0 : i32
      %dma_start3A_59 = tpu.memref_slice %arg6[%mul3A_49, %dma_start3A_58] : memref<79x128xi32, #tpu.memory_space<vmem>> -> memref<1x128xi32, #tpu.memory_space<vmem>>
      %dma_start3A_60 = tpu.memref_squeeze %dma_start3A_59 : memref<1x128xi32, #tpu.memory_space<vmem>> -> memref<128xi32, #tpu.memory_space<vmem>>
      %dma_start3A_61 = arith.constant 0 : i32
      %dma_start3A_62 = arith.constant 0 : i32
      %dma_start3A_63 = tpu.memref_slice %arg13[%dma_start3A_61, %dma_start3A_62] : memref<10240x16xf32, #tpu.memory_space<vmem_shared>> -> memref<10240x16xf32, #tpu.memory_space<vmem_shared>>
      tpu.enqueue_indirect_dma source(%arg7 : memref<128x16xf32, #tpu.memory_space<vmem>>) target(%dma_start3A_63 : memref<10240x16xf32, #tpu.memory_space<vmem_shared>>) offsets(%dma_start3A_60 : memref<128xi32, #tpu.memory_space<vmem>>) semaphore(%arg20 : memref<!tpu.dma_semaphore, #tpu.memory_space<semaphore_mem>>) {add = true}
      %add3A_64 = arith.constant 4 : i32
      %add3A_65 = arith.addi %mul3A_49, %add3A_64 : i32
      %lt3A = arith.constant 79 : i32
      %lt3A_66 = arith.cmpi slt, %add3A_65, %lt3A : i32
      %convert_element_type3A_67 = arith.extui %lt3A_66 : i1 to i32
      %cond3A_68 = arith.constant 0 : i32
      %cond3A_69 = arith.cmpi ne, %convert_element_type3A_67, %cond3A_68 : i32
      scf.if %cond3A_69 {
        %add3A_105 = arith.constant 4 : i32
        %add3A_106 = arith.addi %mul3A_49, %add3A_105 : i32
        %mul3A_107 = arith.constant 128 : i32
        %mul3A_108 = arith.muli %add3A_106, %mul3A_107 : i32
        %add3A_109 = arith.addi %mul3A_4, %mul3A_108 : i32
        %dma_start3A_110 = arith.constant 0 : i32
        %dma_start3A_111 = tpu.memref_slice %arg2[%add3A_109, %dma_start3A_110] : memref<323584x16xf32, #tpu.memory_space<hbm>> -> memref<128x16xf32, #tpu.memory_space<hbm>>
        %dma_start3A_112 = arith.constant 0 : i32
        %dma_start3A_113 = tpu.memref_slice %arg2[%add3A_109, %dma_start3A_112] : memref<323584x16xf32, #tpu.memory_space<hbm>> -> memref<128x16xf32, #tpu.memory_space<hbm>>
        tpu.enqueue_dma source(%dma_start3A_113 : memref<128x16xf32, #tpu.memory_space<hbm>>) target(%arg11 : memref<128x16xf32, #tpu.memory_space<vmem>>) target_semaphore(%arg18 : memref<!tpu.dma_semaphore, #tpu.memory_space<semaphore_mem>>)
      } else {
      }
      %add3A_70 = arith.constant 1 : i32
      %add3A_71 = arith.addi %mul3A_49, %add3A_70 : i32
      %lt3A_72 = arith.constant 79 : i32
      %lt3A_73 = arith.cmpi slt, %add3A_71, %lt3A_72 : i32
      %convert_element_type3A_74 = arith.extui %lt3A_73 : i1 to i32
      %cond3A_75 = arith.constant 0 : i32
      %cond3A_76 = arith.cmpi ne, %convert_element_type3A_74, %cond3A_75 : i32
      scf.if %cond3A_76 {
        %add3A_105 = arith.constant 1 : i32
        %add3A_106 = arith.addi %mul3A_49, %add3A_105 : i32
        %dma_wait3A_107 = arith.constant 0 : i32
        %dma_wait3A_108 = arith.constant 0 : i32
        %dma_wait3A_109 = tpu.memref_slice %arg2[%dma_wait3A_107, %dma_wait3A_108] : memref<323584x16xf32, #tpu.memory_space<hbm>> -> memref<128x16xf32, #tpu.memory_space<hbm>>
        %dma_wait3A_110 = arith.constant 0 : i32
        %dma_wait3A_111 = arith.constant 0 : i32
        %dma_wait3A_112 = tpu.memref_slice %arg2[%dma_wait3A_110, %dma_wait3A_111] : memref<323584x16xf32, #tpu.memory_space<hbm>> -> memref<128x16xf32, #tpu.memory_space<hbm>>
        tpu.wait_dma2 semaphore(%arg15 : memref<!tpu.dma_semaphore, #tpu.memory_space<semaphore_mem>>) src(%dma_wait3A_112 : memref<128x16xf32, #tpu.memory_space<hbm>>) dst(%arg8 : memref<128x16xf32, #tpu.memory_space<vmem>>)
        %ge3A_113 = arith.constant 2 : i32
        %ge3A_114 = arith.cmpi sge, %add3A_106, %ge3A_113 : i32
        %convert_element_type3A_115 = arith.extui %ge3A_114 : i1 to i32
        %cond3A_116 = arith.constant 0 : i32
        %cond3A_117 = arith.cmpi ne, %convert_element_type3A_115, %cond3A_116 : i32
        scf.if %cond3A_117 {
          %dma_wait3A_131 = arith.constant 0 : i32
          %dma_wait3A_132 = arith.constant 0 : i32
          %dma_wait3A_133 = tpu.memref_slice %arg6[%dma_wait3A_131, %dma_wait3A_132] : memref<79x128xi32, #tpu.memory_space<vmem>> -> memref<1x128xi32, #tpu.memory_space<vmem>>
          %dma_wait3A_134 = tpu.memref_squeeze %dma_wait3A_133 : memref<1x128xi32, #tpu.memory_space<vmem>> -> memref<128xi32, #tpu.memory_space<vmem>>
          %dma_wait3A_135 = arith.constant 0 : i32
          %dma_wait3A_136 = arith.constant 0 : i32
          %dma_wait3A_137 = tpu.memref_slice %arg13[%dma_wait3A_135, %dma_wait3A_136] : memref<10240x16xf32, #tpu.memory_space<vmem_shared>> -> memref<10240x16xf32, #tpu.memory_space<vmem_shared>>
          tpu.wait_indirect_dma semaphore(%arg25 : memref<!tpu.dma_semaphore, #tpu.memory_space<semaphore_mem>>) src(%arg12 : memref<128x16xf32, #tpu.memory_space<vmem>>) dst(%dma_wait3A_137 : memref<10240x16xf32, #tpu.memory_space<vmem_shared>>)
        } else {
        }
        %dma_start3A_118 = arith.constant 0 : i32
        %dma_start3A_119 = tpu.memref_slice %arg6[%add3A_106, %dma_start3A_118] : memref<79x128xi32, #tpu.memory_space<vmem>> -> memref<1x128xi32, #tpu.memory_space<vmem>>
        %dma_start3A_120 = tpu.memref_squeeze %dma_start3A_119 : memref<1x128xi32, #tpu.memory_space<vmem>> -> memref<128xi32, #tpu.memory_space<vmem>>
        %dma_start3A_121 = arith.constant 0 : i32
        %dma_start3A_122 = arith.constant 0 : i32
        %dma_start3A_123 = tpu.memref_slice %arg13[%dma_start3A_121, %dma_start3A_122] : memref<10240x16xf32, #tpu.memory_space<vmem_shared>> -> memref<10240x16xf32, #tpu.memory_space<vmem_shared>>
        tpu.enqueue_indirect_dma source(%arg8 : memref<128x16xf32, #tpu.memory_space<vmem>>) target(%dma_start3A_123 : memref<10240x16xf32, #tpu.memory_space<vmem_shared>>) offsets(%dma_start3A_120 : memref<128xi32, #tpu.memory_space<vmem>>) semaphore(%arg21 : memref<!tpu.dma_semaphore, #tpu.memory_space<semaphore_mem>>) {add = true}
        %add3A_124 = arith.constant 4 : i32
        %add3A_125 = arith.addi %add3A_106, %add3A_124 : i32
        %lt3A_126 = arith.constant 79 : i32
        %lt3A_127 = arith.cmpi slt, %add3A_125, %lt3A_126 : i32
        %convert_element_type3A_128 = arith.extui %lt3A_127 : i1 to i32
        %cond3A_129 = arith.constant 0 : i32
        %cond3A_130 = arith.cmpi ne, %convert_element_type3A_128, %cond3A_129 : i32
        scf.if %cond3A_130 {
          %add3A_131 = arith.constant 4 : i32
          %add3A_132 = arith.addi %add3A_106, %add3A_131 : i32
          %mul3A_133 = arith.constant 128 : i32
          %mul3A_134 = arith.muli %add3A_132, %mul3A_133 : i32
          %add3A_135 = arith.addi %mul3A_4, %mul3A_134 : i32
          %dma_start3A_136 = arith.constant 0 : i32
          %dma_start3A_137 = tpu.memref_slice %arg2[%add3A_135, %dma_start3A_136] : memref<323584x16xf32, #tpu.memory_space<hbm>> -> memref<128x16xf32, #tpu.memory_space<hbm>>
          %dma_start3A_138 = arith.constant 0 : i32
          %dma_start3A_139 = tpu.memref_slice %arg2[%add3A_135, %dma_start3A_138] : memref<323584x16xf32, #tpu.memory_space<hbm>> -> memref<128x16xf32, #tpu.memory_space<hbm>>
          tpu.enqueue_dma source(%dma_start3A_139 : memref<128x16xf32, #tpu.memory_space<hbm>>) target(%arg12 : memref<128x16xf32, #tpu.memory_space<vmem>>) target_semaphore(%arg19 : memref<!tpu.dma_semaphore, #tpu.memory_space<semaphore_mem>>)
        } else {
        }
      } else {
      }
      %add3A_77 = arith.constant 2 : i32
      %add3A_78 = arith.addi %mul3A_49, %add3A_77 : i32
      %lt3A_79 = arith.constant 79 : i32
      %lt3A_80 = arith.cmpi slt, %add3A_78, %lt3A_79 : i32
      %convert_element_type3A_81 = arith.extui %lt3A_80 : i1 to i32
      %cond3A_82 = arith.constant 0 : i32
      %cond3A_83 = arith.cmpi ne, %convert_element_type3A_81, %cond3A_82 : i32
      scf.if %cond3A_83 {
        %add3A_105 = arith.constant 2 : i32
        %add3A_106 = arith.addi %mul3A_49, %add3A_105 : i32
        %dma_wait3A_107 = arith.constant 0 : i32
        %dma_wait3A_108 = arith.constant 0 : i32
        %dma_wait3A_109 = tpu.memref_slice %arg2[%dma_wait3A_107, %dma_wait3A_108] : memref<323584x16xf32, #tpu.memory_space<hbm>> -> memref<128x16xf32, #tpu.memory_space<hbm>>
        %dma_wait3A_110 = arith.constant 0 : i32
        %dma_wait3A_111 = arith.constant 0 : i32
        %dma_wait3A_112 = tpu.memref_slice %arg2[%dma_wait3A_110, %dma_wait3A_111] : memref<323584x16xf32, #tpu.memory_space<hbm>> -> memref<128x16xf32, #tpu.memory_space<hbm>>
        tpu.wait_dma2 semaphore(%arg16 : memref<!tpu.dma_semaphore, #tpu.memory_space<semaphore_mem>>) src(%dma_wait3A_112 : memref<128x16xf32, #tpu.memory_space<hbm>>) dst(%arg9 : memref<128x16xf32, #tpu.memory_space<vmem>>)
        %ge3A_113 = arith.constant 2 : i32
        %ge3A_114 = arith.cmpi sge, %add3A_106, %ge3A_113 : i32
        %convert_element_type3A_115 = arith.extui %ge3A_114 : i1 to i32
        %cond3A_116 = arith.constant 0 : i32
        %cond3A_117 = arith.cmpi ne, %convert_element_type3A_115, %cond3A_116 : i32
        scf.if %cond3A_117 {
          %dma_wait3A_131 = arith.constant 0 : i32
          %dma_wait3A_132 = arith.constant 0 : i32
          %dma_wait3A_133 = tpu.memref_slice %arg6[%dma_wait3A_131, %dma_wait3A_132] : memref<79x128xi32, #tpu.memory_space<vmem>> -> memref<1x128xi32, #tpu.memory_space<vmem>>
          %dma_wait3A_134 = tpu.memref_squeeze %dma_wait3A_133 : memref<1x128xi32, #tpu.memory_space<vmem>> -> memref<128xi32, #tpu.memory_space<vmem>>
          %dma_wait3A_135 = arith.constant 0 : i32
          %dma_wait3A_136 = arith.constant 0 : i32
          %dma_wait3A_137 = tpu.memref_slice %arg13[%dma_wait3A_135, %dma_wait3A_136] : memref<10240x16xf32, #tpu.memory_space<vmem_shared>> -> memref<10240x16xf32, #tpu.memory_space<vmem_shared>>
          tpu.wait_indirect_dma semaphore(%arg20 : memref<!tpu.dma_semaphore, #tpu.memory_space<semaphore_mem>>) src(%arg7 : memref<128x16xf32, #tpu.memory_space<vmem>>) dst(%dma_wait3A_137 : memref<10240x16xf32, #tpu.memory_space<vmem_shared>>)
        } else {
        }
        %dma_start3A_118 = arith.constant 0 : i32
        %dma_start3A_119 = tpu.memref_slice %arg6[%add3A_106, %dma_start3A_118] : memref<79x128xi32, #tpu.memory_space<vmem>> -> memref<1x128xi32, #tpu.memory_space<vmem>>
        %dma_start3A_120 = tpu.memref_squeeze %dma_start3A_119 : memref<1x128xi32, #tpu.memory_space<vmem>> -> memref<128xi32, #tpu.memory_space<vmem>>
        %dma_start3A_121 = arith.constant 0 : i32
        %dma_start3A_122 = arith.constant 0 : i32
        %dma_start3A_123 = tpu.memref_slice %arg13[%dma_start3A_121, %dma_start3A_122] : memref<10240x16xf32, #tpu.memory_space<vmem_shared>> -> memref<10240x16xf32, #tpu.memory_space<vmem_shared>>
        tpu.enqueue_indirect_dma source(%arg9 : memref<128x16xf32, #tpu.memory_space<vmem>>) target(%dma_start3A_123 : memref<10240x16xf32, #tpu.memory_space<vmem_shared>>) offsets(%dma_start3A_120 : memref<128xi32, #tpu.memory_space<vmem>>) semaphore(%arg22 : memref<!tpu.dma_semaphore, #tpu.memory_space<semaphore_mem>>) {add = true}
        %add3A_124 = arith.constant 4 : i32
        %add3A_125 = arith.addi %add3A_106, %add3A_124 : i32
        %lt3A_126 = arith.constant 79 : i32
        %lt3A_127 = arith.cmpi slt, %add3A_125, %lt3A_126 : i32
        %convert_element_type3A_128 = arith.extui %lt3A_127 : i1 to i32
        %cond3A_129 = arith.constant 0 : i32
        %cond3A_130 = arith.cmpi ne, %convert_element_type3A_128, %cond3A_129 : i32
        scf.if %cond3A_130 {
          %add3A_131 = arith.constant 4 : i32
          %add3A_132 = arith.addi %add3A_106, %add3A_131 : i32
          %mul3A_133 = arith.constant 128 : i32
          %mul3A_134 = arith.muli %add3A_132, %mul3A_133 : i32
          %add3A_135 = arith.addi %mul3A_4, %mul3A_134 : i32
          %dma_start3A_136 = arith.constant 0 : i32
          %dma_start3A_137 = tpu.memref_slice %arg2[%add3A_135, %dma_start3A_136] : memref<323584x16xf32, #tpu.memory_space<hbm>> -> memref<128x16xf32, #tpu.memory_space<hbm>>
          %dma_start3A_138 = arith.constant 0 : i32
          %dma_start3A_139 = tpu.memref_slice %arg2[%add3A_135, %dma_start3A_138] : memref<323584x16xf32, #tpu.memory_space<hbm>> -> memref<128x16xf32, #tpu.memory_space<hbm>>
          tpu.enqueue_dma source(%dma_start3A_139 : memref<128x16xf32, #tpu.memory_space<hbm>>) target(%arg7 : memref<128x16xf32, #tpu.memory_space<vmem>>) target_semaphore(%arg14 : memref<!tpu.dma_semaphore, #tpu.memory_space<semaphore_mem>>)
        } else {
        }
      } else {
      }
      %add3A_84 = arith.constant 3 : i32
      %add3A_85 = arith.addi %mul3A_49, %add3A_84 : i32
      %lt3A_86 = arith.constant 79 : i32
      %lt3A_87 = arith.cmpi slt, %add3A_85, %lt3A_86 : i32
      %convert_element_type3A_88 = arith.extui %lt3A_87 : i1 to i32
      %cond3A_89 = arith.constant 0 : i32
      %cond3A_90 = arith.cmpi ne, %convert_element_type3A_88, %cond3A_89 : i32
      scf.if %cond3A_90 {
        %add3A_105 = arith.constant 3 : i32
        %add3A_106 = arith.addi %mul3A_49, %add3A_105 : i32
        %dma_wait3A_107 = arith.constant 0 : i32
        %dma_wait3A_108 = arith.constant 0 : i32
        %dma_wait3A_109 = tpu.memref_slice %arg2[%dma_wait3A_107, %dma_wait3A_108] : memref<323584x16xf32, #tpu.memory_space<hbm>> -> memref<128x16xf32, #tpu.memory_space<hbm>>
        %dma_wait3A_110 = arith.constant 0 : i32
        %dma_wait3A_111 = arith.constant 0 : i32
        %dma_wait3A_112 = tpu.memref_slice %arg2[%dma_wait3A_110, %dma_wait3A_111] : memref<323584x16xf32, #tpu.memory_space<hbm>> -> memref<128x16xf32, #tpu.memory_space<hbm>>
        tpu.wait_dma2 semaphore(%arg17 : memref<!tpu.dma_semaphore, #tpu.memory_space<semaphore_mem>>) src(%dma_wait3A_112 : memref<128x16xf32, #tpu.memory_space<hbm>>) dst(%arg10 : memref<128x16xf32, #tpu.memory_space<vmem>>)
        %ge3A_113 = arith.constant 2 : i32
        %ge3A_114 = arith.cmpi sge, %add3A_106, %ge3A_113 : i32
        %convert_element_type3A_115 = arith.extui %ge3A_114 : i1 to i32
        %cond3A_116 = arith.constant 0 : i32
        %cond3A_117 = arith.cmpi ne, %convert_element_type3A_115, %cond3A_116 : i32
        scf.if %cond3A_117 {
          %dma_wait3A_131 = arith.constant 0 : i32
          %dma_wait3A_132 = arith.constant 0 : i32
          %dma_wait3A_133 = tpu.memref_slice %arg6[%dma_wait3A_131, %dma_wait3A_132] : memref<79x128xi32, #tpu.memory_space<vmem>> -> memref<1x128xi32, #tpu.memory_space<vmem>>
          %dma_wait3A_134 = tpu.memref_squeeze %dma_wait3A_133 : memref<1x128xi32, #tpu.memory_space<vmem>> -> memref<128xi32, #tpu.memory_space<vmem>>
          %dma_wait3A_135 = arith.constant 0 : i32
          %dma_wait3A_136 = arith.constant 0 : i32
          %dma_wait3A_137 = tpu.memref_slice %arg13[%dma_wait3A_135, %dma_wait3A_136] : memref<10240x16xf32, #tpu.memory_space<vmem_shared>> -> memref<10240x16xf32, #tpu.memory_space<vmem_shared>>
          tpu.wait_indirect_dma semaphore(%arg21 : memref<!tpu.dma_semaphore, #tpu.memory_space<semaphore_mem>>) src(%arg8 : memref<128x16xf32, #tpu.memory_space<vmem>>) dst(%dma_wait3A_137 : memref<10240x16xf32, #tpu.memory_space<vmem_shared>>)
        } else {
        }
        %dma_start3A_118 = arith.constant 0 : i32
        %dma_start3A_119 = tpu.memref_slice %arg6[%add3A_106, %dma_start3A_118] : memref<79x128xi32, #tpu.memory_space<vmem>> -> memref<1x128xi32, #tpu.memory_space<vmem>>
        %dma_start3A_120 = tpu.memref_squeeze %dma_start3A_119 : memref<1x128xi32, #tpu.memory_space<vmem>> -> memref<128xi32, #tpu.memory_space<vmem>>
        %dma_start3A_121 = arith.constant 0 : i32
        %dma_start3A_122 = arith.constant 0 : i32
        %dma_start3A_123 = tpu.memref_slice %arg13[%dma_start3A_121, %dma_start3A_122] : memref<10240x16xf32, #tpu.memory_space<vmem_shared>> -> memref<10240x16xf32, #tpu.memory_space<vmem_shared>>
        tpu.enqueue_indirect_dma source(%arg10 : memref<128x16xf32, #tpu.memory_space<vmem>>) target(%dma_start3A_123 : memref<10240x16xf32, #tpu.memory_space<vmem_shared>>) offsets(%dma_start3A_120 : memref<128xi32, #tpu.memory_space<vmem>>) semaphore(%arg23 : memref<!tpu.dma_semaphore, #tpu.memory_space<semaphore_mem>>) {add = true}
        %add3A_124 = arith.constant 4 : i32
        %add3A_125 = arith.addi %add3A_106, %add3A_124 : i32
        %lt3A_126 = arith.constant 79 : i32
        %lt3A_127 = arith.cmpi slt, %add3A_125, %lt3A_126 : i32
        %convert_element_type3A_128 = arith.extui %lt3A_127 : i1 to i32
        %cond3A_129 = arith.constant 0 : i32
        %cond3A_130 = arith.cmpi ne, %convert_element_type3A_128, %cond3A_129 : i32
        scf.if %cond3A_130 {
          %add3A_131 = arith.constant 4 : i32
          %add3A_132 = arith.addi %add3A_106, %add3A_131 : i32
          %mul3A_133 = arith.constant 128 : i32
          %mul3A_134 = arith.muli %add3A_132, %mul3A_133 : i32
          %add3A_135 = arith.addi %mul3A_4, %mul3A_134 : i32
          %dma_start3A_136 = arith.constant 0 : i32
          %dma_start3A_137 = tpu.memref_slice %arg2[%add3A_135, %dma_start3A_136] : memref<323584x16xf32, #tpu.memory_space<hbm>> -> memref<128x16xf32, #tpu.memory_space<hbm>>
          %dma_start3A_138 = arith.constant 0 : i32
          %dma_start3A_139 = tpu.memref_slice %arg2[%add3A_135, %dma_start3A_138] : memref<323584x16xf32, #tpu.memory_space<hbm>> -> memref<128x16xf32, #tpu.memory_space<hbm>>
          tpu.enqueue_dma source(%dma_start3A_139 : memref<128x16xf32, #tpu.memory_space<hbm>>) target(%arg8 : memref<128x16xf32, #tpu.memory_space<vmem>>) target_semaphore(%arg15 : memref<!tpu.dma_semaphore, #tpu.memory_space<semaphore_mem>>)
        } else {
        }
      } else {
      }
      %add3A_91 = arith.constant 4 : i32
      %add3A_92 = arith.addi %mul3A_49, %add3A_91 : i32
      %lt3A_93 = arith.constant 79 : i32
      %lt3A_94 = arith.cmpi slt, %add3A_92, %lt3A_93 : i32
      %convert_element_type3A_95 = arith.extui %lt3A_94 : i1 to i32
      %cond3A_96 = arith.constant 0 : i32
      %cond3A_97 = arith.cmpi ne, %convert_element_type3A_95, %cond3A_96 : i32
      scf.if %cond3A_97 {
        %add3A_105 = arith.constant 4 : i32
        %add3A_106 = arith.addi %mul3A_49, %add3A_105 : i32
        %dma_wait3A_107 = arith.constant 0 : i32
        %dma_wait3A_108 = arith.constant 0 : i32
        %dma_wait3A_109 = tpu.memref_slice %arg2[%dma_wait3A_107, %dma_wait3A_108] : memref<323584x16xf32, #tpu.memory_space<hbm>> -> memref<128x16xf32, #tpu.memory_space<hbm>>
        %dma_wait3A_110 = arith.constant 0 : i32
        %dma_wait3A_111 = arith.constant 0 : i32
        %dma_wait3A_112 = tpu.memref_slice %arg2[%dma_wait3A_110, %dma_wait3A_111] : memref<323584x16xf32, #tpu.memory_space<hbm>> -> memref<128x16xf32, #tpu.memory_space<hbm>>
        tpu.wait_dma2 semaphore(%arg18 : memref<!tpu.dma_semaphore, #tpu.memory_space<semaphore_mem>>) src(%dma_wait3A_112 : memref<128x16xf32, #tpu.memory_space<hbm>>) dst(%arg11 : memref<128x16xf32, #tpu.memory_space<vmem>>)
        %ge3A_113 = arith.constant 2 : i32
        %ge3A_114 = arith.cmpi sge, %add3A_106, %ge3A_113 : i32
        %convert_element_type3A_115 = arith.extui %ge3A_114 : i1 to i32
        %cond3A_116 = arith.constant 0 : i32
        %cond3A_117 = arith.cmpi ne, %convert_element_type3A_115, %cond3A_116 : i32
        scf.if %cond3A_117 {
          %dma_wait3A_131 = arith.constant 0 : i32
          %dma_wait3A_132 = arith.constant 0 : i32
          %dma_wait3A_133 = tpu.memref_slice %arg6[%dma_wait3A_131, %dma_wait3A_132] : memref<79x128xi32, #tpu.memory_space<vmem>> -> memref<1x128xi32, #tpu.memory_space<vmem>>
          %dma_wait3A_134 = tpu.memref_squeeze %dma_wait3A_133 : memref<1x128xi32, #tpu.memory_space<vmem>> -> memref<128xi32, #tpu.memory_space<vmem>>
          %dma_wait3A_135 = arith.constant 0 : i32
          %dma_wait3A_136 = arith.constant 0 : i32
          %dma_wait3A_137 = tpu.memref_slice %arg13[%dma_wait3A_135, %dma_wait3A_136] : memref<10240x16xf32, #tpu.memory_space<vmem_shared>> -> memref<10240x16xf32, #tpu.memory_space<vmem_shared>>
          tpu.wait_indirect_dma semaphore(%arg22 : memref<!tpu.dma_semaphore, #tpu.memory_space<semaphore_mem>>) src(%arg9 : memref<128x16xf32, #tpu.memory_space<vmem>>) dst(%dma_wait3A_137 : memref<10240x16xf32, #tpu.memory_space<vmem_shared>>)
        } else {
        }
        %dma_start3A_118 = arith.constant 0 : i32
        %dma_start3A_119 = tpu.memref_slice %arg6[%add3A_106, %dma_start3A_118] : memref<79x128xi32, #tpu.memory_space<vmem>> -> memref<1x128xi32, #tpu.memory_space<vmem>>
        %dma_start3A_120 = tpu.memref_squeeze %dma_start3A_119 : memref<1x128xi32, #tpu.memory_space<vmem>> -> memref<128xi32, #tpu.memory_space<vmem>>
        %dma_start3A_121 = arith.constant 0 : i32
        %dma_start3A_122 = arith.constant 0 : i32
        %dma_start3A_123 = tpu.memref_slice %arg13[%dma_start3A_121, %dma_start3A_122] : memref<10240x16xf32, #tpu.memory_space<vmem_shared>> -> memref<10240x16xf32, #tpu.memory_space<vmem_shared>>
        tpu.enqueue_indirect_dma source(%arg11 : memref<128x16xf32, #tpu.memory_space<vmem>>) target(%dma_start3A_123 : memref<10240x16xf32, #tpu.memory_space<vmem_shared>>) offsets(%dma_start3A_120 : memref<128xi32, #tpu.memory_space<vmem>>) semaphore(%arg24 : memref<!tpu.dma_semaphore, #tpu.memory_space<semaphore_mem>>) {add = true}
        %add3A_124 = arith.constant 4 : i32
        %add3A_125 = arith.addi %add3A_106, %add3A_124 : i32
        %lt3A_126 = arith.constant 79 : i32
        %lt3A_127 = arith.cmpi slt, %add3A_125, %lt3A_126 : i32
        %convert_element_type3A_128 = arith.extui %lt3A_127 : i1 to i32
        %cond3A_129 = arith.constant 0 : i32
        %cond3A_130 = arith.cmpi ne, %convert_element_type3A_128, %cond3A_129 : i32
        scf.if %cond3A_130 {
          %add3A_131 = arith.constant 4 : i32
          %add3A_132 = arith.addi %add3A_106, %add3A_131 : i32
          %mul3A_133 = arith.constant 128 : i32
          %mul3A_134 = arith.muli %add3A_132, %mul3A_133 : i32
          %add3A_135 = arith.addi %mul3A_4, %mul3A_134 : i32
          %dma_start3A_136 = arith.constant 0 : i32
          %dma_start3A_137 = tpu.memref_slice %arg2[%add3A_135, %dma_start3A_136] : memref<323584x16xf32, #tpu.memory_space<hbm>> -> memref<128x16xf32, #tpu.memory_space<hbm>>
          %dma_start3A_138 = arith.constant 0 : i32
          %dma_start3A_139 = tpu.memref_slice %arg2[%add3A_135, %dma_start3A_138] : memref<323584x16xf32, #tpu.memory_space<hbm>> -> memref<128x16xf32, #tpu.memory_space<hbm>>
          tpu.enqueue_dma source(%dma_start3A_139 : memref<128x16xf32, #tpu.memory_space<hbm>>) target(%arg9 : memref<128x16xf32, #tpu.memory_space<vmem>>) target_semaphore(%arg16 : memref<!tpu.dma_semaphore, #tpu.memory_space<semaphore_mem>>)
        } else {
        }
      } else {
      }
      %add3A_98 = arith.constant 5 : i32
      %add3A_99 = arith.addi %mul3A_49, %add3A_98 : i32
      %lt3A_100 = arith.constant 79 : i32
      %lt3A_101 = arith.cmpi slt, %add3A_99, %lt3A_100 : i32
      %convert_element_type3A_102 = arith.extui %lt3A_101 : i1 to i32
      %cond3A_103 = arith.constant 0 : i32
      %cond3A_104 = arith.cmpi ne, %convert_element_type3A_102, %cond3A_103 : i32
      scf.if %cond3A_104 {
        %add3A_105 = arith.constant 5 : i32
        %add3A_106 = arith.addi %mul3A_49, %add3A_105 : i32
        %dma_wait3A_107 = arith.constant 0 : i32
        %dma_wait3A_108 = arith.constant 0 : i32
        %dma_wait3A_109 = tpu.memref_slice %arg2[%dma_wait3A_107, %dma_wait3A_108] : memref<323584x16xf32, #tpu.memory_space<hbm>> -> memref<128x16xf32, #tpu.memory_space<hbm>>
        %dma_wait3A_110 = arith.constant 0 : i32
        %dma_wait3A_111 = arith.constant 0 : i32
        %dma_wait3A_112 = tpu.memref_slice %arg2[%dma_wait3A_110, %dma_wait3A_111] : memref<323584x16xf32, #tpu.memory_space<hbm>> -> memref<128x16xf32, #tpu.memory_space<hbm>>
        tpu.wait_dma2 semaphore(%arg19 : memref<!tpu.dma_semaphore, #tpu.memory_space<semaphore_mem>>) src(%dma_wait3A_112 : memref<128x16xf32, #tpu.memory_space<hbm>>) dst(%arg12 : memref<128x16xf32, #tpu.memory_space<vmem>>)
        %ge3A_113 = arith.constant 2 : i32
        %ge3A_114 = arith.cmpi sge, %add3A_106, %ge3A_113 : i32
        %convert_element_type3A_115 = arith.extui %ge3A_114 : i1 to i32
        %cond3A_116 = arith.constant 0 : i32
        %cond3A_117 = arith.cmpi ne, %convert_element_type3A_115, %cond3A_116 : i32
        scf.if %cond3A_117 {
          %dma_wait3A_131 = arith.constant 0 : i32
          %dma_wait3A_132 = arith.constant 0 : i32
          %dma_wait3A_133 = tpu.memref_slice %arg6[%dma_wait3A_131, %dma_wait3A_132] : memref<79x128xi32, #tpu.memory_space<vmem>> -> memref<1x128xi32, #tpu.memory_space<vmem>>
          %dma_wait3A_134 = tpu.memref_squeeze %dma_wait3A_133 : memref<1x128xi32, #tpu.memory_space<vmem>> -> memref<128xi32, #tpu.memory_space<vmem>>
          %dma_wait3A_135 = arith.constant 0 : i32
          %dma_wait3A_136 = arith.constant 0 : i32
          %dma_wait3A_137 = tpu.memref_slice %arg13[%dma_wait3A_135, %dma_wait3A_136] : memref<10240x16xf32, #tpu.memory_space<vmem_shared>> -> memref<10240x16xf32, #tpu.memory_space<vmem_shared>>
          tpu.wait_indirect_dma semaphore(%arg23 : memref<!tpu.dma_semaphore, #tpu.memory_space<semaphore_mem>>) src(%arg10 : memref<128x16xf32, #tpu.memory_space<vmem>>) dst(%dma_wait3A_137 : memref<10240x16xf32, #tpu.memory_space<vmem_shared>>)
        } else {
        }
        %dma_start3A_118 = arith.constant 0 : i32
        %dma_start3A_119 = tpu.memref_slice %arg6[%add3A_106, %dma_start3A_118] : memref<79x128xi32, #tpu.memory_space<vmem>> -> memref<1x128xi32, #tpu.memory_space<vmem>>
        %dma_start3A_120 = tpu.memref_squeeze %dma_start3A_119 : memref<1x128xi32, #tpu.memory_space<vmem>> -> memref<128xi32, #tpu.memory_space<vmem>>
        %dma_start3A_121 = arith.constant 0 : i32
        %dma_start3A_122 = arith.constant 0 : i32
        %dma_start3A_123 = tpu.memref_slice %arg13[%dma_start3A_121, %dma_start3A_122] : memref<10240x16xf32, #tpu.memory_space<vmem_shared>> -> memref<10240x16xf32, #tpu.memory_space<vmem_shared>>
        tpu.enqueue_indirect_dma source(%arg12 : memref<128x16xf32, #tpu.memory_space<vmem>>) target(%dma_start3A_123 : memref<10240x16xf32, #tpu.memory_space<vmem_shared>>) offsets(%dma_start3A_120 : memref<128xi32, #tpu.memory_space<vmem>>) semaphore(%arg25 : memref<!tpu.dma_semaphore, #tpu.memory_space<semaphore_mem>>) {add = true}
        %add3A_124 = arith.constant 4 : i32
        %add3A_125 = arith.addi %add3A_106, %add3A_124 : i32
        %lt3A_126 = arith.constant 79 : i32
        %lt3A_127 = arith.cmpi slt, %add3A_125, %lt3A_126 : i32
        %convert_element_type3A_128 = arith.extui %lt3A_127 : i1 to i32
        %cond3A_129 = arith.constant 0 : i32
        %cond3A_130 = arith.cmpi ne, %convert_element_type3A_128, %cond3A_129 : i32
        scf.if %cond3A_130 {
          %add3A_131 = arith.constant 4 : i32
          %add3A_132 = arith.addi %add3A_106, %add3A_131 : i32
          %mul3A_133 = arith.constant 128 : i32
          %mul3A_134 = arith.muli %add3A_132, %mul3A_133 : i32
          %add3A_135 = arith.addi %mul3A_4, %mul3A_134 : i32
          %dma_start3A_136 = arith.constant 0 : i32
          %dma_start3A_137 = tpu.memref_slice %arg2[%add3A_135, %dma_start3A_136] : memref<323584x16xf32, #tpu.memory_space<hbm>> -> memref<128x16xf32, #tpu.memory_space<hbm>>
          %dma_start3A_138 = arith.constant 0 : i32
          %dma_start3A_139 = tpu.memref_slice %arg2[%add3A_135, %dma_start3A_138] : memref<323584x16xf32, #tpu.memory_space<hbm>> -> memref<128x16xf32, #tpu.memory_space<hbm>>
          tpu.enqueue_dma source(%dma_start3A_139 : memref<128x16xf32, #tpu.memory_space<hbm>>) target(%arg10 : memref<128x16xf32, #tpu.memory_space<vmem>>) target_semaphore(%arg17 : memref<!tpu.dma_semaphore, #tpu.memory_space<semaphore_mem>>)
        } else {
        }
      } else {
      }
    }
    %scan3A_32 = arith.constant 14 : i32
    %dma_wait3A = arith.constant 0 : i32
    %dma_wait3A_33 = arith.constant 0 : i32
    %dma_wait3A_34 = tpu.memref_slice %arg6[%dma_wait3A, %dma_wait3A_33] : memref<79x128xi32, #tpu.memory_space<vmem>> -> memref<1x128xi32, #tpu.memory_space<vmem>>
    %dma_wait3A_35 = tpu.memref_squeeze %dma_wait3A_34 : memref<1x128xi32, #tpu.memory_space<vmem>> -> memref<128xi32, #tpu.memory_space<vmem>>
    %dma_wait3A_36 = arith.constant 0 : i32
    %dma_wait3A_37 = arith.constant 0 : i32
    %dma_wait3A_38 = tpu.memref_slice %arg13[%dma_wait3A_36, %dma_wait3A_37] : memref<10240x16xf32, #tpu.memory_space<vmem_shared>> -> memref<10240x16xf32, #tpu.memory_space<vmem_shared>>
    tpu.wait_indirect_dma semaphore(%arg20 : memref<!tpu.dma_semaphore, #tpu.memory_space<semaphore_mem>>) src(%arg7 : memref<128x16xf32, #tpu.memory_space<vmem>>) dst(%dma_wait3A_38 : memref<10240x16xf32, #tpu.memory_space<vmem_shared>>)
    %dma_wait3A_39 = arith.constant 0 : i32
    %dma_wait3A_40 = arith.constant 0 : i32
    %dma_wait3A_41 = tpu.memref_slice %arg6[%dma_wait3A_39, %dma_wait3A_40] : memref<79x128xi32, #tpu.memory_space<vmem>> -> memref<1x128xi32, #tpu.memory_space<vmem>>
    %dma_wait3A_42 = tpu.memref_squeeze %dma_wait3A_41 : memref<1x128xi32, #tpu.memory_space<vmem>> -> memref<128xi32, #tpu.memory_space<vmem>>
    %dma_wait3A_43 = arith.constant 0 : i32
    %dma_wait3A_44 = arith.constant 0 : i32
    %dma_wait3A_45 = tpu.memref_slice %arg13[%dma_wait3A_43, %dma_wait3A_44] : memref<10240x16xf32, #tpu.memory_space<vmem_shared>> -> memref<10240x16xf32, #tpu.memory_space<vmem_shared>>
    tpu.wait_indirect_dma semaphore(%arg25 : memref<!tpu.dma_semaphore, #tpu.memory_space<semaphore_mem>>) src(%arg12 : memref<128x16xf32, #tpu.memory_space<vmem>>) dst(%dma_wait3A_45 : memref<10240x16xf32, #tpu.memory_space<vmem_shared>>)
    %barrier3A_46 = arith.constant 0 : index
    tpu.barrier barrier_id(%barrier3A_46)
    "tpu.region"() ({
      %run_scoped3A = tpu.sem_alloc : memref<!tpu.dma_semaphore, #tpu.memory_space<semaphore_mem>>
      %dma_start3A_47 = arith.constant 0 : i32
      %dma_start3A_48 = tpu.memref_slice %arg5[%arg0, %mul3A_2, %dma_start3A_47] : memref<2x10240x16xf32, #tpu.memory_space<hbm>> -> memref<1x640x16xf32, #tpu.memory_space<hbm>>
      %dma_start3A_49 = tpu.memref_squeeze %dma_start3A_48 : memref<1x640x16xf32, #tpu.memory_space<hbm>> -> memref<640x16xf32, #tpu.memory_space<hbm>>
      %dma_start3A_50 = arith.constant 0 : i32
      %dma_start3A_51 = tpu.memref_slice %arg13[%mul3A_2, %dma_start3A_50] : memref<10240x16xf32, #tpu.memory_space<vmem_shared>> -> memref<640x16xf32, #tpu.memory_space<vmem_shared>>
      tpu.enqueue_dma source(%dma_start3A_51 : memref<640x16xf32, #tpu.memory_space<vmem_shared>>) target(%dma_start3A_49 : memref<640x16xf32, #tpu.memory_space<hbm>>) target_semaphore(%run_scoped3A : memref<!tpu.dma_semaphore, #tpu.memory_space<semaphore_mem>>)
      %dma_wait3A_52 = arith.constant 0 : i32
      %dma_wait3A_53 = tpu.memref_slice %arg5[%arg0, %mul3A_2, %dma_wait3A_52] : memref<2x10240x16xf32, #tpu.memory_space<hbm>> -> memref<1x640x16xf32, #tpu.memory_space<hbm>>
      %dma_wait3A_54 = tpu.memref_squeeze %dma_wait3A_53 : memref<1x640x16xf32, #tpu.memory_space<hbm>> -> memref<640x16xf32, #tpu.memory_space<hbm>>
      %dma_wait3A_55 = arith.constant 0 : i32
      %dma_wait3A_56 = tpu.memref_slice %arg13[%mul3A_2, %dma_wait3A_55] : memref<10240x16xf32, #tpu.memory_space<vmem_shared>> -> memref<640x16xf32, #tpu.memory_space<vmem_shared>>
      tpu.wait_dma2 semaphore(%run_scoped3A : memref<!tpu.dma_semaphore, #tpu.memory_space<semaphore_mem>>) src(%dma_wait3A_56 : memref<640x16xf32, #tpu.memory_space<vmem_shared>>) dst(%dma_wait3A_54 : memref<640x16xf32, #tpu.memory_space<hbm>>)
      tpu.yield
    }) : () -> ()
    return
  }
}

#map = affine_map<(d0, d1) -> (0, 0)>
#map1 = affine_map<(d0, d1) -> (0, 0, 0)>
module attributes {stable_mosaic.version = 14 : i64} {
  func.func @_sc_scatter(%arg0: i32, %arg1: i32, %arg2: memref<10000x128xbf16, #tpu.memory_space<hbm>>, %arg3: memref<32x79x128xi32, #tpu.memory_space<hbm>>, %arg4: memref<32x79x128xi32, #tpu.memory_space<hbm>>, %arg5: memref<640x128xbf16, #tpu.memory_space<hbm>>, %arg6: memref<2x10240x128xbf16, #tpu.memory_space<hbm>>, %arg7: memref<79x128xi32, #tpu.memory_space<vmem>>, %arg8: memref<79x128xi32, #tpu.memory_space<vmem>>, %arg9: memref<128x128xbf16, #tpu.memory_space<vmem>>, %arg10: memref<128x128xbf16, #tpu.memory_space<vmem>>, %arg11: memref<128x128xbf16, #tpu.memory_space<vmem>>, %arg12: memref<128x128xbf16, #tpu.memory_space<vmem>>, %arg13: memref<128x128xbf16, #tpu.memory_space<vmem>>, %arg14: memref<128x128xbf16, #tpu.memory_space<vmem>>, %arg15: memref<10240x128xbf16, #tpu.memory_space<vmem_shared>>, %arg16: memref<!tpu.dma_semaphore, #tpu.memory_space<semaphore_mem>>, %arg17: memref<!tpu.dma_semaphore, #tpu.memory_space<semaphore_mem>>, %arg18: memref<!tpu.dma_semaphore, #tpu.memory_space<semaphore_mem>>, %arg19: memref<!tpu.dma_semaphore, #tpu.memory_space<semaphore_mem>>, %arg20: memref<!tpu.dma_semaphore, #tpu.memory_space<semaphore_mem>>, %arg21: memref<!tpu.dma_semaphore, #tpu.memory_space<semaphore_mem>>, %arg22: memref<!tpu.dma_semaphore, #tpu.memory_space<semaphore_mem>>, %arg23: memref<!tpu.dma_semaphore, #tpu.memory_space<semaphore_mem>>, %arg24: memref<!tpu.dma_semaphore, #tpu.memory_space<semaphore_mem>>, %arg25: memref<!tpu.dma_semaphore, #tpu.memory_space<semaphore_mem>>, %arg26: memref<!tpu.dma_semaphore, #tpu.memory_space<semaphore_mem>>, %arg27: memref<!tpu.dma_semaphore, #tpu.memory_space<semaphore_mem>>) attributes {dimension_semantics = [#tpu.dimension_semantics<core_parallel>, #tpu.dimension_semantics<subcore_parallel>], iteration_bounds = array<i64: 2, 16>, scalar_prefetch = 0 : i64, scratch_operands = 21 : i64, tpu.core_type = #tpu.core_type<sc_vector_subcore>, window_params = [{transform_indices = #map}, {transform_indices = #map1}, {transform_indices = #map1}, {transform_indices = #map}, {transform_indices = #map1}]} {
    %mul3A = arith.constant 16 : i32
    %mul3A_0 = arith.muli %arg0, %mul3A : i32
    %add3A = arith.addi %mul3A_0, %arg1 : i32
    "tpu.region"() ({
      %run_scoped3A = tpu.sem_alloc : memref<!tpu.dma_semaphore, #tpu.memory_space<semaphore_mem>>
      %dma_start3A_49 = arith.constant 0 : i32
      %dma_start3A_50 = arith.constant 0 : i32
      %dma_start3A_51 = tpu.memref_slice %arg3[%add3A, %dma_start3A_49, %dma_start3A_50] : memref<32x79x128xi32, #tpu.memory_space<hbm>> -> memref<1x79x128xi32, #tpu.memory_space<hbm>>
      %dma_start3A_52 = tpu.memref_squeeze %dma_start3A_51 : memref<1x79x128xi32, #tpu.memory_space<hbm>> -> memref<79x128xi32, #tpu.memory_space<hbm>>
      %dma_start3A_53 = arith.constant 0 : i32
      %dma_start3A_54 = arith.constant 0 : i32
      %dma_start3A_55 = tpu.memref_slice %arg3[%add3A, %dma_start3A_53, %dma_start3A_54] : memref<32x79x128xi32, #tpu.memory_space<hbm>> -> memref<1x79x128xi32, #tpu.memory_space<hbm>>
      %dma_start3A_56 = tpu.memref_squeeze %dma_start3A_55 : memref<1x79x128xi32, #tpu.memory_space<hbm>> -> memref<79x128xi32, #tpu.memory_space<hbm>>
      tpu.enqueue_dma source(%dma_start3A_56 : memref<79x128xi32, #tpu.memory_space<hbm>>) target(%arg7 : memref<79x128xi32, #tpu.memory_space<vmem>>) target_semaphore(%run_scoped3A : memref<!tpu.dma_semaphore, #tpu.memory_space<semaphore_mem>>)
      %dma_wait3A_57 = arith.constant 0 : i32
      %dma_wait3A_58 = arith.constant 0 : i32
      %dma_wait3A_59 = tpu.memref_slice %arg3[%add3A, %dma_wait3A_57, %dma_wait3A_58] : memref<32x79x128xi32, #tpu.memory_space<hbm>> -> memref<1x79x128xi32, #tpu.memory_space<hbm>>
      %dma_wait3A_60 = tpu.memref_squeeze %dma_wait3A_59 : memref<1x79x128xi32, #tpu.memory_space<hbm>> -> memref<79x128xi32, #tpu.memory_space<hbm>>
      %dma_wait3A_61 = arith.constant 0 : i32
      %dma_wait3A_62 = arith.constant 0 : i32
      %dma_wait3A_63 = tpu.memref_slice %arg3[%add3A, %dma_wait3A_61, %dma_wait3A_62] : memref<32x79x128xi32, #tpu.memory_space<hbm>> -> memref<1x79x128xi32, #tpu.memory_space<hbm>>
      %dma_wait3A_64 = tpu.memref_squeeze %dma_wait3A_63 : memref<1x79x128xi32, #tpu.memory_space<hbm>> -> memref<79x128xi32, #tpu.memory_space<hbm>>
      tpu.wait_dma2 semaphore(%run_scoped3A : memref<!tpu.dma_semaphore, #tpu.memory_space<semaphore_mem>>) src(%dma_wait3A_64 : memref<79x128xi32, #tpu.memory_space<hbm>>) dst(%arg7 : memref<79x128xi32, #tpu.memory_space<vmem>>)
      tpu.yield
    }) : () -> ()
    "tpu.region"() ({
      %run_scoped3A = tpu.sem_alloc : memref<!tpu.dma_semaphore, #tpu.memory_space<semaphore_mem>>
      %dma_start3A_49 = arith.constant 0 : i32
      %dma_start3A_50 = arith.constant 0 : i32
      %dma_start3A_51 = tpu.memref_slice %arg4[%add3A, %dma_start3A_49, %dma_start3A_50] : memref<32x79x128xi32, #tpu.memory_space<hbm>> -> memref<1x79x128xi32, #tpu.memory_space<hbm>>
      %dma_start3A_52 = tpu.memref_squeeze %dma_start3A_51 : memref<1x79x128xi32, #tpu.memory_space<hbm>> -> memref<79x128xi32, #tpu.memory_space<hbm>>
      %dma_start3A_53 = arith.constant 0 : i32
      %dma_start3A_54 = arith.constant 0 : i32
      %dma_start3A_55 = tpu.memref_slice %arg4[%add3A, %dma_start3A_53, %dma_start3A_54] : memref<32x79x128xi32, #tpu.memory_space<hbm>> -> memref<1x79x128xi32, #tpu.memory_space<hbm>>
      %dma_start3A_56 = tpu.memref_squeeze %dma_start3A_55 : memref<1x79x128xi32, #tpu.memory_space<hbm>> -> memref<79x128xi32, #tpu.memory_space<hbm>>
      tpu.enqueue_dma source(%dma_start3A_56 : memref<79x128xi32, #tpu.memory_space<hbm>>) target(%arg8 : memref<79x128xi32, #tpu.memory_space<vmem>>) target_semaphore(%run_scoped3A : memref<!tpu.dma_semaphore, #tpu.memory_space<semaphore_mem>>)
      %dma_wait3A_57 = arith.constant 0 : i32
      %dma_wait3A_58 = arith.constant 0 : i32
      %dma_wait3A_59 = tpu.memref_slice %arg4[%add3A, %dma_wait3A_57, %dma_wait3A_58] : memref<32x79x128xi32, #tpu.memory_space<hbm>> -> memref<1x79x128xi32, #tpu.memory_space<hbm>>
      %dma_wait3A_60 = tpu.memref_squeeze %dma_wait3A_59 : memref<1x79x128xi32, #tpu.memory_space<hbm>> -> memref<79x128xi32, #tpu.memory_space<hbm>>
      %dma_wait3A_61 = arith.constant 0 : i32
      %dma_wait3A_62 = arith.constant 0 : i32
      %dma_wait3A_63 = tpu.memref_slice %arg4[%add3A, %dma_wait3A_61, %dma_wait3A_62] : memref<32x79x128xi32, #tpu.memory_space<hbm>> -> memref<1x79x128xi32, #tpu.memory_space<hbm>>
      %dma_wait3A_64 = tpu.memref_squeeze %dma_wait3A_63 : memref<1x79x128xi32, #tpu.memory_space<hbm>> -> memref<79x128xi32, #tpu.memory_space<hbm>>
      tpu.wait_dma2 semaphore(%run_scoped3A : memref<!tpu.dma_semaphore, #tpu.memory_space<semaphore_mem>>) src(%dma_wait3A_64 : memref<79x128xi32, #tpu.memory_space<hbm>>) dst(%arg8 : memref<79x128xi32, #tpu.memory_space<vmem>>)
      tpu.yield
    }) : () -> ()
    %mul3A_1 = arith.constant 640 : i32
    %mul3A_2 = arith.muli %arg1, %mul3A_1 : i32
    "tpu.region"() ({
      %run_scoped3A = tpu.sem_alloc : memref<!tpu.dma_semaphore, #tpu.memory_space<semaphore_mem>>
      %dma_start3A_49 = arith.constant 0 : i32
      %dma_start3A_50 = tpu.memref_slice %arg15[%mul3A_2, %dma_start3A_49] : memref<10240x128xbf16, #tpu.memory_space<vmem_shared>> -> memref<640x128xbf16, #tpu.memory_space<vmem_shared>>
      tpu.enqueue_dma source(%arg5 : memref<640x128xbf16, #tpu.memory_space<hbm>>) target(%dma_start3A_50 : memref<640x128xbf16, #tpu.memory_space<vmem_shared>>) target_semaphore(%run_scoped3A : memref<!tpu.dma_semaphore, #tpu.memory_space<semaphore_mem>>)
      %dma_wait3A_51 = arith.constant 0 : i32
      %dma_wait3A_52 = tpu.memref_slice %arg15[%mul3A_2, %dma_wait3A_51] : memref<10240x128xbf16, #tpu.memory_space<vmem_shared>> -> memref<640x128xbf16, #tpu.memory_space<vmem_shared>>
      tpu.wait_dma2 semaphore(%run_scoped3A : memref<!tpu.dma_semaphore, #tpu.memory_space<semaphore_mem>>) src(%arg5 : memref<640x128xbf16, #tpu.memory_space<hbm>>) dst(%dma_wait3A_52 : memref<640x128xbf16, #tpu.memory_space<vmem_shared>>)
      tpu.yield
    }) : () -> ()
    %dma_start3A = arith.constant 0 : i32
    %dma_start3A_3 = arith.constant 0 : i32
    %dma_start3A_4 = tpu.memref_slice %arg7[%dma_start3A, %dma_start3A_3] : memref<79x128xi32, #tpu.memory_space<vmem>> -> memref<1x128xi32, #tpu.memory_space<vmem>>
    %dma_start3A_5 = tpu.memref_squeeze %dma_start3A_4 : memref<1x128xi32, #tpu.memory_space<vmem>> -> memref<128xi32, #tpu.memory_space<vmem>>
    %dma_start3A_6 = arith.constant 0 : i32
    %dma_start3A_7 = arith.constant 0 : i32
    %dma_start3A_8 = tpu.memref_slice %arg2[%dma_start3A_6, %dma_start3A_7] : memref<10000x128xbf16, #tpu.memory_space<hbm>> -> memref<10000x128xbf16, #tpu.memory_space<hbm>>
    tpu.enqueue_indirect_dma source(%dma_start3A_8 : memref<10000x128xbf16, #tpu.memory_space<hbm>>) target(%arg9 : memref<128x128xbf16, #tpu.memory_space<vmem>>) offsets(%dma_start3A_5 : memref<128xi32, #tpu.memory_space<vmem>>) semaphore(%arg16 : memref<!tpu.dma_semaphore, #tpu.memory_space<semaphore_mem>>)
    %dma_start3A_9 = arith.constant 1 : i32
    %dma_start3A_10 = arith.constant 0 : i32
    %dma_start3A_11 = tpu.memref_slice %arg7[%dma_start3A_9, %dma_start3A_10] : memref<79x128xi32, #tpu.memory_space<vmem>> -> memref<1x128xi32, #tpu.memory_space<vmem>>
    %dma_start3A_12 = tpu.memref_squeeze %dma_start3A_11 : memref<1x128xi32, #tpu.memory_space<vmem>> -> memref<128xi32, #tpu.memory_space<vmem>>
    %dma_start3A_13 = arith.constant 0 : i32
    %dma_start3A_14 = arith.constant 0 : i32
    %dma_start3A_15 = tpu.memref_slice %arg2[%dma_start3A_13, %dma_start3A_14] : memref<10000x128xbf16, #tpu.memory_space<hbm>> -> memref<10000x128xbf16, #tpu.memory_space<hbm>>
    tpu.enqueue_indirect_dma source(%dma_start3A_15 : memref<10000x128xbf16, #tpu.memory_space<hbm>>) target(%arg10 : memref<128x128xbf16, #tpu.memory_space<vmem>>) offsets(%dma_start3A_12 : memref<128xi32, #tpu.memory_space<vmem>>) semaphore(%arg17 : memref<!tpu.dma_semaphore, #tpu.memory_space<semaphore_mem>>)
    %dma_start3A_16 = arith.constant 2 : i32
    %dma_start3A_17 = arith.constant 0 : i32
    %dma_start3A_18 = tpu.memref_slice %arg7[%dma_start3A_16, %dma_start3A_17] : memref<79x128xi32, #tpu.memory_space<vmem>> -> memref<1x128xi32, #tpu.memory_space<vmem>>
    %dma_start3A_19 = tpu.memref_squeeze %dma_start3A_18 : memref<1x128xi32, #tpu.memory_space<vmem>> -> memref<128xi32, #tpu.memory_space<vmem>>
    %dma_start3A_20 = arith.constant 0 : i32
    %dma_start3A_21 = arith.constant 0 : i32
    %dma_start3A_22 = tpu.memref_slice %arg2[%dma_start3A_20, %dma_start3A_21] : memref<10000x128xbf16, #tpu.memory_space<hbm>> -> memref<10000x128xbf16, #tpu.memory_space<hbm>>
    tpu.enqueue_indirect_dma source(%dma_start3A_22 : memref<10000x128xbf16, #tpu.memory_space<hbm>>) target(%arg11 : memref<128x128xbf16, #tpu.memory_space<vmem>>) offsets(%dma_start3A_19 : memref<128xi32, #tpu.memory_space<vmem>>) semaphore(%arg18 : memref<!tpu.dma_semaphore, #tpu.memory_space<semaphore_mem>>)
    %dma_start3A_23 = arith.constant 3 : i32
    %dma_start3A_24 = arith.constant 0 : i32
    %dma_start3A_25 = tpu.memref_slice %arg7[%dma_start3A_23, %dma_start3A_24] : memref<79x128xi32, #tpu.memory_space<vmem>> -> memref<1x128xi32, #tpu.memory_space<vmem>>
    %dma_start3A_26 = tpu.memref_squeeze %dma_start3A_25 : memref<1x128xi32, #tpu.memory_space<vmem>> -> memref<128xi32, #tpu.memory_space<vmem>>
    %dma_start3A_27 = arith.constant 0 : i32
    %dma_start3A_28 = arith.constant 0 : i32
    %dma_start3A_29 = tpu.memref_slice %arg2[%dma_start3A_27, %dma_start3A_28] : memref<10000x128xbf16, #tpu.memory_space<hbm>> -> memref<10000x128xbf16, #tpu.memory_space<hbm>>
    tpu.enqueue_indirect_dma source(%dma_start3A_29 : memref<10000x128xbf16, #tpu.memory_space<hbm>>) target(%arg12 : memref<128x128xbf16, #tpu.memory_space<vmem>>) offsets(%dma_start3A_26 : memref<128xi32, #tpu.memory_space<vmem>>) semaphore(%arg19 : memref<!tpu.dma_semaphore, #tpu.memory_space<semaphore_mem>>)
    %barrier3A = arith.constant 0 : index
    tpu.barrier barrier_id(%barrier3A)
    %scan3A = arith.constant 0 : i32
    %scan3A_30 = arith.constant 0 : i32
    %scan3A_31 = arith.constant 14 : i32
    %scan3A_32 = arith.addi %scan3A_30, %scan3A_31 : i32
    %scan3A_33 = arith.constant 1 : i32
    scf.for %scan3A_49 = %scan3A_30 to %scan3A_32 step %scan3A_33  : i32 {
      %mul3A_50 = arith.constant 6 : i32
      %mul3A_51 = arith.muli %scan3A_49, %mul3A_50 : i32
      %dma_wait3A_52 = arith.constant 0 : i32
      %dma_wait3A_53 = arith.constant 0 : i32
      %dma_wait3A_54 = tpu.memref_slice %arg7[%dma_wait3A_52, %dma_wait3A_53] : memref<79x128xi32, #tpu.memory_space<vmem>> -> memref<1x128xi32, #tpu.memory_space<vmem>>
      %dma_wait3A_55 = tpu.memref_squeeze %dma_wait3A_54 : memref<1x128xi32, #tpu.memory_space<vmem>> -> memref<128xi32, #tpu.memory_space<vmem>>
      %dma_wait3A_56 = arith.constant 0 : i32
      %dma_wait3A_57 = arith.constant 0 : i32
      %dma_wait3A_58 = tpu.memref_slice %arg2[%dma_wait3A_56, %dma_wait3A_57] : memref<10000x128xbf16, #tpu.memory_space<hbm>> -> memref<10000x128xbf16, #tpu.memory_space<hbm>>
      tpu.wait_indirect_dma semaphore(%arg16 : memref<!tpu.dma_semaphore, #tpu.memory_space<semaphore_mem>>) src(%dma_wait3A_58 : memref<10000x128xbf16, #tpu.memory_space<hbm>>) dst(%arg9 : memref<128x128xbf16, #tpu.memory_space<vmem>>)
      %ge3A = arith.constant 2 : i32
      %ge3A_59 = arith.cmpi sge, %mul3A_51, %ge3A : i32
      %convert_element_type3A = arith.extui %ge3A_59 : i1 to i32
      %cond3A = arith.constant 0 : i32
      %cond3A_60 = arith.cmpi ne, %convert_element_type3A, %cond3A : i32
      scf.if %cond3A_60 {
        %dma_wait3A_108 = arith.constant 0 : i32
        %dma_wait3A_109 = arith.constant 0 : i32
        %dma_wait3A_110 = tpu.memref_slice %arg8[%dma_wait3A_108, %dma_wait3A_109] : memref<79x128xi32, #tpu.memory_space<vmem>> -> memref<1x128xi32, #tpu.memory_space<vmem>>
        %dma_wait3A_111 = tpu.memref_squeeze %dma_wait3A_110 : memref<1x128xi32, #tpu.memory_space<vmem>> -> memref<128xi32, #tpu.memory_space<vmem>>
        %dma_wait3A_112 = arith.constant 0 : i32
        %dma_wait3A_113 = arith.constant 0 : i32
        %dma_wait3A_114 = tpu.memref_slice %arg15[%dma_wait3A_112, %dma_wait3A_113] : memref<10240x128xbf16, #tpu.memory_space<vmem_shared>> -> memref<10240x128xbf16, #tpu.memory_space<vmem_shared>>
        tpu.wait_indirect_dma semaphore(%arg26 : memref<!tpu.dma_semaphore, #tpu.memory_space<semaphore_mem>>) src(%arg13 : memref<128x128xbf16, #tpu.memory_space<vmem>>) dst(%dma_wait3A_114 : memref<10240x128xbf16, #tpu.memory_space<vmem_shared>>)
      } else {
      }
      %dma_start3A_61 = arith.constant 0 : i32
      %dma_start3A_62 = tpu.memref_slice %arg8[%mul3A_51, %dma_start3A_61] : memref<79x128xi32, #tpu.memory_space<vmem>> -> memref<1x128xi32, #tpu.memory_space<vmem>>
      %dma_start3A_63 = tpu.memref_squeeze %dma_start3A_62 : memref<1x128xi32, #tpu.memory_space<vmem>> -> memref<128xi32, #tpu.memory_space<vmem>>
      %dma_start3A_64 = arith.constant 0 : i32
      %dma_start3A_65 = arith.constant 0 : i32
      %dma_start3A_66 = tpu.memref_slice %arg15[%dma_start3A_64, %dma_start3A_65] : memref<10240x128xbf16, #tpu.memory_space<vmem_shared>> -> memref<10240x128xbf16, #tpu.memory_space<vmem_shared>>
      tpu.enqueue_indirect_dma source(%arg9 : memref<128x128xbf16, #tpu.memory_space<vmem>>) target(%dma_start3A_66 : memref<10240x128xbf16, #tpu.memory_space<vmem_shared>>) offsets(%dma_start3A_63 : memref<128xi32, #tpu.memory_space<vmem>>) semaphore(%arg22 : memref<!tpu.dma_semaphore, #tpu.memory_space<semaphore_mem>>) {add = true}
      %add3A_67 = arith.constant 4 : i32
      %add3A_68 = arith.addi %mul3A_51, %add3A_67 : i32
      %lt3A = arith.constant 79 : i32
      %lt3A_69 = arith.cmpi slt, %add3A_68, %lt3A : i32
      %convert_element_type3A_70 = arith.extui %lt3A_69 : i1 to i32
      %cond3A_71 = arith.constant 0 : i32
      %cond3A_72 = arith.cmpi ne, %convert_element_type3A_70, %cond3A_71 : i32
      scf.if %cond3A_72 {
        %add3A_108 = arith.constant 4 : i32
        %add3A_109 = arith.addi %mul3A_51, %add3A_108 : i32
        %dma_start3A_110 = arith.constant 0 : i32
        %dma_start3A_111 = tpu.memref_slice %arg7[%add3A_109, %dma_start3A_110] : memref<79x128xi32, #tpu.memory_space<vmem>> -> memref<1x128xi32, #tpu.memory_space<vmem>>
        %dma_start3A_112 = tpu.memref_squeeze %dma_start3A_111 : memref<1x128xi32, #tpu.memory_space<vmem>> -> memref<128xi32, #tpu.memory_space<vmem>>
        %dma_start3A_113 = arith.constant 0 : i32
        %dma_start3A_114 = arith.constant 0 : i32
        %dma_start3A_115 = tpu.memref_slice %arg2[%dma_start3A_113, %dma_start3A_114] : memref<10000x128xbf16, #tpu.memory_space<hbm>> -> memref<10000x128xbf16, #tpu.memory_space<hbm>>
        tpu.enqueue_indirect_dma source(%dma_start3A_115 : memref<10000x128xbf16, #tpu.memory_space<hbm>>) target(%arg13 : memref<128x128xbf16, #tpu.memory_space<vmem>>) offsets(%dma_start3A_112 : memref<128xi32, #tpu.memory_space<vmem>>) semaphore(%arg20 : memref<!tpu.dma_semaphore, #tpu.memory_space<semaphore_mem>>)
      } else {
      }
      %add3A_73 = arith.constant 1 : i32
      %add3A_74 = arith.addi %mul3A_51, %add3A_73 : i32
      %lt3A_75 = arith.constant 79 : i32
      %lt3A_76 = arith.cmpi slt, %add3A_74, %lt3A_75 : i32
      %convert_element_type3A_77 = arith.extui %lt3A_76 : i1 to i32
      %cond3A_78 = arith.constant 0 : i32
      %cond3A_79 = arith.cmpi ne, %convert_element_type3A_77, %cond3A_78 : i32
      scf.if %cond3A_79 {
        %add3A_108 = arith.constant 1 : i32
        %add3A_109 = arith.addi %mul3A_51, %add3A_108 : i32
        %dma_wait3A_110 = arith.constant 0 : i32
        %dma_wait3A_111 = arith.constant 0 : i32
        %dma_wait3A_112 = tpu.memref_slice %arg7[%dma_wait3A_110, %dma_wait3A_111] : memref<79x128xi32, #tpu.memory_space<vmem>> -> memref<1x128xi32, #tpu.memory_space<vmem>>
        %dma_wait3A_113 = tpu.memref_squeeze %dma_wait3A_112 : memref<1x128xi32, #tpu.memory_space<vmem>> -> memref<128xi32, #tpu.memory_space<vmem>>
        %dma_wait3A_114 = arith.constant 0 : i32
        %dma_wait3A_115 = arith.constant 0 : i32
        %dma_wait3A_116 = tpu.memref_slice %arg2[%dma_wait3A_114, %dma_wait3A_115] : memref<10000x128xbf16, #tpu.memory_space<hbm>> -> memref<10000x128xbf16, #tpu.memory_space<hbm>>
        tpu.wait_indirect_dma semaphore(%arg17 : memref<!tpu.dma_semaphore, #tpu.memory_space<semaphore_mem>>) src(%dma_wait3A_116 : memref<10000x128xbf16, #tpu.memory_space<hbm>>) dst(%arg10 : memref<128x128xbf16, #tpu.memory_space<vmem>>)
        %ge3A_117 = arith.constant 2 : i32
        %ge3A_118 = arith.cmpi sge, %add3A_109, %ge3A_117 : i32
        %convert_element_type3A_119 = arith.extui %ge3A_118 : i1 to i32
        %cond3A_120 = arith.constant 0 : i32
        %cond3A_121 = arith.cmpi ne, %convert_element_type3A_119, %cond3A_120 : i32
        scf.if %cond3A_121 {
          %dma_wait3A_135 = arith.constant 0 : i32
          %dma_wait3A_136 = arith.constant 0 : i32
          %dma_wait3A_137 = tpu.memref_slice %arg8[%dma_wait3A_135, %dma_wait3A_136] : memref<79x128xi32, #tpu.memory_space<vmem>> -> memref<1x128xi32, #tpu.memory_space<vmem>>
          %dma_wait3A_138 = tpu.memref_squeeze %dma_wait3A_137 : memref<1x128xi32, #tpu.memory_space<vmem>> -> memref<128xi32, #tpu.memory_space<vmem>>
          %dma_wait3A_139 = arith.constant 0 : i32
          %dma_wait3A_140 = arith.constant 0 : i32
          %dma_wait3A_141 = tpu.memref_slice %arg15[%dma_wait3A_139, %dma_wait3A_140] : memref<10240x128xbf16, #tpu.memory_space<vmem_shared>> -> memref<10240x128xbf16, #tpu.memory_space<vmem_shared>>
          tpu.wait_indirect_dma semaphore(%arg27 : memref<!tpu.dma_semaphore, #tpu.memory_space<semaphore_mem>>) src(%arg14 : memref<128x128xbf16, #tpu.memory_space<vmem>>) dst(%dma_wait3A_141 : memref<10240x128xbf16, #tpu.memory_space<vmem_shared>>)
        } else {
        }
        %dma_start3A_122 = arith.constant 0 : i32
        %dma_start3A_123 = tpu.memref_slice %arg8[%add3A_109, %dma_start3A_122] : memref<79x128xi32, #tpu.memory_space<vmem>> -> memref<1x128xi32, #tpu.memory_space<vmem>>
        %dma_start3A_124 = tpu.memref_squeeze %dma_start3A_123 : memref<1x128xi32, #tpu.memory_space<vmem>> -> memref<128xi32, #tpu.memory_space<vmem>>
        %dma_start3A_125 = arith.constant 0 : i32
        %dma_start3A_126 = arith.constant 0 : i32
        %dma_start3A_127 = tpu.memref_slice %arg15[%dma_start3A_125, %dma_start3A_126] : memref<10240x128xbf16, #tpu.memory_space<vmem_shared>> -> memref<10240x128xbf16, #tpu.memory_space<vmem_shared>>
        tpu.enqueue_indirect_dma source(%arg10 : memref<128x128xbf16, #tpu.memory_space<vmem>>) target(%dma_start3A_127 : memref<10240x128xbf16, #tpu.memory_space<vmem_shared>>) offsets(%dma_start3A_124 : memref<128xi32, #tpu.memory_space<vmem>>) semaphore(%arg23 : memref<!tpu.dma_semaphore, #tpu.memory_space<semaphore_mem>>) {add = true}
        %add3A_128 = arith.constant 4 : i32
        %add3A_129 = arith.addi %add3A_109, %add3A_128 : i32
        %lt3A_130 = arith.constant 79 : i32
        %lt3A_131 = arith.cmpi slt, %add3A_129, %lt3A_130 : i32
        %convert_element_type3A_132 = arith.extui %lt3A_131 : i1 to i32
        %cond3A_133 = arith.constant 0 : i32
        %cond3A_134 = arith.cmpi ne, %convert_element_type3A_132, %cond3A_133 : i32
        scf.if %cond3A_134 {
          %add3A_135 = arith.constant 4 : i32
          %add3A_136 = arith.addi %add3A_109, %add3A_135 : i32
          %dma_start3A_137 = arith.constant 0 : i32
          %dma_start3A_138 = tpu.memref_slice %arg7[%add3A_136, %dma_start3A_137] : memref<79x128xi32, #tpu.memory_space<vmem>> -> memref<1x128xi32, #tpu.memory_space<vmem>>
          %dma_start3A_139 = tpu.memref_squeeze %dma_start3A_138 : memref<1x128xi32, #tpu.memory_space<vmem>> -> memref<128xi32, #tpu.memory_space<vmem>>
          %dma_start3A_140 = arith.constant 0 : i32
          %dma_start3A_141 = arith.constant 0 : i32
          %dma_start3A_142 = tpu.memref_slice %arg2[%dma_start3A_140, %dma_start3A_141] : memref<10000x128xbf16, #tpu.memory_space<hbm>> -> memref<10000x128xbf16, #tpu.memory_space<hbm>>
          tpu.enqueue_indirect_dma source(%dma_start3A_142 : memref<10000x128xbf16, #tpu.memory_space<hbm>>) target(%arg14 : memref<128x128xbf16, #tpu.memory_space<vmem>>) offsets(%dma_start3A_139 : memref<128xi32, #tpu.memory_space<vmem>>) semaphore(%arg21 : memref<!tpu.dma_semaphore, #tpu.memory_space<semaphore_mem>>)
        } else {
        }
      } else {
      }
      %add3A_80 = arith.constant 2 : i32
      %add3A_81 = arith.addi %mul3A_51, %add3A_80 : i32
      %lt3A_82 = arith.constant 79 : i32
      %lt3A_83 = arith.cmpi slt, %add3A_81, %lt3A_82 : i32
      %convert_element_type3A_84 = arith.extui %lt3A_83 : i1 to i32
      %cond3A_85 = arith.constant 0 : i32
      %cond3A_86 = arith.cmpi ne, %convert_element_type3A_84, %cond3A_85 : i32
      scf.if %cond3A_86 {
        %add3A_108 = arith.constant 2 : i32
        %add3A_109 = arith.addi %mul3A_51, %add3A_108 : i32
        %dma_wait3A_110 = arith.constant 0 : i32
        %dma_wait3A_111 = arith.constant 0 : i32
        %dma_wait3A_112 = tpu.memref_slice %arg7[%dma_wait3A_110, %dma_wait3A_111] : memref<79x128xi32, #tpu.memory_space<vmem>> -> memref<1x128xi32, #tpu.memory_space<vmem>>
        %dma_wait3A_113 = tpu.memref_squeeze %dma_wait3A_112 : memref<1x128xi32, #tpu.memory_space<vmem>> -> memref<128xi32, #tpu.memory_space<vmem>>
        %dma_wait3A_114 = arith.constant 0 : i32
        %dma_wait3A_115 = arith.constant 0 : i32
        %dma_wait3A_116 = tpu.memref_slice %arg2[%dma_wait3A_114, %dma_wait3A_115] : memref<10000x128xbf16, #tpu.memory_space<hbm>> -> memref<10000x128xbf16, #tpu.memory_space<hbm>>
        tpu.wait_indirect_dma semaphore(%arg18 : memref<!tpu.dma_semaphore, #tpu.memory_space<semaphore_mem>>) src(%dma_wait3A_116 : memref<10000x128xbf16, #tpu.memory_space<hbm>>) dst(%arg11 : memref<128x128xbf16, #tpu.memory_space<vmem>>)
        %ge3A_117 = arith.constant 2 : i32
        %ge3A_118 = arith.cmpi sge, %add3A_109, %ge3A_117 : i32
        %convert_element_type3A_119 = arith.extui %ge3A_118 : i1 to i32
        %cond3A_120 = arith.constant 0 : i32
        %cond3A_121 = arith.cmpi ne, %convert_element_type3A_119, %cond3A_120 : i32
        scf.if %cond3A_121 {
          %dma_wait3A_135 = arith.constant 0 : i32
          %dma_wait3A_136 = arith.constant 0 : i32
          %dma_wait3A_137 = tpu.memref_slice %arg8[%dma_wait3A_135, %dma_wait3A_136] : memref<79x128xi32, #tpu.memory_space<vmem>> -> memref<1x128xi32, #tpu.memory_space<vmem>>
          %dma_wait3A_138 = tpu.memref_squeeze %dma_wait3A_137 : memref<1x128xi32, #tpu.memory_space<vmem>> -> memref<128xi32, #tpu.memory_space<vmem>>
          %dma_wait3A_139 = arith.constant 0 : i32
          %dma_wait3A_140 = arith.constant 0 : i32
          %dma_wait3A_141 = tpu.memref_slice %arg15[%dma_wait3A_139, %dma_wait3A_140] : memref<10240x128xbf16, #tpu.memory_space<vmem_shared>> -> memref<10240x128xbf16, #tpu.memory_space<vmem_shared>>
          tpu.wait_indirect_dma semaphore(%arg22 : memref<!tpu.dma_semaphore, #tpu.memory_space<semaphore_mem>>) src(%arg9 : memref<128x128xbf16, #tpu.memory_space<vmem>>) dst(%dma_wait3A_141 : memref<10240x128xbf16, #tpu.memory_space<vmem_shared>>)
        } else {
        }
        %dma_start3A_122 = arith.constant 0 : i32
        %dma_start3A_123 = tpu.memref_slice %arg8[%add3A_109, %dma_start3A_122] : memref<79x128xi32, #tpu.memory_space<vmem>> -> memref<1x128xi32, #tpu.memory_space<vmem>>
        %dma_start3A_124 = tpu.memref_squeeze %dma_start3A_123 : memref<1x128xi32, #tpu.memory_space<vmem>> -> memref<128xi32, #tpu.memory_space<vmem>>
        %dma_start3A_125 = arith.constant 0 : i32
        %dma_start3A_126 = arith.constant 0 : i32
        %dma_start3A_127 = tpu.memref_slice %arg15[%dma_start3A_125, %dma_start3A_126] : memref<10240x128xbf16, #tpu.memory_space<vmem_shared>> -> memref<10240x128xbf16, #tpu.memory_space<vmem_shared>>
        tpu.enqueue_indirect_dma source(%arg11 : memref<128x128xbf16, #tpu.memory_space<vmem>>) target(%dma_start3A_127 : memref<10240x128xbf16, #tpu.memory_space<vmem_shared>>) offsets(%dma_start3A_124 : memref<128xi32, #tpu.memory_space<vmem>>) semaphore(%arg24 : memref<!tpu.dma_semaphore, #tpu.memory_space<semaphore_mem>>) {add = true}
        %add3A_128 = arith.constant 4 : i32
        %add3A_129 = arith.addi %add3A_109, %add3A_128 : i32
        %lt3A_130 = arith.constant 79 : i32
        %lt3A_131 = arith.cmpi slt, %add3A_129, %lt3A_130 : i32
        %convert_element_type3A_132 = arith.extui %lt3A_131 : i1 to i32
        %cond3A_133 = arith.constant 0 : i32
        %cond3A_134 = arith.cmpi ne, %convert_element_type3A_132, %cond3A_133 : i32
        scf.if %cond3A_134 {
          %add3A_135 = arith.constant 4 : i32
          %add3A_136 = arith.addi %add3A_109, %add3A_135 : i32
          %dma_start3A_137 = arith.constant 0 : i32
          %dma_start3A_138 = tpu.memref_slice %arg7[%add3A_136, %dma_start3A_137] : memref<79x128xi32, #tpu.memory_space<vmem>> -> memref<1x128xi32, #tpu.memory_space<vmem>>
          %dma_start3A_139 = tpu.memref_squeeze %dma_start3A_138 : memref<1x128xi32, #tpu.memory_space<vmem>> -> memref<128xi32, #tpu.memory_space<vmem>>
          %dma_start3A_140 = arith.constant 0 : i32
          %dma_start3A_141 = arith.constant 0 : i32
          %dma_start3A_142 = tpu.memref_slice %arg2[%dma_start3A_140, %dma_start3A_141] : memref<10000x128xbf16, #tpu.memory_space<hbm>> -> memref<10000x128xbf16, #tpu.memory_space<hbm>>
          tpu.enqueue_indirect_dma source(%dma_start3A_142 : memref<10000x128xbf16, #tpu.memory_space<hbm>>) target(%arg9 : memref<128x128xbf16, #tpu.memory_space<vmem>>) offsets(%dma_start3A_139 : memref<128xi32, #tpu.memory_space<vmem>>) semaphore(%arg16 : memref<!tpu.dma_semaphore, #tpu.memory_space<semaphore_mem>>)
        } else {
        }
      } else {
      }
      %add3A_87 = arith.constant 3 : i32
      %add3A_88 = arith.addi %mul3A_51, %add3A_87 : i32
      %lt3A_89 = arith.constant 79 : i32
      %lt3A_90 = arith.cmpi slt, %add3A_88, %lt3A_89 : i32
      %convert_element_type3A_91 = arith.extui %lt3A_90 : i1 to i32
      %cond3A_92 = arith.constant 0 : i32
      %cond3A_93 = arith.cmpi ne, %convert_element_type3A_91, %cond3A_92 : i32
      scf.if %cond3A_93 {
        %add3A_108 = arith.constant 3 : i32
        %add3A_109 = arith.addi %mul3A_51, %add3A_108 : i32
        %dma_wait3A_110 = arith.constant 0 : i32
        %dma_wait3A_111 = arith.constant 0 : i32
        %dma_wait3A_112 = tpu.memref_slice %arg7[%dma_wait3A_110, %dma_wait3A_111] : memref<79x128xi32, #tpu.memory_space<vmem>> -> memref<1x128xi32, #tpu.memory_space<vmem>>
        %dma_wait3A_113 = tpu.memref_squeeze %dma_wait3A_112 : memref<1x128xi32, #tpu.memory_space<vmem>> -> memref<128xi32, #tpu.memory_space<vmem>>
        %dma_wait3A_114 = arith.constant 0 : i32
        %dma_wait3A_115 = arith.constant 0 : i32
        %dma_wait3A_116 = tpu.memref_slice %arg2[%dma_wait3A_114, %dma_wait3A_115] : memref<10000x128xbf16, #tpu.memory_space<hbm>> -> memref<10000x128xbf16, #tpu.memory_space<hbm>>
        tpu.wait_indirect_dma semaphore(%arg19 : memref<!tpu.dma_semaphore, #tpu.memory_space<semaphore_mem>>) src(%dma_wait3A_116 : memref<10000x128xbf16, #tpu.memory_space<hbm>>) dst(%arg12 : memref<128x128xbf16, #tpu.memory_space<vmem>>)
        %ge3A_117 = arith.constant 2 : i32
        %ge3A_118 = arith.cmpi sge, %add3A_109, %ge3A_117 : i32
        %convert_element_type3A_119 = arith.extui %ge3A_118 : i1 to i32
        %cond3A_120 = arith.constant 0 : i32
        %cond3A_121 = arith.cmpi ne, %convert_element_type3A_119, %cond3A_120 : i32
        scf.if %cond3A_121 {
          %dma_wait3A_135 = arith.constant 0 : i32
          %dma_wait3A_136 = arith.constant 0 : i32
          %dma_wait3A_137 = tpu.memref_slice %arg8[%dma_wait3A_135, %dma_wait3A_136] : memref<79x128xi32, #tpu.memory_space<vmem>> -> memref<1x128xi32, #tpu.memory_space<vmem>>
          %dma_wait3A_138 = tpu.memref_squeeze %dma_wait3A_137 : memref<1x128xi32, #tpu.memory_space<vmem>> -> memref<128xi32, #tpu.memory_space<vmem>>
          %dma_wait3A_139 = arith.constant 0 : i32
          %dma_wait3A_140 = arith.constant 0 : i32
          %dma_wait3A_141 = tpu.memref_slice %arg15[%dma_wait3A_139, %dma_wait3A_140] : memref<10240x128xbf16, #tpu.memory_space<vmem_shared>> -> memref<10240x128xbf16, #tpu.memory_space<vmem_shared>>
          tpu.wait_indirect_dma semaphore(%arg23 : memref<!tpu.dma_semaphore, #tpu.memory_space<semaphore_mem>>) src(%arg10 : memref<128x128xbf16, #tpu.memory_space<vmem>>) dst(%dma_wait3A_141 : memref<10240x128xbf16, #tpu.memory_space<vmem_shared>>)
        } else {
        }
        %dma_start3A_122 = arith.constant 0 : i32
        %dma_start3A_123 = tpu.memref_slice %arg8[%add3A_109, %dma_start3A_122] : memref<79x128xi32, #tpu.memory_space<vmem>> -> memref<1x128xi32, #tpu.memory_space<vmem>>
        %dma_start3A_124 = tpu.memref_squeeze %dma_start3A_123 : memref<1x128xi32, #tpu.memory_space<vmem>> -> memref<128xi32, #tpu.memory_space<vmem>>
        %dma_start3A_125 = arith.constant 0 : i32
        %dma_start3A_126 = arith.constant 0 : i32
        %dma_start3A_127 = tpu.memref_slice %arg15[%dma_start3A_125, %dma_start3A_126] : memref<10240x128xbf16, #tpu.memory_space<vmem_shared>> -> memref<10240x128xbf16, #tpu.memory_space<vmem_shared>>
        tpu.enqueue_indirect_dma source(%arg12 : memref<128x128xbf16, #tpu.memory_space<vmem>>) target(%dma_start3A_127 : memref<10240x128xbf16, #tpu.memory_space<vmem_shared>>) offsets(%dma_start3A_124 : memref<128xi32, #tpu.memory_space<vmem>>) semaphore(%arg25 : memref<!tpu.dma_semaphore, #tpu.memory_space<semaphore_mem>>) {add = true}
        %add3A_128 = arith.constant 4 : i32
        %add3A_129 = arith.addi %add3A_109, %add3A_128 : i32
        %lt3A_130 = arith.constant 79 : i32
        %lt3A_131 = arith.cmpi slt, %add3A_129, %lt3A_130 : i32
        %convert_element_type3A_132 = arith.extui %lt3A_131 : i1 to i32
        %cond3A_133 = arith.constant 0 : i32
        %cond3A_134 = arith.cmpi ne, %convert_element_type3A_132, %cond3A_133 : i32
        scf.if %cond3A_134 {
          %add3A_135 = arith.constant 4 : i32
          %add3A_136 = arith.addi %add3A_109, %add3A_135 : i32
          %dma_start3A_137 = arith.constant 0 : i32
          %dma_start3A_138 = tpu.memref_slice %arg7[%add3A_136, %dma_start3A_137] : memref<79x128xi32, #tpu.memory_space<vmem>> -> memref<1x128xi32, #tpu.memory_space<vmem>>
          %dma_start3A_139 = tpu.memref_squeeze %dma_start3A_138 : memref<1x128xi32, #tpu.memory_space<vmem>> -> memref<128xi32, #tpu.memory_space<vmem>>
          %dma_start3A_140 = arith.constant 0 : i32
          %dma_start3A_141 = arith.constant 0 : i32
          %dma_start3A_142 = tpu.memref_slice %arg2[%dma_start3A_140, %dma_start3A_141] : memref<10000x128xbf16, #tpu.memory_space<hbm>> -> memref<10000x128xbf16, #tpu.memory_space<hbm>>
          tpu.enqueue_indirect_dma source(%dma_start3A_142 : memref<10000x128xbf16, #tpu.memory_space<hbm>>) target(%arg10 : memref<128x128xbf16, #tpu.memory_space<vmem>>) offsets(%dma_start3A_139 : memref<128xi32, #tpu.memory_space<vmem>>) semaphore(%arg17 : memref<!tpu.dma_semaphore, #tpu.memory_space<semaphore_mem>>)
        } else {
        }
      } else {
      }
      %add3A_94 = arith.constant 4 : i32
      %add3A_95 = arith.addi %mul3A_51, %add3A_94 : i32
      %lt3A_96 = arith.constant 79 : i32
      %lt3A_97 = arith.cmpi slt, %add3A_95, %lt3A_96 : i32
      %convert_element_type3A_98 = arith.extui %lt3A_97 : i1 to i32
      %cond3A_99 = arith.constant 0 : i32
      %cond3A_100 = arith.cmpi ne, %convert_element_type3A_98, %cond3A_99 : i32
      scf.if %cond3A_100 {
        %add3A_108 = arith.constant 4 : i32
        %add3A_109 = arith.addi %mul3A_51, %add3A_108 : i32
        %dma_wait3A_110 = arith.constant 0 : i32
        %dma_wait3A_111 = arith.constant 0 : i32
        %dma_wait3A_112 = tpu.memref_slice %arg7[%dma_wait3A_110, %dma_wait3A_111] : memref<79x128xi32, #tpu.memory_space<vmem>> -> memref<1x128xi32, #tpu.memory_space<vmem>>
        %dma_wait3A_113 = tpu.memref_squeeze %dma_wait3A_112 : memref<1x128xi32, #tpu.memory_space<vmem>> -> memref<128xi32, #tpu.memory_space<vmem>>
        %dma_wait3A_114 = arith.constant 0 : i32
        %dma_wait3A_115 = arith.constant 0 : i32
        %dma_wait3A_116 = tpu.memref_slice %arg2[%dma_wait3A_114, %dma_wait3A_115] : memref<10000x128xbf16, #tpu.memory_space<hbm>> -> memref<10000x128xbf16, #tpu.memory_space<hbm>>
        tpu.wait_indirect_dma semaphore(%arg20 : memref<!tpu.dma_semaphore, #tpu.memory_space<semaphore_mem>>) src(%dma_wait3A_116 : memref<10000x128xbf16, #tpu.memory_space<hbm>>) dst(%arg13 : memref<128x128xbf16, #tpu.memory_space<vmem>>)
        %ge3A_117 = arith.constant 2 : i32
        %ge3A_118 = arith.cmpi sge, %add3A_109, %ge3A_117 : i32
        %convert_element_type3A_119 = arith.extui %ge3A_118 : i1 to i32
        %cond3A_120 = arith.constant 0 : i32
        %cond3A_121 = arith.cmpi ne, %convert_element_type3A_119, %cond3A_120 : i32
        scf.if %cond3A_121 {
          %dma_wait3A_135 = arith.constant 0 : i32
          %dma_wait3A_136 = arith.constant 0 : i32
          %dma_wait3A_137 = tpu.memref_slice %arg8[%dma_wait3A_135, %dma_wait3A_136] : memref<79x128xi32, #tpu.memory_space<vmem>> -> memref<1x128xi32, #tpu.memory_space<vmem>>
          %dma_wait3A_138 = tpu.memref_squeeze %dma_wait3A_137 : memref<1x128xi32, #tpu.memory_space<vmem>> -> memref<128xi32, #tpu.memory_space<vmem>>
          %dma_wait3A_139 = arith.constant 0 : i32
          %dma_wait3A_140 = arith.constant 0 : i32
          %dma_wait3A_141 = tpu.memref_slice %arg15[%dma_wait3A_139, %dma_wait3A_140] : memref<10240x128xbf16, #tpu.memory_space<vmem_shared>> -> memref<10240x128xbf16, #tpu.memory_space<vmem_shared>>
          tpu.wait_indirect_dma semaphore(%arg24 : memref<!tpu.dma_semaphore, #tpu.memory_space<semaphore_mem>>) src(%arg11 : memref<128x128xbf16, #tpu.memory_space<vmem>>) dst(%dma_wait3A_141 : memref<10240x128xbf16, #tpu.memory_space<vmem_shared>>)
        } else {
        }
        %dma_start3A_122 = arith.constant 0 : i32
        %dma_start3A_123 = tpu.memref_slice %arg8[%add3A_109, %dma_start3A_122] : memref<79x128xi32, #tpu.memory_space<vmem>> -> memref<1x128xi32, #tpu.memory_space<vmem>>
        %dma_start3A_124 = tpu.memref_squeeze %dma_start3A_123 : memref<1x128xi32, #tpu.memory_space<vmem>> -> memref<128xi32, #tpu.memory_space<vmem>>
        %dma_start3A_125 = arith.constant 0 : i32
        %dma_start3A_126 = arith.constant 0 : i32
        %dma_start3A_127 = tpu.memref_slice %arg15[%dma_start3A_125, %dma_start3A_126] : memref<10240x128xbf16, #tpu.memory_space<vmem_shared>> -> memref<10240x128xbf16, #tpu.memory_space<vmem_shared>>
        tpu.enqueue_indirect_dma source(%arg13 : memref<128x128xbf16, #tpu.memory_space<vmem>>) target(%dma_start3A_127 : memref<10240x128xbf16, #tpu.memory_space<vmem_shared>>) offsets(%dma_start3A_124 : memref<128xi32, #tpu.memory_space<vmem>>) semaphore(%arg26 : memref<!tpu.dma_semaphore, #tpu.memory_space<semaphore_mem>>) {add = true}
        %add3A_128 = arith.constant 4 : i32
        %add3A_129 = arith.addi %add3A_109, %add3A_128 : i32
        %lt3A_130 = arith.constant 79 : i32
        %lt3A_131 = arith.cmpi slt, %add3A_129, %lt3A_130 : i32
        %convert_element_type3A_132 = arith.extui %lt3A_131 : i1 to i32
        %cond3A_133 = arith.constant 0 : i32
        %cond3A_134 = arith.cmpi ne, %convert_element_type3A_132, %cond3A_133 : i32
        scf.if %cond3A_134 {
          %add3A_135 = arith.constant 4 : i32
          %add3A_136 = arith.addi %add3A_109, %add3A_135 : i32
          %dma_start3A_137 = arith.constant 0 : i32
          %dma_start3A_138 = tpu.memref_slice %arg7[%add3A_136, %dma_start3A_137] : memref<79x128xi32, #tpu.memory_space<vmem>> -> memref<1x128xi32, #tpu.memory_space<vmem>>
          %dma_start3A_139 = tpu.memref_squeeze %dma_start3A_138 : memref<1x128xi32, #tpu.memory_space<vmem>> -> memref<128xi32, #tpu.memory_space<vmem>>
          %dma_start3A_140 = arith.constant 0 : i32
          %dma_start3A_141 = arith.constant 0 : i32
          %dma_start3A_142 = tpu.memref_slice %arg2[%dma_start3A_140, %dma_start3A_141] : memref<10000x128xbf16, #tpu.memory_space<hbm>> -> memref<10000x128xbf16, #tpu.memory_space<hbm>>
          tpu.enqueue_indirect_dma source(%dma_start3A_142 : memref<10000x128xbf16, #tpu.memory_space<hbm>>) target(%arg11 : memref<128x128xbf16, #tpu.memory_space<vmem>>) offsets(%dma_start3A_139 : memref<128xi32, #tpu.memory_space<vmem>>) semaphore(%arg18 : memref<!tpu.dma_semaphore, #tpu.memory_space<semaphore_mem>>)
        } else {
        }
      } else {
      }
      %add3A_101 = arith.constant 5 : i32
      %add3A_102 = arith.addi %mul3A_51, %add3A_101 : i32
      %lt3A_103 = arith.constant 79 : i32
      %lt3A_104 = arith.cmpi slt, %add3A_102, %lt3A_103 : i32
      %convert_element_type3A_105 = arith.extui %lt3A_104 : i1 to i32
      %cond3A_106 = arith.constant 0 : i32
      %cond3A_107 = arith.cmpi ne, %convert_element_type3A_105, %cond3A_106 : i32
      scf.if %cond3A_107 {
        %add3A_108 = arith.constant 5 : i32
        %add3A_109 = arith.addi %mul3A_51, %add3A_108 : i32
        %dma_wait3A_110 = arith.constant 0 : i32
        %dma_wait3A_111 = arith.constant 0 : i32
        %dma_wait3A_112 = tpu.memref_slice %arg7[%dma_wait3A_110, %dma_wait3A_111] : memref<79x128xi32, #tpu.memory_space<vmem>> -> memref<1x128xi32, #tpu.memory_space<vmem>>
        %dma_wait3A_113 = tpu.memref_squeeze %dma_wait3A_112 : memref<1x128xi32, #tpu.memory_space<vmem>> -> memref<128xi32, #tpu.memory_space<vmem>>
        %dma_wait3A_114 = arith.constant 0 : i32
        %dma_wait3A_115 = arith.constant 0 : i32
        %dma_wait3A_116 = tpu.memref_slice %arg2[%dma_wait3A_114, %dma_wait3A_115] : memref<10000x128xbf16, #tpu.memory_space<hbm>> -> memref<10000x128xbf16, #tpu.memory_space<hbm>>
        tpu.wait_indirect_dma semaphore(%arg21 : memref<!tpu.dma_semaphore, #tpu.memory_space<semaphore_mem>>) src(%dma_wait3A_116 : memref<10000x128xbf16, #tpu.memory_space<hbm>>) dst(%arg14 : memref<128x128xbf16, #tpu.memory_space<vmem>>)
        %ge3A_117 = arith.constant 2 : i32
        %ge3A_118 = arith.cmpi sge, %add3A_109, %ge3A_117 : i32
        %convert_element_type3A_119 = arith.extui %ge3A_118 : i1 to i32
        %cond3A_120 = arith.constant 0 : i32
        %cond3A_121 = arith.cmpi ne, %convert_element_type3A_119, %cond3A_120 : i32
        scf.if %cond3A_121 {
          %dma_wait3A_135 = arith.constant 0 : i32
          %dma_wait3A_136 = arith.constant 0 : i32
          %dma_wait3A_137 = tpu.memref_slice %arg8[%dma_wait3A_135, %dma_wait3A_136] : memref<79x128xi32, #tpu.memory_space<vmem>> -> memref<1x128xi32, #tpu.memory_space<vmem>>
          %dma_wait3A_138 = tpu.memref_squeeze %dma_wait3A_137 : memref<1x128xi32, #tpu.memory_space<vmem>> -> memref<128xi32, #tpu.memory_space<vmem>>
          %dma_wait3A_139 = arith.constant 0 : i32
          %dma_wait3A_140 = arith.constant 0 : i32
          %dma_wait3A_141 = tpu.memref_slice %arg15[%dma_wait3A_139, %dma_wait3A_140] : memref<10240x128xbf16, #tpu.memory_space<vmem_shared>> -> memref<10240x128xbf16, #tpu.memory_space<vmem_shared>>
          tpu.wait_indirect_dma semaphore(%arg25 : memref<!tpu.dma_semaphore, #tpu.memory_space<semaphore_mem>>) src(%arg12 : memref<128x128xbf16, #tpu.memory_space<vmem>>) dst(%dma_wait3A_141 : memref<10240x128xbf16, #tpu.memory_space<vmem_shared>>)
        } else {
        }
        %dma_start3A_122 = arith.constant 0 : i32
        %dma_start3A_123 = tpu.memref_slice %arg8[%add3A_109, %dma_start3A_122] : memref<79x128xi32, #tpu.memory_space<vmem>> -> memref<1x128xi32, #tpu.memory_space<vmem>>
        %dma_start3A_124 = tpu.memref_squeeze %dma_start3A_123 : memref<1x128xi32, #tpu.memory_space<vmem>> -> memref<128xi32, #tpu.memory_space<vmem>>
        %dma_start3A_125 = arith.constant 0 : i32
        %dma_start3A_126 = arith.constant 0 : i32
        %dma_start3A_127 = tpu.memref_slice %arg15[%dma_start3A_125, %dma_start3A_126] : memref<10240x128xbf16, #tpu.memory_space<vmem_shared>> -> memref<10240x128xbf16, #tpu.memory_space<vmem_shared>>
        tpu.enqueue_indirect_dma source(%arg14 : memref<128x128xbf16, #tpu.memory_space<vmem>>) target(%dma_start3A_127 : memref<10240x128xbf16, #tpu.memory_space<vmem_shared>>) offsets(%dma_start3A_124 : memref<128xi32, #tpu.memory_space<vmem>>) semaphore(%arg27 : memref<!tpu.dma_semaphore, #tpu.memory_space<semaphore_mem>>) {add = true}
        %add3A_128 = arith.constant 4 : i32
        %add3A_129 = arith.addi %add3A_109, %add3A_128 : i32
        %lt3A_130 = arith.constant 79 : i32
        %lt3A_131 = arith.cmpi slt, %add3A_129, %lt3A_130 : i32
        %convert_element_type3A_132 = arith.extui %lt3A_131 : i1 to i32
        %cond3A_133 = arith.constant 0 : i32
        %cond3A_134 = arith.cmpi ne, %convert_element_type3A_132, %cond3A_133 : i32
        scf.if %cond3A_134 {
          %add3A_135 = arith.constant 4 : i32
          %add3A_136 = arith.addi %add3A_109, %add3A_135 : i32
          %dma_start3A_137 = arith.constant 0 : i32
          %dma_start3A_138 = tpu.memref_slice %arg7[%add3A_136, %dma_start3A_137] : memref<79x128xi32, #tpu.memory_space<vmem>> -> memref<1x128xi32, #tpu.memory_space<vmem>>
          %dma_start3A_139 = tpu.memref_squeeze %dma_start3A_138 : memref<1x128xi32, #tpu.memory_space<vmem>> -> memref<128xi32, #tpu.memory_space<vmem>>
          %dma_start3A_140 = arith.constant 0 : i32
          %dma_start3A_141 = arith.constant 0 : i32
          %dma_start3A_142 = tpu.memref_slice %arg2[%dma_start3A_140, %dma_start3A_141] : memref<10000x128xbf16, #tpu.memory_space<hbm>> -> memref<10000x128xbf16, #tpu.memory_space<hbm>>
          tpu.enqueue_indirect_dma source(%dma_start3A_142 : memref<10000x128xbf16, #tpu.memory_space<hbm>>) target(%arg12 : memref<128x128xbf16, #tpu.memory_space<vmem>>) offsets(%dma_start3A_139 : memref<128xi32, #tpu.memory_space<vmem>>) semaphore(%arg19 : memref<!tpu.dma_semaphore, #tpu.memory_space<semaphore_mem>>)
        } else {
        }
      } else {
      }
    }
    %scan3A_34 = arith.constant 14 : i32
    %dma_wait3A = arith.constant 0 : i32
    %dma_wait3A_35 = arith.constant 0 : i32
    %dma_wait3A_36 = tpu.memref_slice %arg8[%dma_wait3A, %dma_wait3A_35] : memref<79x128xi32, #tpu.memory_space<vmem>> -> memref<1x128xi32, #tpu.memory_space<vmem>>
    %dma_wait3A_37 = tpu.memref_squeeze %dma_wait3A_36 : memref<1x128xi32, #tpu.memory_space<vmem>> -> memref<128xi32, #tpu.memory_space<vmem>>
    %dma_wait3A_38 = arith.constant 0 : i32
    %dma_wait3A_39 = arith.constant 0 : i32
    %dma_wait3A_40 = tpu.memref_slice %arg15[%dma_wait3A_38, %dma_wait3A_39] : memref<10240x128xbf16, #tpu.memory_space<vmem_shared>> -> memref<10240x128xbf16, #tpu.memory_space<vmem_shared>>
    tpu.wait_indirect_dma semaphore(%arg22 : memref<!tpu.dma_semaphore, #tpu.memory_space<semaphore_mem>>) src(%arg9 : memref<128x128xbf16, #tpu.memory_space<vmem>>) dst(%dma_wait3A_40 : memref<10240x128xbf16, #tpu.memory_space<vmem_shared>>)
    %dma_wait3A_41 = arith.constant 0 : i32
    %dma_wait3A_42 = arith.constant 0 : i32
    %dma_wait3A_43 = tpu.memref_slice %arg8[%dma_wait3A_41, %dma_wait3A_42] : memref<79x128xi32, #tpu.memory_space<vmem>> -> memref<1x128xi32, #tpu.memory_space<vmem>>
    %dma_wait3A_44 = tpu.memref_squeeze %dma_wait3A_43 : memref<1x128xi32, #tpu.memory_space<vmem>> -> memref<128xi32, #tpu.memory_space<vmem>>
    %dma_wait3A_45 = arith.constant 0 : i32
    %dma_wait3A_46 = arith.constant 0 : i32
    %dma_wait3A_47 = tpu.memref_slice %arg15[%dma_wait3A_45, %dma_wait3A_46] : memref<10240x128xbf16, #tpu.memory_space<vmem_shared>> -> memref<10240x128xbf16, #tpu.memory_space<vmem_shared>>
    tpu.wait_indirect_dma semaphore(%arg27 : memref<!tpu.dma_semaphore, #tpu.memory_space<semaphore_mem>>) src(%arg14 : memref<128x128xbf16, #tpu.memory_space<vmem>>) dst(%dma_wait3A_47 : memref<10240x128xbf16, #tpu.memory_space<vmem_shared>>)
    %barrier3A_48 = arith.constant 0 : index
    tpu.barrier barrier_id(%barrier3A_48)
    "tpu.region"() ({
      %run_scoped3A = tpu.sem_alloc : memref<!tpu.dma_semaphore, #tpu.memory_space<semaphore_mem>>
      %dma_start3A_49 = arith.constant 0 : i32
      %dma_start3A_50 = tpu.memref_slice %arg6[%arg0, %mul3A_2, %dma_start3A_49] : memref<2x10240x128xbf16, #tpu.memory_space<hbm>> -> memref<1x640x128xbf16, #tpu.memory_space<hbm>>
      %dma_start3A_51 = tpu.memref_squeeze %dma_start3A_50 : memref<1x640x128xbf16, #tpu.memory_space<hbm>> -> memref<640x128xbf16, #tpu.memory_space<hbm>>
      %dma_start3A_52 = arith.constant 0 : i32
      %dma_start3A_53 = tpu.memref_slice %arg15[%mul3A_2, %dma_start3A_52] : memref<10240x128xbf16, #tpu.memory_space<vmem_shared>> -> memref<640x128xbf16, #tpu.memory_space<vmem_shared>>
      tpu.enqueue_dma source(%dma_start3A_53 : memref<640x128xbf16, #tpu.memory_space<vmem_shared>>) target(%dma_start3A_51 : memref<640x128xbf16, #tpu.memory_space<hbm>>) target_semaphore(%run_scoped3A : memref<!tpu.dma_semaphore, #tpu.memory_space<semaphore_mem>>)
      %dma_wait3A_54 = arith.constant 0 : i32
      %dma_wait3A_55 = tpu.memref_slice %arg6[%arg0, %mul3A_2, %dma_wait3A_54] : memref<2x10240x128xbf16, #tpu.memory_space<hbm>> -> memref<1x640x128xbf16, #tpu.memory_space<hbm>>
      %dma_wait3A_56 = tpu.memref_squeeze %dma_wait3A_55 : memref<1x640x128xbf16, #tpu.memory_space<hbm>> -> memref<640x128xbf16, #tpu.memory_space<hbm>>
      %dma_wait3A_57 = arith.constant 0 : i32
      %dma_wait3A_58 = tpu.memref_slice %arg15[%mul3A_2, %dma_wait3A_57] : memref<10240x128xbf16, #tpu.memory_space<vmem_shared>> -> memref<640x128xbf16, #tpu.memory_space<vmem_shared>>
      tpu.wait_dma2 semaphore(%run_scoped3A : memref<!tpu.dma_semaphore, #tpu.memory_space<semaphore_mem>>) src(%dma_wait3A_58 : memref<640x128xbf16, #tpu.memory_space<vmem_shared>>) dst(%dma_wait3A_56 : memref<640x128xbf16, #tpu.memory_space<hbm>>)
      tpu.yield
    }) : () -> ()
    return
  }
}

module attributes {stable_mosaic.version = 14 : i64} {
  func.func @_tc1_body(%arg0: i32, %arg1: memref<1000x128xf32, #tpu.memory_space<vmem>>, %arg2: memref<128x128xf32, #tpu.memory_space<vmem>>, %arg3: memref<1x128xf32, #tpu.memory_space<vmem>>, %arg4: memref<1x1xf32, #tpu.memory_space<vmem>>, %arg5: memref<128x128xf32, #tpu.memory_space<vmem>>, %arg6: memref<1000x128xf32, #tpu.memory_space<vmem>>, %arg7: memref<1000x128xbf16, #tpu.memory_space<vmem>>) attributes {dimension_semantics = [#tpu.dimension_semantics<arbitrary>], iteration_bounds = array<i64: 10>, scalar_prefetch = 0 : i64, scratch_operands = 0 : i64, tpu.core_type = #tpu.core_type<tc>, window_params = [{transform_indices = @transform_0, window_bounds = array<i64: 1000, 128>}, {pipeline_mode = #tpu.pipeline_mode<synchronous>, transform_indices = @transform_1, window_bounds = array<i64: 128, 128>}, {pipeline_mode = #tpu.pipeline_mode<synchronous>, transform_indices = @transform_2, window_bounds = array<i64: 1, 128>}, {pipeline_mode = #tpu.pipeline_mode<synchronous>, transform_indices = @transform_3, window_bounds = array<i64: 1, 1>}, {pipeline_mode = #tpu.pipeline_mode<synchronous>, transform_indices = @transform_4, window_bounds = array<i64: 128, 128>}, {transform_indices = @transform_5, window_bounds = array<i64: 1000, 128>}, {transform_indices = @transform_6, window_bounds = array<i64: 1000, 128>}]} {
    %get3A = arith.constant 0 : index
    %get3A_0 = arith.constant 0 : index
    %get3A_1 = vector.load %arg1[%get3A, %get3A_0] : memref<1000x128xf32, #tpu.memory_space<vmem>>, vector<1000x128xf32>
    %get3A_2 = arith.constant 0 : index
    %get3A_3 = arith.constant 0 : index
    %get3A_4 = vector.load %arg2[%get3A_2, %get3A_3] : memref<128x128xf32, #tpu.memory_space<vmem>>, vector<128x128xf32>
    %dot_general3A = arith.constant dense<0.000000e+00> : vector<1000x128xf32>
    %dot_general3A_5 = tpu.matmul %get3A_1, %get3A_4, %dot_general3A {dimension_numbers = #tpu.dot_dimension_numbers<[1], [0], [0], [1], [0, 0, 1, 1], [], []>, precision = #tpu.contract_precision<fp32>, transpose_lhs_hint = false} : vector<1000x128xf32>, vector<128x128xf32>, vector<1000x128xf32> -> vector<1000x128xf32>
    %get3A_6 = arith.constant 0 : index
    %get3A_7 = arith.constant 0 : index
    %get3A_8 = vector.load %arg3[%get3A_6, %get3A_7] : memref<1x128xf32, #tpu.memory_space<vmem>>, vector<1x128xf32>
    %add3A = vector.broadcast %get3A_8 : vector<1x128xf32> to vector<1000x128xf32>
    %add3A_9 = arith.addf %dot_general3A_5, %add3A : vector<1000x128xf32>
    %get3A_10 = arith.constant 0 : index
    %get3A_11 = arith.constant 0 : index
    %get3A_12 = vector.load %arg4[%get3A_10, %get3A_11] : memref<1x1xf32, #tpu.memory_space<vmem>>, vector<1x1xf32>
    %get3A_13 = vector.extract %get3A_12[0, 0] : f32 from vector<1x1xf32>
    %ge3A = arith.constant 0.000000e+00 : f32
    %ge3A_14 = vector.broadcast %ge3A : f32 to vector<1000x128xf32>
    %ge3A_15 = arith.cmpf oge, %add3A_9, %ge3A_14 : vector<1000x128xf32>
    %mul3A = vector.broadcast %get3A_13 : f32 to vector<1000x128xf32>
    %mul3A_16 = arith.mulf %mul3A, %add3A_9 : vector<1000x128xf32>
    %select_n3A = arith.select %ge3A_15, %add3A_9, %mul3A_16 : vector<1000x128xi1>, vector<1000x128xf32>
    %swap3A = arith.constant 0 : index
    %swap3A_17 = arith.constant 0 : index
    %swap3A_18 = vector.load %arg6[%swap3A, %swap3A_17] : memref<1000x128xf32, #tpu.memory_space<vmem>>, vector<1000x128xf32>
    tpu.vector_store %arg6[%swap3A, %swap3A_17], %select_n3A {strides = array<i32>} : memref<1000x128xf32, #tpu.memory_space<vmem>>, vector<1000x128xf32>,
    %get3A_19 = arith.constant 0 : index
    %get3A_20 = arith.constant 0 : index
    %get3A_21 = vector.load %arg5[%get3A_19, %get3A_20] : memref<128x128xf32, #tpu.memory_space<vmem>>, vector<128x128xf32>
    %dot_general3A_22 = arith.constant dense<0.000000e+00> : vector<1000x128xf32>
    %dot_general3A_23 = tpu.matmul %select_n3A, %get3A_21, %dot_general3A_22 {dimension_numbers = #tpu.dot_dimension_numbers<[1], [0], [0], [1], [0, 0, 1, 1], [], []>, precision = #tpu.contract_precision<fp32>, transpose_lhs_hint = false} : vector<1000x128xf32>, vector<128x128xf32>, vector<1000x128xf32> -> vector<1000x128xf32>
    %convert_element_type3A = arith.truncf %dot_general3A_23 : vector<1000x128xf32> to vector<1000x128xbf16>
    %swap3A_24 = arith.constant 0 : index
    %swap3A_25 = arith.constant 0 : index
    %swap3A_26 = vector.load %arg7[%swap3A_24, %swap3A_25] : memref<1000x128xbf16, #tpu.memory_space<vmem>>, vector<1000x128xbf16>
    tpu.vector_store %arg7[%swap3A_24, %swap3A_25], %convert_element_type3A {strides = array<i32>} : memref<1000x128xbf16, #tpu.memory_space<vmem>>, vector<1000x128xbf16>,
    return
  }
  func.func @transform_0(%arg0: i32) -> (i32, i32) {
    %c0_i32 = arith.constant 0 : i32
    %c0_i32_0 = arith.constant 0 : i32
    return %arg0, %c0_i32 : i32, i32
  }
  func.func @transform_1(%arg0: i32) -> (i32, i32) {
    %c0_i32 = arith.constant 0 : i32
    %c0_i32_0 = arith.constant 0 : i32
    %c0_i32_1 = arith.constant 0 : i32
    return %c0_i32, %c0_i32_0 : i32, i32
  }
  func.func @transform_2(%arg0: i32) -> (i32, i32) {
    %c0_i32 = arith.constant 0 : i32
    %c0_i32_0 = arith.constant 0 : i32
    %c0_i32_1 = arith.constant 0 : i32
    return %c0_i32, %c0_i32_0 : i32, i32
  }
  func.func @transform_3(%arg0: i32) -> (i32, i32) {
    %c0_i32 = arith.constant 0 : i32
    %c0_i32_0 = arith.constant 0 : i32
    %c0_i32_1 = arith.constant 0 : i32
    return %c0_i32, %c0_i32_0 : i32, i32
  }
  func.func @transform_4(%arg0: i32) -> (i32, i32) {
    %c0_i32 = arith.constant 0 : i32
    %c0_i32_0 = arith.constant 0 : i32
    %c0_i32_1 = arith.constant 0 : i32
    return %c0_i32, %c0_i32_0 : i32, i32
  }
  func.func @transform_5(%arg0: i32) -> (i32, i32) {
    %c0_i32 = arith.constant 0 : i32
    %c0_i32_0 = arith.constant 0 : i32
    return %arg0, %c0_i32 : i32, i32
  }
  func.func @transform_6(%arg0: i32) -> (i32, i32) {
    %c0_i32 = arith.constant 0 : i32
    %c0_i32_0 = arith.constant 0 : i32
    return %arg0, %c0_i32 : i32, i32
  }
}

module attributes {stable_mosaic.version = 14 : i64} {
  func.func @_tc2_body(%arg0: i32, %arg1: memref<1000x128xf32, #tpu.memory_space<vmem>>, %arg2: memref<2x1000x128xbf16, #tpu.memory_space<vmem>>, %arg3: memref<2x1000x16xf32, #tpu.memory_space<vmem>>, %arg4: memref<128x128xf32, #tpu.memory_space<vmem>>, %arg5: memref<16x128xf32, #tpu.memory_space<vmem>>, %arg6: memref<1x128xf32, #tpu.memory_space<vmem>>, %arg7: memref<1x1xf32, #tpu.memory_space<vmem>>, %arg8: memref<128x128xf32, #tpu.memory_space<vmem>>, %arg9: memref<1000x128xf32, #tpu.memory_space<vmem>>, %arg10: memref<1000x128xbf16, #tpu.memory_space<vmem>>) attributes {dimension_semantics = [#tpu.dimension_semantics<arbitrary>], iteration_bounds = array<i64: 10>, scalar_prefetch = 0 : i64, scratch_operands = 0 : i64, tpu.core_type = #tpu.core_type<tc>, window_params = [{transform_indices = @transform_0, window_bounds = array<i64: 1000, 128>}, {transform_indices = @transform_1, window_bounds = array<i64: 2, 1000, 128>}, {transform_indices = @transform_2, window_bounds = array<i64: 2, 1000, 16>}, {pipeline_mode = #tpu.pipeline_mode<synchronous>, transform_indices = @transform_3, window_bounds = array<i64: 128, 128>}, {pipeline_mode = #tpu.pipeline_mode<synchronous>, transform_indices = @transform_4, window_bounds = array<i64: 16, 128>}, {pipeline_mode = #tpu.pipeline_mode<synchronous>, transform_indices = @transform_5, window_bounds = array<i64: 1, 128>}, {pipeline_mode = #tpu.pipeline_mode<synchronous>, transform_indices = @transform_6, window_bounds = array<i64: 1, 1>}, {pipeline_mode = #tpu.pipeline_mode<synchronous>, transform_indices = @transform_7, window_bounds = array<i64: 128, 128>}, {transform_indices = @transform_8, window_bounds = array<i64: 1000, 128>}, {transform_indices = @transform_9, window_bounds = array<i64: 1000, 128>}]} {
    %get3A = arith.constant 0 : index
    %get3A_0 = arith.constant 0 : index
    %get3A_1 = arith.constant 0 : index
    %get3A_2 = vector.load %arg3[%get3A, %get3A_0, %get3A_1] : memref<2x1000x16xf32, #tpu.memory_space<vmem>>, vector<1x1000x16xf32>
    %get3A_3 = vector.shape_cast %get3A_2 : vector<1x1000x16xf32> to vector<1000x16xf32>
    %get3A_4 = arith.constant 1 : index
    %get3A_5 = arith.constant 0 : index
    %get3A_6 = arith.constant 0 : index
    %get3A_7 = vector.load %arg3[%get3A_4, %get3A_5, %get3A_6] : memref<2x1000x16xf32, #tpu.memory_space<vmem>>, vector<1x1000x16xf32>
    %get3A_8 = vector.shape_cast %get3A_7 : vector<1x1000x16xf32> to vector<1000x16xf32>
    %add3A = arith.addf %get3A_3, %get3A_8 : vector<1000x16xf32>
    %get3A_9 = arith.constant 0 : index
    %get3A_10 = arith.constant 0 : index
    %get3A_11 = vector.load %arg1[%get3A_9, %get3A_10] : memref<1000x128xf32, #tpu.memory_space<vmem>>, vector<1000x128xf32>
    %get3A_12 = arith.constant 0 : index
    %get3A_13 = arith.constant 0 : index
    %get3A_14 = vector.load %arg4[%get3A_12, %get3A_13] : memref<128x128xf32, #tpu.memory_space<vmem>>, vector<128x128xf32>
    %dot_general3A = arith.constant dense<0.000000e+00> : vector<1000x128xf32>
    %dot_general3A_15 = tpu.matmul %get3A_11, %get3A_14, %dot_general3A {dimension_numbers = #tpu.dot_dimension_numbers<[1], [0], [0], [1], [0, 0, 1, 1], [], []>, precision = #tpu.contract_precision<fp32>, transpose_lhs_hint = false} : vector<1000x128xf32>, vector<128x128xf32>, vector<1000x128xf32> -> vector<1000x128xf32>
    %get3A_16 = arith.constant 0 : index
    %get3A_17 = arith.constant 0 : index
    %get3A_18 = arith.constant 0 : index
    %get3A_19 = vector.load %arg2[%get3A_16, %get3A_17, %get3A_18] : memref<2x1000x128xbf16, #tpu.memory_space<vmem>>, vector<1x1000x128xbf16>
    %get3A_20 = vector.shape_cast %get3A_19 : vector<1x1000x128xbf16> to vector<1000x128xbf16>
    %convert_element_type3A = arith.extf %get3A_20 : vector<1000x128xbf16> to vector<1000x128xf32>
    %get3A_21 = arith.constant 1 : index
    %get3A_22 = arith.constant 0 : index
    %get3A_23 = arith.constant 0 : index
    %get3A_24 = vector.load %arg2[%get3A_21, %get3A_22, %get3A_23] : memref<2x1000x128xbf16, #tpu.memory_space<vmem>>, vector<1x1000x128xbf16>
    %get3A_25 = vector.shape_cast %get3A_24 : vector<1x1000x128xbf16> to vector<1000x128xbf16>
    %convert_element_type3A_26 = arith.extf %get3A_25 : vector<1000x128xbf16> to vector<1000x128xf32>
    %add3A_27 = arith.addf %convert_element_type3A, %convert_element_type3A_26 : vector<1000x128xf32>
    %add3A_28 = arith.addf %dot_general3A_15, %add3A_27 : vector<1000x128xf32>
    %get3A_29 = arith.constant 0 : index
    %get3A_30 = arith.constant 0 : index
    %get3A_31 = vector.load %arg5[%get3A_29, %get3A_30] : memref<16x128xf32, #tpu.memory_space<vmem>>, vector<16x128xf32>
    %dot_general3A_32 = arith.constant dense<0.000000e+00> : vector<1000x128xf32>
    %dot_general3A_33 = tpu.matmul %add3A, %get3A_31, %dot_general3A_32 {dimension_numbers = #tpu.dot_dimension_numbers<[1], [0], [0], [1], [0, 0, 1, 1], [], []>, precision = #tpu.contract_precision<fp32>, transpose_lhs_hint = false} : vector<1000x16xf32>, vector<16x128xf32>, vector<1000x128xf32> -> vector<1000x128xf32>
    %add3A_34 = arith.addf %add3A_28, %dot_general3A_33 : vector<1000x128xf32>
    %get3A_35 = arith.constant 0 : index
    %get3A_36 = arith.constant 0 : index
    %get3A_37 = vector.load %arg6[%get3A_35, %get3A_36] : memref<1x128xf32, #tpu.memory_space<vmem>>, vector<1x128xf32>
    %add3A_38 = vector.broadcast %get3A_37 : vector<1x128xf32> to vector<1000x128xf32>
    %add3A_39 = arith.addf %add3A_34, %add3A_38 : vector<1000x128xf32>
    %get3A_40 = arith.constant 0 : index
    %get3A_41 = arith.constant 0 : index
    %get3A_42 = vector.load %arg7[%get3A_40, %get3A_41] : memref<1x1xf32, #tpu.memory_space<vmem>>, vector<1x1xf32>
    %get3A_43 = vector.extract %get3A_42[0, 0] : f32 from vector<1x1xf32>
    %ge3A = arith.constant 0.000000e+00 : f32
    %ge3A_44 = vector.broadcast %ge3A : f32 to vector<1000x128xf32>
    %ge3A_45 = arith.cmpf oge, %add3A_39, %ge3A_44 : vector<1000x128xf32>
    %mul3A = vector.broadcast %get3A_43 : f32 to vector<1000x128xf32>
    %mul3A_46 = arith.mulf %mul3A, %add3A_39 : vector<1000x128xf32>
    %select_n3A = arith.select %ge3A_45, %add3A_39, %mul3A_46 : vector<1000x128xi1>, vector<1000x128xf32>
    %swap3A = arith.constant 0 : index
    %swap3A_47 = arith.constant 0 : index
    %swap3A_48 = vector.load %arg9[%swap3A, %swap3A_47] : memref<1000x128xf32, #tpu.memory_space<vmem>>, vector<1000x128xf32>
    tpu.vector_store %arg9[%swap3A, %swap3A_47], %select_n3A {strides = array<i32>} : memref<1000x128xf32, #tpu.memory_space<vmem>>, vector<1000x128xf32>,
    %get3A_49 = arith.constant 0 : index
    %get3A_50 = arith.constant 0 : index
    %get3A_51 = vector.load %arg8[%get3A_49, %get3A_50] : memref<128x128xf32, #tpu.memory_space<vmem>>, vector<128x128xf32>
    %dot_general3A_52 = arith.constant dense<0.000000e+00> : vector<1000x128xf32>
    %dot_general3A_53 = tpu.matmul %select_n3A, %get3A_51, %dot_general3A_52 {dimension_numbers = #tpu.dot_dimension_numbers<[1], [0], [0], [1], [0, 0, 1, 1], [], []>, precision = #tpu.contract_precision<fp32>, transpose_lhs_hint = false} : vector<1000x128xf32>, vector<128x128xf32>, vector<1000x128xf32> -> vector<1000x128xf32>
    %convert_element_type3A_54 = arith.truncf %dot_general3A_53 : vector<1000x128xf32> to vector<1000x128xbf16>
    %swap3A_55 = arith.constant 0 : index
    %swap3A_56 = arith.constant 0 : index
    %swap3A_57 = vector.load %arg10[%swap3A_55, %swap3A_56] : memref<1000x128xbf16, #tpu.memory_space<vmem>>, vector<1000x128xbf16>
    tpu.vector_store %arg10[%swap3A_55, %swap3A_56], %convert_element_type3A_54 {strides = array<i32>} : memref<1000x128xbf16, #tpu.memory_space<vmem>>, vector<1000x128xbf16>,
    return
  }
  func.func @transform_0(%arg0: i32) -> (i32, i32) {
    %c0_i32 = arith.constant 0 : i32
    %c0_i32_0 = arith.constant 0 : i32
    return %arg0, %c0_i32 : i32, i32
  }
  func.func @transform_1(%arg0: i32) -> (i32, i32, i32) {
    %c0_i32 = arith.constant 0 : i32
    %c0_i32_0 = arith.constant 0 : i32
    %c0_i32_1 = arith.constant 0 : i32
    return %c0_i32, %arg0, %c0_i32_0 : i32, i32, i32
  }
  func.func @transform_2(%arg0: i32) -> (i32, i32, i32) {
    %c0_i32 = arith.constant 0 : i32
    %c0_i32_0 = arith.constant 0 : i32
    %c0_i32_1 = arith.constant 0 : i32
    return %c0_i32, %arg0, %c0_i32_0 : i32, i32, i32
  }
  func.func @transform_3(%arg0: i32) -> (i32, i32) {
    %c0_i32 = arith.constant 0 : i32
    %c0_i32_0 = arith.constant 0 : i32
    %c0_i32_1 = arith.constant 0 : i32
    return %c0_i32, %c0_i32_0 : i32, i32
  }
  func.func @transform_4(%arg0: i32) -> (i32, i32) {
    %c0_i32 = arith.constant 0 : i32
    %c0_i32_0 = arith.constant 0 : i32
    %c0_i32_1 = arith.constant 0 : i32
    return %c0_i32, %c0_i32_0 : i32, i32
  }
  func.func @transform_5(%arg0: i32) -> (i32, i32) {
    %c0_i32 = arith.constant 0 : i32
    %c0_i32_0 = arith.constant 0 : i32
    %c0_i32_1 = arith.constant 0 : i32
    return %c0_i32, %c0_i32_0 : i32, i32
  }
  func.func @transform_6(%arg0: i32) -> (i32, i32) {
    %c0_i32 = arith.constant 0 : i32
    %c0_i32_0 = arith.constant 0 : i32
    %c0_i32_1 = arith.constant 0 : i32
    return %c0_i32, %c0_i32_0 : i32, i32
  }
  func.func @transform_7(%arg0: i32) -> (i32, i32) {
    %c0_i32 = arith.constant 0 : i32
    %c0_i32_0 = arith.constant 0 : i32
    %c0_i32_1 = arith.constant 0 : i32
    return %c0_i32, %c0_i32_0 : i32, i32
  }
  func.func @transform_8(%arg0: i32) -> (i32, i32) {
    %c0_i32 = arith.constant 0 : i32
    %c0_i32_0 = arith.constant 0 : i32
    return %arg0, %c0_i32 : i32, i32
  }
  func.func @transform_9(%arg0: i32) -> (i32, i32) {
    %c0_i32 = arith.constant 0 : i32
    %c0_i32_0 = arith.constant 0 : i32
    return %arg0, %c0_i32 : i32, i32
  }
}

module attributes {stable_mosaic.version = 14 : i64} {
  func.func @_tc3_body(%arg0: i32, %arg1: memref<1000x128xf32, #tpu.memory_space<vmem>>, %arg2: memref<2x1000x128xbf16, #tpu.memory_space<vmem>>, %arg3: memref<2x1000x16xf32, #tpu.memory_space<vmem>>, %arg4: memref<128x128xf32, #tpu.memory_space<vmem>>, %arg5: memref<16x128xf32, #tpu.memory_space<vmem>>, %arg6: memref<1x128xf32, #tpu.memory_space<vmem>>, %arg7: memref<1x1xf32, #tpu.memory_space<vmem>>, %arg8: memref<1x1x1000xi32, #tpu.memory_space<vmem>>, %arg9: memref<128x64xf32, #tpu.memory_space<vmem>>, %arg10: memref<1x64xf32, #tpu.memory_space<vmem>>, %arg11: memref<64x64xf32, #tpu.memory_space<vmem>>, %arg12: memref<64x128xf32, #tpu.memory_space<vmem>>, %arg13: memref<64x128xf32, #tpu.memory_space<vmem>>) attributes {dimension_semantics = [#tpu.dimension_semantics<arbitrary>], iteration_bounds = array<i64: 10>, scalar_prefetch = 0 : i64, scratch_operands = 2 : i64, tpu.core_type = #tpu.core_type<tc>, window_params = [{transform_indices = @transform_0, window_bounds = array<i64: 1000, 128>}, {transform_indices = @transform_1, window_bounds = array<i64: 2, 1000, 128>}, {transform_indices = @transform_2, window_bounds = array<i64: 2, 1000, 16>}, {pipeline_mode = #tpu.pipeline_mode<synchronous>, transform_indices = @transform_3, window_bounds = array<i64: 128, 128>}, {pipeline_mode = #tpu.pipeline_mode<synchronous>, transform_indices = @transform_4, window_bounds = array<i64: 16, 128>}, {pipeline_mode = #tpu.pipeline_mode<synchronous>, transform_indices = @transform_5, window_bounds = array<i64: 1, 128>}, {pipeline_mode = #tpu.pipeline_mode<synchronous>, transform_indices = @transform_6, window_bounds = array<i64: 1, 1>}, {transform_indices = @transform_7, window_bounds = array<i64: 1, 1, 1000>}, {pipeline_mode = #tpu.pipeline_mode<synchronous>, transform_indices = @transform_8, window_bounds = array<i64: 128, 64>}, {pipeline_mode = #tpu.pipeline_mode<synchronous>, transform_indices = @transform_9, window_bounds = array<i64: 1, 64>}, {pipeline_mode = #tpu.pipeline_mode<synchronous>, transform_indices = @transform_10, window_bounds = array<i64: 64, 64>}]} {
    %get3A = arith.constant 0 : index
    %get3A_0 = arith.constant 0 : index
    %get3A_1 = arith.constant 0 : index
    %get3A_2 = vector.load %arg3[%get3A, %get3A_0, %get3A_1] : memref<2x1000x16xf32, #tpu.memory_space<vmem>>, vector<1x1000x16xf32>
    %get3A_3 = vector.shape_cast %get3A_2 : vector<1x1000x16xf32> to vector<1000x16xf32>
    %get3A_4 = arith.constant 1 : index
    %get3A_5 = arith.constant 0 : index
    %get3A_6 = arith.constant 0 : index
    %get3A_7 = vector.load %arg3[%get3A_4, %get3A_5, %get3A_6] : memref<2x1000x16xf32, #tpu.memory_space<vmem>>, vector<1x1000x16xf32>
    %get3A_8 = vector.shape_cast %get3A_7 : vector<1x1000x16xf32> to vector<1000x16xf32>
    %add3A = arith.addf %get3A_3, %get3A_8 : vector<1000x16xf32>
    %get3A_9 = arith.constant 0 : index
    %get3A_10 = arith.constant 0 : index
    %get3A_11 = vector.load %arg1[%get3A_9, %get3A_10] : memref<1000x128xf32, #tpu.memory_space<vmem>>, vector<1000x128xf32>
    %get3A_12 = arith.constant 0 : index
    %get3A_13 = arith.constant 0 : index
    %get3A_14 = vector.load %arg4[%get3A_12, %get3A_13] : memref<128x128xf32, #tpu.memory_space<vmem>>, vector<128x128xf32>
    %dot_general3A = arith.constant dense<0.000000e+00> : vector<1000x128xf32>
    %dot_general3A_15 = tpu.matmul %get3A_11, %get3A_14, %dot_general3A {dimension_numbers = #tpu.dot_dimension_numbers<[1], [0], [0], [1], [0, 0, 1, 1], [], []>, precision = #tpu.contract_precision<fp32>, transpose_lhs_hint = false} : vector<1000x128xf32>, vector<128x128xf32>, vector<1000x128xf32> -> vector<1000x128xf32>
    %get3A_16 = arith.constant 0 : index
    %get3A_17 = arith.constant 0 : index
    %get3A_18 = arith.constant 0 : index
    %get3A_19 = vector.load %arg2[%get3A_16, %get3A_17, %get3A_18] : memref<2x1000x128xbf16, #tpu.memory_space<vmem>>, vector<1x1000x128xbf16>
    %get3A_20 = vector.shape_cast %get3A_19 : vector<1x1000x128xbf16> to vector<1000x128xbf16>
    %convert_element_type3A = arith.extf %get3A_20 : vector<1000x128xbf16> to vector<1000x128xf32>
    %get3A_21 = arith.constant 1 : index
    %get3A_22 = arith.constant 0 : index
    %get3A_23 = arith.constant 0 : index
    %get3A_24 = vector.load %arg2[%get3A_21, %get3A_22, %get3A_23] : memref<2x1000x128xbf16, #tpu.memory_space<vmem>>, vector<1x1000x128xbf16>
    %get3A_25 = vector.shape_cast %get3A_24 : vector<1x1000x128xbf16> to vector<1000x128xbf16>
    %convert_element_type3A_26 = arith.extf %get3A_25 : vector<1000x128xbf16> to vector<1000x128xf32>
    %add3A_27 = arith.addf %convert_element_type3A, %convert_element_type3A_26 : vector<1000x128xf32>
    %add3A_28 = arith.addf %dot_general3A_15, %add3A_27 : vector<1000x128xf32>
    %get3A_29 = arith.constant 0 : index
    %get3A_30 = arith.constant 0 : index
    %get3A_31 = vector.load %arg5[%get3A_29, %get3A_30] : memref<16x128xf32, #tpu.memory_space<vmem>>, vector<16x128xf32>
    %dot_general3A_32 = arith.constant dense<0.000000e+00> : vector<1000x128xf32>
    %dot_general3A_33 = tpu.matmul %add3A, %get3A_31, %dot_general3A_32 {dimension_numbers = #tpu.dot_dimension_numbers<[1], [0], [0], [1], [0, 0, 1, 1], [], []>, precision = #tpu.contract_precision<fp32>, transpose_lhs_hint = false} : vector<1000x16xf32>, vector<16x128xf32>, vector<1000x128xf32> -> vector<1000x128xf32>
    %add3A_34 = arith.addf %add3A_28, %dot_general3A_33 : vector<1000x128xf32>
    %get3A_35 = arith.constant 0 : index
    %get3A_36 = arith.constant 0 : index
    %get3A_37 = vector.load %arg6[%get3A_35, %get3A_36] : memref<1x128xf32, #tpu.memory_space<vmem>>, vector<1x128xf32>
    %add3A_38 = vector.broadcast %get3A_37 : vector<1x128xf32> to vector<1000x128xf32>
    %add3A_39 = arith.addf %add3A_34, %add3A_38 : vector<1000x128xf32>
    %get3A_40 = arith.constant 0 : index
    %get3A_41 = arith.constant 0 : index
    %get3A_42 = vector.load %arg7[%get3A_40, %get3A_41] : memref<1x1xf32, #tpu.memory_space<vmem>>, vector<1x1xf32>
    %get3A_43 = vector.extract %get3A_42[0, 0] : f32 from vector<1x1xf32>
    %ge3A = arith.constant 0.000000e+00 : f32
    %ge3A_44 = vector.broadcast %ge3A : f32 to vector<1000x128xf32>
    %ge3A_45 = arith.cmpf oge, %add3A_39, %ge3A_44 : vector<1000x128xf32>
    %mul3A = vector.broadcast %get3A_43 : f32 to vector<1000x128xf32>
    %mul3A_46 = arith.mulf %mul3A, %add3A_39 : vector<1000x128xf32>
    %select_n3A = arith.select %ge3A_45, %add3A_39, %mul3A_46 : vector<1000x128xi1>, vector<1000x128xf32>
    %get3A_47 = arith.constant 0 : index
    %get3A_48 = arith.constant 0 : index
    %get3A_49 = arith.constant 0 : index
    %get3A_50 = vector.load %arg8[%get3A_47, %get3A_48, %get3A_49] : memref<1x1x1000xi32, #tpu.memory_space<vmem>>, vector<1x1x1000xi32>
    %get3A_51 = vector.shape_cast %get3A_50 : vector<1x1x1000xi32> to vector<1000xi32>
    %iota3A = tpu.iota {dimensions = array<i32: 0>} : vector<64x1000xi32>
    %broadcast_in_dim3A = vector.shape_cast %get3A_51 : vector<1000xi32> to vector<1x1000xi32>
    %eq3A = vector.broadcast %broadcast_in_dim3A : vector<1x1000xi32> to vector<64x1000xi32>
    %eq3A_52 = arith.cmpi eq, %eq3A, %iota3A : vector<64x1000xi32>
    %convert_element_type3A_53 = arith.extui %eq3A_52 : vector<64x1000xi1> to vector<64x1000xi32>
    %convert_element_type3A_54 = arith.sitofp %convert_element_type3A_53 : vector<64x1000xi32> to vector<64x1000xf32>
    %eq3A_55 = arith.constant 0 : i32
    %eq3A_56 = arith.cmpi eq, %arg0, %eq3A_55 : i32
    %convert_element_type3A_57 = arith.extui %eq3A_56 : i1 to i32
    %cond3A = arith.constant 0 : i32
    %cond3A_58 = arith.cmpi ne, %convert_element_type3A_57, %cond3A : i32
    scf.if %cond3A_58 {
      %broadcast_in_dim3A_83 = arith.constant 0.000000e+00 : f32
      %broadcast_in_dim3A_84 = vector.broadcast %broadcast_in_dim3A_83 : f32 to vector<64x128xf32>
      %swap3A_85 = arith.constant 0 : index
      %swap3A_86 = arith.constant 0 : index
      %swap3A_87 = vector.load %arg12[%swap3A_85, %swap3A_86] : memref<64x128xf32, #tpu.memory_space<vmem>>, vector<64x128xf32>
      tpu.vector_store %arg12[%swap3A_85, %swap3A_86], %broadcast_in_dim3A_84 {strides = array<i32>} : memref<64x128xf32, #tpu.memory_space<vmem>>, vector<64x128xf32>,
      %broadcast_in_dim3A_88 = arith.constant 0.000000e+00 : f32
      %broadcast_in_dim3A_89 = vector.broadcast %broadcast_in_dim3A_88 : f32 to vector<64x128xf32>
      %swap3A_90 = arith.constant 0 : index
      %swap3A_91 = arith.constant 0 : index
      %swap3A_92 = vector.load %arg13[%swap3A_90, %swap3A_91] : memref<64x128xf32, #tpu.memory_space<vmem>>, vector<64x128xf32>
      tpu.vector_store %arg13[%swap3A_90, %swap3A_91], %broadcast_in_dim3A_89 {strides = array<i32>} : memref<64x128xf32, #tpu.memory_space<vmem>>, vector<64x128xf32>,
    } else {
    }
    %get3A_59 = arith.constant 0 : index
    %get3A_60 = arith.constant 0 : index
    %get3A_61 = vector.load %arg12[%get3A_59, %get3A_60] : memref<64x128xf32, #tpu.memory_space<vmem>>, vector<64x128xf32>
    %dot_general3A_62 = arith.constant dense<0.000000e+00> : vector<64x128xf32>
    %dot_general3A_63 = tpu.matmul %convert_element_type3A_54, %select_n3A, %dot_general3A_62 {dimension_numbers = #tpu.dot_dimension_numbers<[1], [0], [0], [1], [0, 0, 1, 1], [], []>, precision = #tpu.contract_precision<fp32>, transpose_lhs_hint = false} : vector<64x1000xf32>, vector<1000x128xf32>, vector<64x128xf32> -> vector<64x128xf32>
    %add3A_64 = arith.addf %get3A_61, %dot_general3A_63 : vector<64x128xf32>
    %swap3A = arith.constant 0 : index
    %swap3A_65 = arith.constant 0 : index
    %swap3A_66 = vector.load %arg12[%swap3A, %swap3A_65] : memref<64x128xf32, #tpu.memory_space<vmem>>, vector<64x128xf32>
    tpu.vector_store %arg12[%swap3A, %swap3A_65], %add3A_64 {strides = array<i32>} : memref<64x128xf32, #tpu.memory_space<vmem>>, vector<64x128xf32>,
    %get3A_67 = arith.constant 0 : index
    %get3A_68 = arith.constant 0 : index
    %get3A_69 = vector.load %arg13[%get3A_67, %get3A_68] : memref<64x128xf32, #tpu.memory_space<vmem>>, vector<64x128xf32>
    %reduce_sum3A = arith.constant dense<0.000000e+00> : vector<64xf32>
    %reduce_sum3A_70 = vector.multi_reduction <add>, %convert_element_type3A_54, %reduce_sum3A [1] : vector<64x1000xf32> to vector<64xf32>
    %broadcast_in_dim3A_71 = vector.shape_cast %reduce_sum3A_70 : vector<64xf32> to vector<64x1xf32>
    %broadcast_in_dim3A_72 = vector.shape_cast %broadcast_in_dim3A_71 : vector<64x1xf32> to vector<64x1xf32>
    %broadcast_in_dim3A_73 = vector.broadcast %broadcast_in_dim3A_72 : vector<64x1xf32> to vector<64x128xf32>
    %add3A_74 = arith.addf %get3A_69, %broadcast_in_dim3A_73 : vector<64x128xf32>
    %swap3A_75 = arith.constant 0 : index
    %swap3A_76 = arith.constant 0 : index
    %swap3A_77 = vector.load %arg13[%swap3A_75, %swap3A_76] : memref<64x128xf32, #tpu.memory_space<vmem>>, vector<64x128xf32>
    tpu.vector_store %arg13[%swap3A_75, %swap3A_76], %add3A_74 {strides = array<i32>} : memref<64x128xf32, #tpu.memory_space<vmem>>, vector<64x128xf32>,
    %eq3A_78 = arith.constant 9 : i32
    %eq3A_79 = arith.cmpi eq, %arg0, %eq3A_78 : i32
    %convert_element_type3A_80 = arith.extui %eq3A_79 : i1 to i32
    %cond3A_81 = arith.constant 0 : i32
    %cond3A_82 = arith.cmpi ne, %convert_element_type3A_80, %cond3A_81 : i32
    scf.if %cond3A_82 {
      %get3A_83 = arith.constant 0 : index
      %get3A_84 = arith.constant 0 : index
      %get3A_85 = vector.load %arg12[%get3A_83, %get3A_84] : memref<64x128xf32, #tpu.memory_space<vmem>>, vector<64x128xf32>
      %get3A_86 = arith.constant 0 : index
      %get3A_87 = arith.constant 0 : index
      %get3A_88 = vector.load %arg13[%get3A_86, %get3A_87] : memref<64x128xf32, #tpu.memory_space<vmem>>, vector<64x128xf32>
      %slice3A = vector.extract_strided_slice %get3A_88 {offsets = [0, 0], sizes = [64, 1], strides = [1, 1]} : vector<64x128xf32> to vector<64x1xf32>
      %max3A = arith.constant 1.000000e+00 : f32
      %max3A_89 = vector.broadcast %max3A : f32 to vector<64x1xf32>
      %max3A_90 = arith.maximumf %slice3A, %max3A_89 : vector<64x1xf32>
      %div3A = vector.broadcast %max3A_90 : vector<64x1xf32> to vector<64x128xf32>
      %div3A_91 = arith.divf %get3A_85, %div3A : vector<64x128xf32>
      %mul3A_92 = arith.mulf %div3A_91, %div3A_91 : vector<64x128xf32>
      %reduce_sum3A_93 = arith.constant dense<0.000000e+00> : vector<64xf32>
      %reduce_sum3A_94 = vector.multi_reduction <add>, %mul3A_92, %reduce_sum3A_93 [1] : vector<64x128xf32> to vector<64xf32>
      %broadcast_in_dim3A_95 = vector.shape_cast %reduce_sum3A_94 : vector<64xf32> to vector<64x1xf32>
      %sqrt3A = math.sqrt %broadcast_in_dim3A_95 : vector<64x1xf32>
      %max3A_96 = arith.constant 9.99999996E-13 : f32
      %max3A_97 = vector.broadcast %max3A_96 : f32 to vector<64x1xf32>
      %max3A_98 = arith.maximumf %sqrt3A, %max3A_97 : vector<64x1xf32>
      %div3A_99 = vector.broadcast %max3A_98 : vector<64x1xf32> to vector<64x128xf32>
      %div3A_100 = arith.divf %div3A_91, %div3A_99 : vector<64x128xf32>
      %get3A_101 = arith.constant 0 : index
      %get3A_102 = arith.constant 0 : index
      %get3A_103 = vector.load %arg9[%get3A_101, %get3A_102] : memref<128x64xf32, #tpu.memory_space<vmem>>, vector<128x64xf32>
      %dot_general3A_104 = arith.constant dense<0.000000e+00> : vector<64x64xf32>
      %dot_general3A_105 = tpu.matmul %div3A_100, %get3A_103, %dot_general3A_104 {dimension_numbers = #tpu.dot_dimension_numbers<[1], [0], [0], [1], [0, 0, 1, 1], [], []>, precision = #tpu.contract_precision<fp32>, transpose_lhs_hint = false} : vector<64x128xf32>, vector<128x64xf32>, vector<64x64xf32> -> vector<64x64xf32>
      %get3A_106 = arith.constant 0 : index
      %get3A_107 = arith.constant 0 : index
      %get3A_108 = vector.load %arg10[%get3A_106, %get3A_107] : memref<1x64xf32, #tpu.memory_space<vmem>>, vector<1x64xf32>
      %add3A_109 = vector.broadcast %get3A_108 : vector<1x64xf32> to vector<64x64xf32>
      %add3A_110 = arith.addf %dot_general3A_105, %add3A_109 : vector<64x64xf32>
      %swap3A_111 = arith.constant 0 : index
      %swap3A_112 = arith.constant 0 : index
      %swap3A_113 = vector.load %arg11[%swap3A_111, %swap3A_112] : memref<64x64xf32, #tpu.memory_space<vmem>>, vector<64x64xf32>
      tpu.vector_store %arg11[%swap3A_111, %swap3A_112], %add3A_110 {strides = array<i32>} : memref<64x64xf32, #tpu.memory_space<vmem>>, vector<64x64xf32>,
    } else {
    }
    return
  }
  func.func @transform_0(%arg0: i32) -> (i32, i32) {
    %c0_i32 = arith.constant 0 : i32
    %c0_i32_0 = arith.constant 0 : i32
    return %arg0, %c0_i32 : i32, i32
  }
  func.func @transform_1(%arg0: i32) -> (i32, i32, i32) {
    %c0_i32 = arith.constant 0 : i32
    %c0_i32_0 = arith.constant 0 : i32
    %c0_i32_1 = arith.constant 0 : i32
    return %c0_i32, %arg0, %c0_i32_0 : i32, i32, i32
  }
  func.func @transform_2(%arg0: i32) -> (i32, i32, i32) {
    %c0_i32 = arith.constant 0 : i32
    %c0_i32_0 = arith.constant 0 : i32
    %c0_i32_1 = arith.constant 0 : i32
    return %c0_i32, %arg0, %c0_i32_0 : i32, i32, i32
  }
  func.func @transform_3(%arg0: i32) -> (i32, i32) {
    %c0_i32 = arith.constant 0 : i32
    %c0_i32_0 = arith.constant 0 : i32
    %c0_i32_1 = arith.constant 0 : i32
    return %c0_i32, %c0_i32_0 : i32, i32
  }
  func.func @transform_4(%arg0: i32) -> (i32, i32) {
    %c0_i32 = arith.constant 0 : i32
    %c0_i32_0 = arith.constant 0 : i32
    %c0_i32_1 = arith.constant 0 : i32
    return %c0_i32, %c0_i32_0 : i32, i32
  }
  func.func @transform_5(%arg0: i32) -> (i32, i32) {
    %c0_i32 = arith.constant 0 : i32
    %c0_i32_0 = arith.constant 0 : i32
    %c0_i32_1 = arith.constant 0 : i32
    return %c0_i32, %c0_i32_0 : i32, i32
  }
  func.func @transform_6(%arg0: i32) -> (i32, i32) {
    %c0_i32 = arith.constant 0 : i32
    %c0_i32_0 = arith.constant 0 : i32
    %c0_i32_1 = arith.constant 0 : i32
    return %c0_i32, %c0_i32_0 : i32, i32
  }
  func.func @transform_7(%arg0: i32) -> (i32, i32, i32) {
    %c0_i32 = arith.constant 0 : i32
    %c0_i32_0 = arith.constant 0 : i32
    %c0_i32_1 = arith.constant 0 : i32
    return %arg0, %c0_i32, %c0_i32_0 : i32, i32, i32
  }
  func.func @transform_8(%arg0: i32) -> (i32, i32) {
    %c0_i32 = arith.constant 0 : i32
    %c0_i32_0 = arith.constant 0 : i32
    %c0_i32_1 = arith.constant 0 : i32
    return %c0_i32, %c0_i32_0 : i32, i32
  }
  func.func @transform_9(%arg0: i32) -> (i32, i32) {
    %c0_i32 = arith.constant 0 : i32
    %c0_i32_0 = arith.constant 0 : i32
    %c0_i32_1 = arith.constant 0 : i32
    return %c0_i32, %c0_i32_0 : i32, i32
  }
  func.func @transform_10(%arg0: i32) -> (i32, i32) {
    %c0_i32 = arith.constant 0 : i32
    %c0_i32_0 = arith.constant 0 : i32
    %c0_i32_1 = arith.constant 0 : i32
    return %c0_i32, %c0_i32_0 : i32, i32
  }
}

</mosaic_0001>

<sc_bundles>
// kernel: kernel.11.cloned.1.call-start
scs
__scs_entry_jumppad:
0x0: {  	(pc) =	sbr.rel $0x88, $3  }
0x1: {  	(tag) =	ssettag $0x0;
	lr =	simm.s32 $0x1  }
0x2: {  	[smem:$0x3F8E] =	sst lr;
	_ =	strace $0xD0000000  }
0x3: {  	_ = 	snop  }
0x4: {  	_ = 	snop  }
0x5: {  	_ = 	snop  }
0x6: {  	_ = 	snop  }
0x7: {  	_ = 	snop  }
__scs_overlays_trampoline_lowered:
0x8: {  	[smem:$0x3F9D] =	sst s0  }
0x9: {  	[smem:$0x3F9E] =	sst s1  }
0xa: {  	[smem:$0x3F9F] =	sst s2  }
0xb: {  	[smem:$0x3FA0] =	sst s3  }
0xc: {  	[smem:$0x3FA1] =	sst s4  }
0xd: {  	[smem:$0x3FA2] =	sst s5  }
0xe: {  	[smem:$0x3FA3] =	sst s6  }
0xf: {  	[smem:$0x3FA4] =	sst s7  }
0x10: {  	[smem:$0x3FA5] =	sst s8  }
0x11: {  	[smem:$0x3FA6] =	sst s9;
	s0 =	simm.s32 @!p0 $0x0  }
0x12: {  	s1 =	sld [smem:$0x3F8C];
	s0 =	simm.s32 @p0 $0x1  }
0x13: {  	[smem:$0x3FA7] =	sst s0;
	s0 =	simm.s32 @!p1 $0x0  }
0x14: {  	s2 =	sld [smem:$0x3F8B];
	s0 =	simm.s32 @p1 $0x1  }
0x15: {  	[smem:$0x3FA8] =	sst s0;
	s0 =	simm.s32 @!p2 $0x0  }
0x16: {  	s3 =	sld [smem:$0x3FDB];
	s0 =	simm.s32 @p2 $0x1  }
0x17: {  	s4 =	simm.s32 $0x1BF5;
	[smem:$0x3FAA] =	sst s0  }
0x18: {  	s0 =	sld [smem:$0x3F8D];
	_ =	swait.ge [sflag:s4], $0x0  }
0x19: {  	s7 =	sld [smem:$0x3F8E]  }
0x1a: {  	s8 =	sadd.s32 $0xFFFFE003, lr  }
0x1b: {  	s9 =	sadd.s32 $0xFFFFFEF7, lr;
	s5 =	simm.s32 $0xFFFFFFFF;
	p2 =	slt.u32 s8, $0xFFFFF086  }
0x1c: {  	p1 =	slt.u32 s9, $0xF7A;
	s5 =	simm.s32 @!p2 $0x0  }
0x1d: {  	s5 =	simm.s32 @p1 $0x1;
	p0 =	seq.s32 s7, s2  }
0x1e: {  	s7 =	smul.u32 @!p0 $0xF7A, s2;
	p2 =	seq.s32 @!p0 s5, $0x0  }
0x1f: {  	s9 =	smul.u32 $0xF7A, s1;
	s8 =	simm.s32 @!p0 $0x1BF5;
	p2 =	por !p2, p0  }
0x20: {  	[sflag:s8] =	ssyncset.s32 @!p0 $0xFFFFF086;
	s6 =	sadd.s32 @!p0 s3, s7;
	s7 =	simm.s32 @!p0 $0x108  }
0x21: {  	s3 =	sadd.s32 s3, s9;
	s6 =	sadd.s32 @!p0 $0x88, s6;
	s7 =	simm.s32 @p2 $0x1082  }
0x22: {  	[simem:s7], [sflag:s8] =	dma.local @!p0 [hbm:s6], $0xF7A  }
0x23: {  	s9 =	sor.u32 $0xD0000000, s2;
	s6 =	simm.s32 $0x108;
	_ =	swait.ge @!p0 [sflag:s8], $0x0  }
0x24: {  	s3 =	sadd.s32 $0x88, s3;
	s6 =	simm.s32 @!p1 $0x1082;
	[sflag:s4] =	ssyncset.s32 $0xFFFFF086  }
0x25: {  	[simem:s6], [sflag:s4] =	dma.local [hbm:s3], $0xF7A  }
0x26: {  	[smem:$0x3F8E] =	sst s1;
	(tag) =	ssettag s2;
	_ =	strace s9  }
0x27: {  	s1 =	sld [smem:$0x3F9E]  }
0x28: {  	s2 =	sld [smem:$0x3F9F]  }
0x29: {  	s4 =	sld [smem:$0x3FA1]  }
0x2a: {  	p0 =	seq.s32 s5, $0x0;
	s5 =	sld [smem:$0x3FA2]  }
0x2b: {  	s6 =	sld [smem:$0x3FA3]  }
0x2c: {  	s7 =	sld [smem:$0x3FA4]  }
0x2d: {  	s3 =	simm.s32 $0x108;
	s8 =	sld [smem:$0x3FA5]  }
0x2e: {  	s3 =	simm.s32 @!p0 $0x1082;
	s9 =	sld [smem:$0x3FA6]  }
0x2f: {  	lr =	sadd.s32 s0, s3;
	s0 =	sld [smem:$0x3F9D]  }
0x30: {  	s3 =	sld [smem:$0x3FA0]  }
0x31: {  	[smem:$0x3FA9] =	sst s10  }
0x32: {  	s10 =	sld [smem:$0x3FA7];
	_ =	sdelay $0x3  }
0x33: {  	p0 =	seq.s32 s10, $0x1;
	s10 =	sld [smem:$0x3FA9];
	_ =	sdelay $0x3  }
0x34: {  	[smem:$0x3FA9] =	sst s10  }
0x35: {  	s10 =	sld [smem:$0x3FA8];
	_ =	sdelay $0x3  }
0x36: {  	p1 =	seq.s32 s10, $0x1;
	s10 =	sld [smem:$0x3FA9];
	_ =	sdelay $0x3  }
0x37: {  	[smem:$0x3FA9] =	sst s10  }
0x38: {  	s10 =	sld [smem:$0x3FAA]  }
0x39: {  	_ = 	snop;
	(pc) =	sbr.ind lr, $3  }
0x3a: {  	_ = 	snop  }
0x3b: {  	_ = 	snop  }
0x3c: {  	p2 =	seq.s32 s10, $0x1;
	s10 =	sld [smem:$0x3FA9]  }
0x3d: {  	_ =	shalt  }
0x3e: {  	_ =	shalt  }
0x3f: {  	_ =	shalt  }
0x40: {  	_ =	shalt  }
0x41: {  	_ =	shalt  }
0x42: {  	_ =	shalt  }
0x43: {  	_ =	shalt  }
0x44: {  	_ =	shalt  }
0x45: {  	_ =	shalt  }
0x46: {  	_ =	shalt  }
0x47: {  	_ =	shalt  }
0x48: {  	_ =	shalt  }
0x49: {  	_ =	shalt  }
0x4a: {  	_ =	shalt  }
0x4b: {  	_ =	shalt  }
0x4c: {  	_ =	shalt  }
0x4d: {  	_ =	shalt  }
0x4e: {  	_ =	shalt  }
0x4f: {  	_ =	shalt  }
0x50: {  	_ =	shalt  }
0x51: {  	_ =	shalt  }
0x52: {  	_ =	shalt  }
0x53: {  	_ =	shalt  }
0x54: {  	_ =	shalt  }
0x55: {  	_ =	shalt  }
0x56: {  	_ =	shalt  }
0x57: {  	_ =	shalt  }
0x58: {  	_ =	shalt  }
0x59: {  	_ =	shalt  }
0x5a: {  	_ =	shalt  }
0x5b: {  	_ =	shalt  }
0x5c: {  	_ =	shalt  }
0x5d: {  	_ =	shalt  }
0x5e: {  	_ =	shalt  }
0x5f: {  	_ =	shalt  }
0x60: {  	_ =	shalt  }
0x61: {  	_ =	shalt  }
0x62: {  	_ =	shalt  }
0x63: {  	_ =	shalt  }
0x64: {  	_ =	shalt  }
0x65: {  	_ =	shalt  }
0x66: {  	_ =	shalt  }
0x67: {  	_ =	shalt  }
0x68: {  	_ =	shalt  }
0x69: {  	_ =	shalt  }
0x6a: {  	_ =	shalt  }
0x6b: {  	_ =	shalt  }
0x6c: {  	_ =	shalt  }
0x6d: {  	_ =	shalt  }
0x6e: {  	_ =	shalt  }
0x6f: {  	_ =	shalt  }
0x70: {  	_ =	shalt  }
0x71: {  	_ =	shalt  }
0x72: {  	_ =	shalt  }
0x73: {  	_ =	shalt  }
0x74: {  	_ =	shalt  }
0x75: {  	_ =	shalt  }
0x76: {  	_ =	shalt  }
0x77: {  	_ =	shalt  }
0x78: {  	_ =	shalt  }
0x79: {  	_ =	shalt  }
0x7a: {  	_ =	shalt  }
0x7b: {  	_ =	shalt  }
0x7c: {  	_ =	shalt  }
0x7d: {  	_ =	shalt  }
0x7e: {  	_ =	shalt  }
0x7f: {  	_ =	shalt  }
0x80: {  	_ =	shalt  }
0x81: {  	_ =	shalt  }
0x82: {  	_ =	shalt  }
0x83: {  	_ =	shalt  }
0x84: {  	_ =	shalt  }
0x85: {  	_ =	shalt  }
0x86: {  	_ =	shalt  }
0x87: {  	_ =	shalt  }
.Lfunc_end0:
.L_simem_size_0:
called_computation.1_lowered:
.L_overlay_start_0:
0x88: {  	s2 =	sld [smem:$0x3FD9]  }
0x89: {  	s3 =	sld [smem:$0x3FFE];
	_ =	sdelay $0x1  }
0x8a: {  	s1 =	srdreg.scid  }
0x8b: {  	s0 =	sand.u32 $0x1, s1  }
0x8c: {  	s16 =	sshll.u32 s0, $0xA;
	s2 =	sadd.s32 s3, s2  }
0x8d: {  	s2 =	sadd.s32 s2, s16  }
0x8e: {  	[smem:$0x3FB5] =	sst s2  }
0x8f: {  	_ = 	snop  }
0x90: {  	(tm) =	ssettm $0x1  }
0x91: {  	s17 =	sld [smem:$0x3FFB];
	_ =	sdelay $0x3  }
0x92: {  	_ =	strace s17  }
0x93: {  	s2 =	sld [smem:$0x3FFC];
	_ =	sdelay $0x3  }
0x94: {  	_ =	strace s2  }
0x95: {  	s2 =	sld [smem:$0x3FFD];
	_ =	sdelay $0x3  }
0x96: {  	_ =	strace s2  }
0x97: {  	_ =	strace $0x8FFFFFFF  }
0x98: {  	s18 =	sld [smem:$0x3FDB];
	_ =	sdelay $0x1  }
0x99: {  	s19 =	simm.s32 $_scs_section_size  }
0x9a: {  	s4 =	simm.s32 $_size__tile_overlayer_lowered;
	s5 =	simm.s32 $_tile_overlayer_lowered  }
0x9b: {  	s22 =	simm.s32 $0x1BFF;
	s21 =	sshll.u32 s5, $0x1;
	s2 =	sadd.s32 s19, s18  }
0x9c: {  	s6 =	simm.s32 $0x0;
	s20 =	sshll.u32 s4, $0x1;
	s4 =	sadd.s32 s21, s2  }
0x9d: {  	[timem:s6], [sflag:s22] =	dma.local [hbm:s4], s20  }
0x9e: {  	_ =	swait.ge [sflag:s22], s20  }
0x9f: {  	s3 =	ssub.s32 $0x0, s20;
	[sflag:s22] =	ssyncset.done $0x0  }
0xa0: {  	[sflag:s22] =	ssyncadd.s32 s3;
	_ =	sdelay $0x1  }
0xa1: {  	s23 =	simm.s32 $0x1B8B  }
0xa2: {  	_ =	swait.ge [sflag:s23], $0x1  }
0xa3: {  	[sflag:s23] =	ssyncset.done $0x0  }
0xa4: {  	s25 =	simm.s32 $0x1B8E;
	s24 =	sld [smem:$0x3FFE];
	[sflag:s23] =	ssyncadd.s32 $0xFFFFFFFF  }
0xa5: {  	s26 =	simm.s32 $execute0_lowered;
	[smem:$0x3FD2] =	sst s25  }
0xa6: {  	s4 =	sshll.u32 s26, $0x1;
	_ =	strace $0x80000049;
	[dreg:$0x1] =	wrdreg $0xFFFFFFFF  }
0xa7: {  	s28 =	simm.s32 $_size_execute0_lowered;
	s2 =	sadd.s32 s2, s4;
	[dreg:$0x0] =	wrdreg $0x0  }
0xa8: {  	s4 =	sshll.u32 s28, $0x1;
	[dreg:$0x2] =	wrdreg s2  }
0xa9: {  	[dreg:$0x3] =	wrdreg s4  }
0xaa: {  	[dreg:$0x4] =	wrdreg $0xC0  }
0xab: {  	_ =	task [dreg:s6], $0x5FFFF  }
0xac: {  	[dreg:$0x1] =	wrdreg $0xFFFFFFFF  }
0xad: {  	[dreg:$0x0] =	wrdreg $0x60  }
0xae: {  	[dreg:$0x2] =	wrdreg s24  }
0xaf: {  	[dreg:$0x3] =	wrdreg $0x10F000  }
0xb0: {  	[dreg:$0x4] =	wrdreg $0x9  }
0xb1: {  	_ =	task.clear_ibuf [dreg:s6], $0x5FFFF;
	_ =	strace $0x90000049  }
0xb2: {  	s29 =	simm.s32 $0x9;
	_ =	strace $0x8000004B  }
0xb3: {  	_ =	swait.ge [sflag:s29], $0x1  }
0xb4: {  	[sflag:s29] =	ssyncadd.s32 $0xFFFFFFFF  }
0xb5: {  	_ =	strace $0x9000004B  }
0xb6: {  	_ =	sfence  }
0xb7: {  	s30 =	sld [smem:$0x0];
	_ =	sdelay $0x2  }
0xb8: {  	s31 =	sshll.u32 s1, $0xD;
	s1 =	sshrl.u32 s1, $0x2  }
0xb9: {  	s3 =	sand.u32 $0x4000, s31;
	s1 =	sadd.s32 s1, s30  }
0xba: {  	s0 =	sor.u32 s3, s0;
	s1 =	sshll.u32 s1, $0x11  }
0xbb: {  	s0 =	sor.u32 s1, s0  }
0xbc: {  	s0 =	sadd.s32 $0x8F2B, s0  }
0xbd: {  	[sflag:s0] =	ssyncadd.remote.s32 $0x1  }
0xbe: {  	_ =	sfence.sel $0xFFFF  }
0xbf: {  	[dreg:$0x0] =	wrdreg $0xFFFFFFFF;
	(pc) =	sbr.abs _section_cstart, $3  }
0xc0: {  	[dreg:$0x1] =	wrdreg $0xFFFFFFFF  }
0xc1: {  	_ =	task.clear_ibuf [dreg:s6], $0x2FFFF;
	_ =	strace $0x9FFFFFFF  }
0xc2: {  	(tm) =	ssettm $0x7FFFFFFF  }
0xc3: {  	_ =	shalt  }
tec
execute0_lowered:
.L_overlay_start_1:
0x0: {  	(tag) =	ssettag $0x1  }
0x1: {  	s0 =	srdreg.scid  }
0x2: {  	s3 =	stileid.u32;
	s5 =	rddreg [dreg:$0x0]  }
0x3: {  	s2 =	rddreg [dreg:$0x1];
	s4 =	simm.s32 $0x0;
	s10 =	simm.s32 $0xD  }
0x4: {  	s14 =	simm.s32 $0x80;
	s15 =	simm.s32 $0x4F00;
	s16 =	simm.s32 $0x6F00  }
0x5: {  	s18 =	simm.s32 $0x8F00;
	s20 =	simm.s32 $0xAF00;
	s21 =	simm.s32 $0x1  }
0x6: {  	s22 =	simm.s32 $0xCF00;
	s28 =	simm.s32 $0x4;
	s29 =	simm.s32 $0x8  }
0x7: {  	s30 =	simm.s32 $0x6;
	s31 =	simm.s32 $0xA;
	s11 =	simm.s32 $0x0  }
0x8: {  	s0 =	sand.u32 $0x1, s0;
	s6 =	smul.u32 $0x14000, s3;
	[smem:$0x7FF] =	sst s4  }
0x9: {  	s4 =	sadd.s32 $0xF1800, s5;
	s8 =	sadd.s32 $0xF000, s5;
	s26 =	sshll.u32 s3, $0x6  }
0xa: {  	s1 =	sshll.u32 s0, $0x4;
	s7 =	smul.u32 $0x140000, s0;
	_ =	strace $0x8000004A  }
0xb: {  	s0 =	ssub.s32 $0x2, s0;
	[dreg:$0x3] =	wrdreg s8;
	s1 =	sor.u32 s3, s1  }
0xc: {  	s23 =	sshrl.u32 s0, $0x1;
	s1 =	smul.u32 $0x4F0, s1;
	s7 =	sadd.s32 s6, s7  }
0xd: {  	s0 =	ssub.s32 s0, s23;
	s6 =	sshrl.u32 s6, $0x1;
	s23 =	simm.s32 $0x2  }
0xe: {  	s7 =	sshrl.u32 s7, $0x4;
	s25 =	sadd.s32 s6, s2;
	s0 =	smax.u32 s0, $0x1  }
0xf: {  	s1 =	sadd.s32 s1, s5;
	s5 =	sadd.s32 s7, s5;
	[dreg:$0x7] =	wrdreg s0  }
.Ltmp0:
0x10: {  	s7 =	sor.u32 $0x1C0D, s26;
	s8 =	sshrl.u32 s25, $0x3;
	(pc) =	sbr.rel .LBB2_1-.Ltmp0, $4  }
0x11: {  	s25 =	simm.s32 $0x3;
	s24 =	sadd.s32 $0xC0600, s1;
	[dreg:$0x8] =	wrdreg s8  }
0x12: {  	s26 =	simm.s32 $0x7;
	s1 =	sadd.s32 $0x4C00, s1;
	[dreg:$0x4] =	wrdreg s24  }
0x13: {  	s0 =	simm.s32 $0xB;
	s5 =	sadd.s32 $0x60400, s5;
	[dreg:$0x5] =	wrdreg s1  }
0x14: {  	[dreg:$0x6] =	wrdreg s5;
	s24 =	simm.s32 $0xEF00;
	s1 =	simm.s32 $0xC  }
.LBB2_10:
0x15: {  	_ =	swait.ge [sflag:s26], $0x2000  }
0x16: {  	[sflag:s26] =	ssyncset.done $0x0  }
0x17: {  	[sflag:s26] =	ssyncadd.s32 $0xFFFFE000  }
0x18: {  	_ =	swait.ge [sflag:s1], $0x2000  }
0x19: {  	[sflag:s1] =	ssyncset.done $0x0  }
0x1a: {  	[sflag:s1] =	ssyncadd.s32 $0xFFFFE000  }
0x1b: {  	[bflag:$0x0] =	sbarrier.arrive $0xFFFF  }
0x1c: {  	s3 =	rddreg [dreg:$0x6]  }
0x1d: {  	s8 =	rddreg [dreg:$0x8]  }
0x1e: {  	[hbm:s3], [sflag:s13] =	dma.local [spmem:s8], $0x1400  }
0x1f: {  	_ =	swait.ge [sflag:s10], $0x1400  }
0x20: {  	s11 =	sadd.s32 $0x1, s11;
	s19 =	rddreg [dreg:$0x7]  }
0x21: {  	p0 =	sne.s32 s11, s19  }
.Ltmp1:
0x22: {  	_ = 	snop;
	(pc) =	sbr.rel @!p0 .LBB2_11-.Ltmp1, $3  }
0x23: {  	_ =	sdelay $0x1  }
0x24: {  	[sflag:s10] =	ssyncset.done $0x0  }
0x25: {  	s7 =	smov.u32 s13;
	[sflag:s10] =	ssyncadd.s32 $0xFFFFEC00  }
.LBB2_1:
0x26: {  	s3 =	simm.s32 $0x0;
	s5 =	rddreg [dreg:$0x4]  }
0x27: {  	[tilespmem:s3], [sflag:$0xD] =	stream.linear.gather [hbm4b:s5+s3], $0x2780, $0x38;
	[tilespmem:$0x1AF00] =	vst v63  }
0x28: {  	_ =	swait.ge [sflag:s10], $0x2780  }
0x29: {  	[sflag:s10] =	ssyncset.done $0x0  }
0x2a: {  	s6 =	simm.s32 $0x2780;
	s9 =	rddreg [dreg:$0x5];
	[sflag:s10] =	ssyncadd.s32 $0xFFFFD880  }
0x2b: {  	[tilespmem:s6], [sflag:$0xD] =	stream.linear.gather [hbm4b:s9+s3], $0x2780, $0x38;
	[tilespmem:$0x1AF00] =	vst v63  }
0x2c: {  	_ =	swait.ge [sflag:s10], $0x2780  }
0x2d: {  	[sflag:s10] =	ssyncset.done $0x0  }
0x2e: {  	s12 =	rddreg [dreg:$0x3];
	[sflag:s10] =	ssyncadd.s32 $0xFFFFD880  }
0x2f: {  	[spmem:s8], [sflag:s7] =	dma.local [hbm:s12], $0x1400  }
0x30: {  	_ =	swait.ge [sflag:s10], $0x1400  }
0x31: {  	[sflag:s10] =	ssyncset.done $0x0  }
0x32: {  	[sflag:s10] =	ssyncadd.s32 $0xFFFFEC00  }
0x33: {  	[tilespmem:s15], [sflag:$0x1] =	stream.indirect.gather [hbm4b:s4+s14], $0x40, s3, s14, $0xb8;
	[tilespmem:$0x1AF00] =	vst v63  }
0x34: {  	_ = 	snop  }
0x35: {  	[tilespmem:s16], [sflag:$0x2] =	stream.indirect.gather [hbm4b:s4+s14], $0x40, s14, s14, $0xb8;
	[tilespmem:$0x1AF00] =	vst v63  }
0x36: {  	s17 =	simm.s32 $0x100  }
0x37: {  	[tilespmem:s18], [sflag:$0x3] =	stream.indirect.gather [hbm4b:s4+s14], $0x40, s17, s14, $0xb8;
	[tilespmem:$0x1AF00] =	vst v63  }
.Ltmp2:
0x38: {  	_ = 	snop;
	(pc) =	sbr.rel .LBB2_2-.Ltmp2, $4  }
0x39: {  	s19 =	simm.s32 $0x180  }
0x3a: {  	[tilespmem:s20], [sflag:$0x4] =	stream.indirect.gather [hbm4b:s4+s14], $0x40, s19, s14, $0xb8;
	[tilespmem:$0x1AF00] =	vst v63  }
0x3b: {  	s13 =	smov.u32 s7;
	[bflag:$0x0] =	sbarrier.arrive $0xFFFF  }
0x3c: {  	s5 =	simm.s32 $0x0;
	s17 =	simm.s32 $0x4;
	s19 =	simm.s32 $0x0  }
.LBB2_3:
0x3d: {  	s6 =	simm.s32 $0x2780  }
0x3e: {  	[spmem:s2] =	stream.indirect.scatter.add.bf16 [tilespmem:s15], [sflag:$0x7], $0x40, s6, s14, $0xb8;
	[tilespmem:$0x1AF00] =	vst v63  }
0x3f: {  	s9 =	simm.s32 $0x200  }
0x40: {  	[tilespmem:s22], [sflag:$0x5] =	stream.indirect.gather [hbm4b:s4+s14], $0x40, s9, s14, $0xb8;
	[tilespmem:$0x1AF00] =	vst v63  }
0x41: {  	_ =	swait.ge [sflag:s23], $0x2000  }
0x42: {  	[sflag:s23] =	ssyncset.done $0x0  }
0x43: {  	s8 =	simm.s32 $0x0;
	s7 =	simm.s32 $0x4;
	[sflag:s23] =	ssyncadd.s32 $0xFFFFE000  }
.LBB2_8:
0x44: {  	s9 =	sshra.s32 s9, $0x2  }
0x45: {  	s12 =	sshra.s32 s8, $0x2;
	s9 =	sadd.s32 $0x2780, s9  }
0x46: {  	[spmem:s2] =	stream.indirect.scatter.add.bf16 [tilespmem:s16], [sflag:$0x8], $0x40, s9, s14, $0xb8;
	[tilespmem:$0x1AF00] =	vst v63  }
0x47: {  	s9 =	sadd.s32 $0x280, s12  }
0x48: {  	[tilespmem:s24], [sflag:$0x6] =	stream.indirect.gather [hbm4b:s4+s14], $0x40, s9, s14, $0xb8;
	[tilespmem:$0x1AF00] =	vst v63  }
.LBB2_9:
0x49: {  	_ =	swait.ge [sflag:s25], $0x2000  }
0x4a: {  	[sflag:s25] =	ssyncset.done $0x0  }
0x4b: {  	[sflag:s25] =	ssyncadd.s32 $0xFFFFE000  }
0x4c: {  	_ =	swait.ge [sflag:s26], $0x2000  }
0x4d: {  	[sflag:s26] =	ssyncset.done $0x0  }
0x4e: {  	s9 =	sadd.s32 $0x100, s6;
	s8 =	sshra.s32 s8, $0x2;
	[sflag:s26] =	ssyncadd.s32 $0xFFFFE000  }
0x4f: {  	[spmem:s2] =	stream.indirect.scatter.add.bf16 [tilespmem:s18], [sflag:$0x9], $0x40, s9, s14, $0xb8;
	[tilespmem:$0x1AF00] =	vst v63  }
0x50: {  	s12 =	sadd.s32 $0x300, s8  }
0x51: {  	[tilespmem:s15], [sflag:$0x1] =	stream.indirect.gather [hbm4b:s4+s14], $0x40, s12, s14, $0xb8;
	[tilespmem:$0x1AF00] =	vst v63  }
0x52: {  	_ =	swait.ge [sflag:s28], $0x2000  }
0x53: {  	[sflag:s28] =	ssyncset.done $0x0  }
0x54: {  	[sflag:s28] =	ssyncadd.s32 $0xFFFFE000  }
0x55: {  	_ =	swait.ge [sflag:s29], $0x2000  }
0x56: {  	p0 =	sgt.u32 s5, $0xB;
	[sflag:s29] =	ssyncset.done $0x0  }
0x57: {  	s3 =	sadd.s32 $0x180, s6;
	s9 =	simm.s32 @p0 $0x5;
	[sflag:s29] =	ssyncadd.s32 $0xFFFFE000  }
0x58: {  	[spmem:s2] =	stream.indirect.scatter.add.bf16 [tilespmem:s20], [sflag:$0xA], $0x40, s3, s14, $0xb8;
	[tilespmem:$0x1AF00] =	vst v63  }
0x59: {  	_ =	swait.ge @p0 [sflag:s9], $0x2000  }
0x5a: {  	[sflag:s9] =	ssyncset.done @p0 $0x0  }
0x5b: {  	[sflag:s9] =	ssyncadd.s32 @p0 $0xFFFFE000;
	s9 =	simm.s32 @p0 $0x9  }
0x5c: {  	s3 =	sshll.u32 @p0 s7, $0x7;
	_ =	swait.ge @p0 [sflag:s9], $0x2000  }
0x5d: {  	s12 =	simm.s32 @p0 $0xCF00;
	s3 =	sand.u32 @p0 $0x3FFFFF80, s3;
	[sflag:s9] =	ssyncset.done @p0 $0x0  }
0x5e: {  	s3 =	sadd.s32 @p0 $0x2780, s3;
	[sflag:s9] =	ssyncadd.s32 @p0 $0xFFFFE000;
	s9 =	simm.s32 @p0 $0x80  }
0x5f: {  	[spmem:s2] =	stream.indirect.scatter.add.bf16 @p0 [tilespmem:s12], [sflag:$0xB], $0x40, s3, s9, $0xb8;
	[tilespmem:$0x1AF00] =	vst v63  }
0x60: {  	s3 =	sadd.s32 @!p0 $0x380, s8;
	s9 =	simm.s32 @!p0 $0x80;
	s12 =	simm.s32 @!p0 $0x6F00  }
0x61: {  	[tilespmem:s12], [sflag:$0x2] =	stream.indirect.gather @!p0 [hbm4b:s4+s9], $0x40, s3, s9, $0xb8;
	[tilespmem:$0x1AF00] =	vst v63  }
0x62: {  	s3 =	simm.s32 @!p0 $0x5  }
0x63: {  	_ =	swait.ge @!p0 [sflag:s3], $0x2000  }
0x64: {  	[sflag:s3] =	ssyncset.done @!p0 $0x0  }
0x65: {  	[sflag:s3] =	ssyncadd.s32 @!p0 $0xFFFFE000;
	s3 =	simm.s32 @!p0 $0x9  }
0x66: {  	s7 =	sshll.u32 @!p0 s7, $0x7;
	_ =	swait.ge @!p0 [sflag:s3], $0x2000  }
0x67: {  	s7 =	sand.u32 @!p0 $0x3FFFFF80, s7;
	[sflag:s3] =	ssyncset.done @!p0 $0x0  }
0x68: {  	[sflag:s3] =	ssyncadd.s32 @!p0 $0xFFFFE000;
	s3 =	sadd.s32 @!p0 $0x2780, s7;
	s7 =	simm.s32 @!p0 $0xCF00  }
0x69: {  	[spmem:s2] =	stream.indirect.scatter.add.bf16 @!p0 [tilespmem:s7], [sflag:$0xB], $0x40, s3, s9, $0xb8;
	[tilespmem:$0x1AF00] =	vst v63  }
0x6a: {  	s3 =	sadd.s32 @!p0 $0x400, s8;
	s7 =	simm.s32 @!p0 $0x8F00  }
0x6b: {  	[tilespmem:s7], [sflag:$0x3] =	stream.indirect.gather @!p0 [hbm4b:s4+s9], $0x40, s3, s9, $0xb8;
	[tilespmem:$0x1AF00] =	vst v63  }
0x6c: {  	_ =	swait.ge [sflag:s30], $0x2000  }
0x6d: {  	[sflag:s30] =	ssyncset.done $0x0  }
0x6e: {  	[sflag:s30] =	ssyncadd.s32 $0xFFFFE000  }
0x6f: {  	_ =	swait.ge [sflag:s31], $0x2000  }
0x70: {  	[sflag:s31] =	ssyncset.done $0x0  }
0x71: {  	s12 =	sadd.s32 $0x280, s6;
	[sflag:s31] =	ssyncadd.s32 $0xFFFFE000  }
0x72: {  	[spmem:s2] =	stream.indirect.scatter.add.bf16 [tilespmem:s24], [sflag:$0xC], $0x40, s12, s14, $0xb8;
	[tilespmem:$0x1AF00] =	vst v63  }
0x73: {  	s19 =	sadd.s32 $0xC00, s19;
	s6 =	simm.s32 @!p0 $0xAF00;
	s3 =	sadd.s32 @!p0 $0x480, s8  }
0x74: {  	[tilespmem:s6], [sflag:$0x4] =	stream.indirect.gather @!p0 [hbm4b:s4+s9], $0x40, s3, s9, $0xb8;
	[tilespmem:$0x1AF00] =	vst v63  }
0x75: {  	p0 =	sne.s32 s19, $0xA800  }
.Ltmp3:
0x76: {  	_ = 	snop;
	(pc) =	sbr.rel @!p0 .LBB2_10-.Ltmp3, $2  }
0x77: {  	_ =	sdelay $0x2  }
0x78: {  	s5 =	sadd.s32 $0x1, s5;
	s17 =	sadd.s32 $0x6, s17  }
.LBB2_2:
0x79: {  	p0 =	sne.s32 s19, $0x0  }
.Ltmp4:
0x7a: {  	_ = 	snop;
	(pc) =	sbr.rel @!p0 .LBB2_3-.Ltmp4, $4  }
0x7b: {  	_ = 	snop  }
0x7c: {  	_ =	swait.ge [sflag:s21], $0x2000  }
0x7d: {  	[sflag:s21] =	ssyncset.done $0x0  }
0x7e: {  	[sflag:s21] =	ssyncadd.s32 $0xFFFFE000  }
0x7f: {  	p0 =	seq.s32 s19, $0x9C00  }
.Ltmp5:
0x80: {  	_ = 	snop;
	(pc) =	sbr.rel @p0 .LBB2_10-.Ltmp5, $4  }
0x81: {  	_ =	swait.ge [sflag:s0], $0x2000  }
0x82: {  	s7 =	sshra.s32 s19, $0x2;
	[sflag:s0] =	ssyncset.done $0x0  }
0x83: {  	s6 =	sadd.s32 $0x2780, s7;
	[sflag:s0] =	ssyncadd.s32 $0xFFFFE000  }
0x84: {  	[spmem:s2] =	stream.indirect.scatter.add.bf16 [tilespmem:s15], [sflag:$0x7], $0x40, s6, s14, $0xb8;
	[tilespmem:$0x1AF00] =	vst v63  }
0x85: {  	s12 =	sadd.s32 $0xFFFFFFFD, s17  }
0x86: {  	p0 =	sgt.u32 s12, $0x4E  }
.Ltmp6:
0x87: {  	_ = 	snop;
	(pc) =	sbr.rel @p0 .LBB2_6-.Ltmp6, $3  }
0x88: {  	_ =	sdelay $0x1  }
0x89: {  	s7 =	sadd.s32 $0x200, s7  }
0x8a: {  	[tilespmem:s22], [sflag:$0x5] =	stream.indirect.gather [hbm4b:s4+s14], $0x40, s7, s14, $0xb8;
	[tilespmem:$0x1AF00] =	vst v63  }
0x8b: {  	_ =	swait.ge [sflag:s23], $0x2000  }
.Ltmp7:
0x8c: {  	[sflag:s23] =	ssyncset.done $0x0;
	(pc) =	sbr.rel .LBB2_8-.Ltmp7, $4  }
0x8d: {  	[sflag:s23] =	ssyncadd.s32 $0xFFFFE000  }
0x8e: {  	_ =	swait.ge [sflag:s1], $0x2000  }
0x8f: {  	s9 =	sadd.s32 $0x200, s19;
	[sflag:s1] =	ssyncset.done $0x0  }
0x90: {  	s7 =	smov.u32 s17;
	s8 =	smov.u32 s19;
	[sflag:s1] =	ssyncadd.s32 $0xFFFFE000  }
.LBB2_6:
.Ltmp8:
0x91: {  	(pc) =	sbr.rel .LBB2_9-.Ltmp8, $2  }
0x92: {  	_ =	sdelay $0x2  }
0x93: {  	s8 =	smov.u32 s19;
	s7 =	smov.u32 s17  }
.LBB2_11:
0x94: {  	_ =	sfence.sel $0x180000  }
0x95: {  	[bflag:$0x0] =	sbarrier.arrive $0xFFFF  }
0x96: {  	_ =	strace $0x9000004A  }
0x97: {  	s0 =	stileid.u32;
	[bflag:$0x2] =	sbarrier.arrive $0xFFFF  }
0x98: {  	p0 =	sne.s32 s0, $0x0;
	s0 =	rddreg [dreg:$0x2]  }
0x99: {  	s0 =	sadd.s32 @!p0 $0x100000, s0  }
0x9a: {  	[sflag:s0] =	ssyncadd.tile.s32 @!p0 $0x1;
	_ =	shalt  }
.Lfunc_end2:
_tile_overlayer_lowered:
.L_overlay_start_2:
0x9b: {  	(tag) =	ssettag $0x2  }
0x9c: {  	s0 =	rddreg [dreg:$0x0];
	s2 =	stileid.u32  }
0x9d: {  	s1 =	rddreg [dreg:$0x1];
	p0 =	sne.s32 s2, $0x0  }
0x9e: {  	s3 =	rddreg [dreg:$0x2];
	[bflag:$0x3] =	sbarrier.arrive $0xFFFF;
	s2 =	simm.s32 @!p0 $0x1C0D  }
0x9f: {  	[timem:s3], [sflag:s2] =	dma.local @!p0 [hbm:s0], s1  }
0xa0: {  	s0 =	simm.s32 @!p0 $0xD  }
0xa1: {  	_ =	swait.ge @!p0 [sflag:s0], s1  }
0xa2: {  	s1 =	ssub.s32 @!p0 $0x0, s1;
	[sflag:s0] =	ssyncset.done @!p0 $0x0  }
0xa3: {  	[sflag:s0] =	ssyncadd.s32 @!p0 s1  }
0xa4: {  	[bflag:$0x3] =	sbarrier.arrive $0xFFFF  }
0xa5: {  	_ =	shalt  }

// kernel: kernel.14.cloned.1.call-start
scs
__scs_entry_jumppad:
0x0: {  	(pc) =	sbr.rel $0x88, $3  }
0x1: {  	(tag) =	ssettag $0x0;
	lr =	simm.s32 $0x1  }
0x2: {  	[smem:$0x3F8E] =	sst lr;
	_ =	strace $0xD0000000  }
0x3: {  	_ = 	snop  }
0x4: {  	_ = 	snop  }
0x5: {  	_ = 	snop  }
0x6: {  	_ = 	snop  }
0x7: {  	_ = 	snop  }
__scs_overlays_trampoline_lowered:
0x8: {  	[smem:$0x3F9D] =	sst s0  }
0x9: {  	[smem:$0x3F9E] =	sst s1  }
0xa: {  	[smem:$0x3F9F] =	sst s2  }
0xb: {  	[smem:$0x3FA0] =	sst s3  }
0xc: {  	[smem:$0x3FA1] =	sst s4  }
0xd: {  	[smem:$0x3FA2] =	sst s5  }
0xe: {  	[smem:$0x3FA3] =	sst s6  }
0xf: {  	[smem:$0x3FA4] =	sst s7  }
0x10: {  	[smem:$0x3FA5] =	sst s8  }
0x11: {  	[smem:$0x3FA6] =	sst s9;
	s0 =	simm.s32 @!p0 $0x0  }
0x12: {  	s1 =	sld [smem:$0x3F8C];
	s0 =	simm.s32 @p0 $0x1  }
0x13: {  	[smem:$0x3FA7] =	sst s0;
	s0 =	simm.s32 @!p1 $0x0  }
0x14: {  	s2 =	sld [smem:$0x3F8B];
	s0 =	simm.s32 @p1 $0x1  }
0x15: {  	[smem:$0x3FA8] =	sst s0;
	s0 =	simm.s32 @!p2 $0x0  }
0x16: {  	s3 =	sld [smem:$0x3FDB];
	s0 =	simm.s32 @p2 $0x1  }
0x17: {  	s4 =	simm.s32 $0x1BF5;
	[smem:$0x3FAA] =	sst s0  }
0x18: {  	s0 =	sld [smem:$0x3F8D];
	_ =	swait.ge [sflag:s4], $0x0  }
0x19: {  	s7 =	sld [smem:$0x3F8E]  }
0x1a: {  	s8 =	sadd.s32 $0xFFFFE003, lr  }
0x1b: {  	s9 =	sadd.s32 $0xFFFFFEF7, lr;
	s5 =	simm.s32 $0xFFFFFFFF;
	p2 =	slt.u32 s8, $0xFFFFF086  }
0x1c: {  	p1 =	slt.u32 s9, $0xF7A;
	s5 =	simm.s32 @!p2 $0x0  }
0x1d: {  	s5 =	simm.s32 @p1 $0x1;
	p0 =	seq.s32 s7, s2  }
0x1e: {  	s7 =	smul.u32 @!p0 $0xF7A, s2;
	p2 =	seq.s32 @!p0 s5, $0x0  }
0x1f: {  	s9 =	smul.u32 $0xF7A, s1;
	s8 =	simm.s32 @!p0 $0x1BF5;
	p2 =	por !p2, p0  }
0x20: {  	[sflag:s8] =	ssyncset.s32 @!p0 $0xFFFFF086;
	s6 =	sadd.s32 @!p0 s3, s7;
	s7 =	simm.s32 @!p0 $0x108  }
0x21: {  	s3 =	sadd.s32 s3, s9;
	s6 =	sadd.s32 @!p0 $0x88, s6;
	s7 =	simm.s32 @p2 $0x1082  }
0x22: {  	[simem:s7], [sflag:s8] =	dma.local @!p0 [hbm:s6], $0xF7A  }
0x23: {  	s9 =	sor.u32 $0xD0000000, s2;
	s6 =	simm.s32 $0x108;
	_ =	swait.ge @!p0 [sflag:s8], $0x0  }
0x24: {  	s3 =	sadd.s32 $0x88, s3;
	s6 =	simm.s32 @!p1 $0x1082;
	[sflag:s4] =	ssyncset.s32 $0xFFFFF086  }
0x25: {  	[simem:s6], [sflag:s4] =	dma.local [hbm:s3], $0xF7A  }
0x26: {  	[smem:$0x3F8E] =	sst s1;
	(tag) =	ssettag s2;
	_ =	strace s9  }
0x27: {  	s1 =	sld [smem:$0x3F9E]  }
0x28: {  	s2 =	sld [smem:$0x3F9F]  }
0x29: {  	s4 =	sld [smem:$0x3FA1]  }
0x2a: {  	p0 =	seq.s32 s5, $0x0;
	s5 =	sld [smem:$0x3FA2]  }
0x2b: {  	s6 =	sld [smem:$0x3FA3]  }
0x2c: {  	s7 =	sld [smem:$0x3FA4]  }
0x2d: {  	s3 =	simm.s32 $0x108;
	s8 =	sld [smem:$0x3FA5]  }
0x2e: {  	s3 =	simm.s32 @!p0 $0x1082;
	s9 =	sld [smem:$0x3FA6]  }
0x2f: {  	lr =	sadd.s32 s0, s3;
	s0 =	sld [smem:$0x3F9D]  }
0x30: {  	s3 =	sld [smem:$0x3FA0]  }
0x31: {  	[smem:$0x3FA9] =	sst s10  }
0x32: {  	s10 =	sld [smem:$0x3FA7];
	_ =	sdelay $0x3  }
0x33: {  	p0 =	seq.s32 s10, $0x1;
	s10 =	sld [smem:$0x3FA9];
	_ =	sdelay $0x3  }
0x34: {  	[smem:$0x3FA9] =	sst s10  }
0x35: {  	s10 =	sld [smem:$0x3FA8];
	_ =	sdelay $0x3  }
0x36: {  	p1 =	seq.s32 s10, $0x1;
	s10 =	sld [smem:$0x3FA9];
	_ =	sdelay $0x3  }
0x37: {  	[smem:$0x3FA9] =	sst s10  }
0x38: {  	s10 =	sld [smem:$0x3FAA]  }
0x39: {  	_ = 	snop;
	(pc) =	sbr.ind lr, $3  }
0x3a: {  	_ = 	snop  }
0x3b: {  	_ = 	snop  }
0x3c: {  	p2 =	seq.s32 s10, $0x1;
	s10 =	sld [smem:$0x3FA9]  }
0x3d: {  	_ =	shalt  }
0x3e: {  	_ =	shalt  }
0x3f: {  	_ =	shalt  }
0x40: {  	_ =	shalt  }
0x41: {  	_ =	shalt  }
0x42: {  	_ =	shalt  }
0x43: {  	_ =	shalt  }
0x44: {  	_ =	shalt  }
0x45: {  	_ =	shalt  }
0x46: {  	_ =	shalt  }
0x47: {  	_ =	shalt  }
0x48: {  	_ =	shalt  }
0x49: {  	_ =	shalt  }
0x4a: {  	_ =	shalt  }
0x4b: {  	_ =	shalt  }
0x4c: {  	_ =	shalt  }
0x4d: {  	_ =	shalt  }
0x4e: {  	_ =	shalt  }
0x4f: {  	_ =	shalt  }
0x50: {  	_ =	shalt  }
0x51: {  	_ =	shalt  }
0x52: {  	_ =	shalt  }
0x53: {  	_ =	shalt  }
0x54: {  	_ =	shalt  }
0x55: {  	_ =	shalt  }
0x56: {  	_ =	shalt  }
0x57: {  	_ =	shalt  }
0x58: {  	_ =	shalt  }
0x59: {  	_ =	shalt  }
0x5a: {  	_ =	shalt  }
0x5b: {  	_ =	shalt  }
0x5c: {  	_ =	shalt  }
0x5d: {  	_ =	shalt  }
0x5e: {  	_ =	shalt  }
0x5f: {  	_ =	shalt  }
0x60: {  	_ =	shalt  }
0x61: {  	_ =	shalt  }
0x62: {  	_ =	shalt  }
0x63: {  	_ =	shalt  }
0x64: {  	_ =	shalt  }
0x65: {  	_ =	shalt  }
0x66: {  	_ =	shalt  }
0x67: {  	_ =	shalt  }
0x68: {  	_ =	shalt  }
0x69: {  	_ =	shalt  }
0x6a: {  	_ =	shalt  }
0x6b: {  	_ =	shalt  }
0x6c: {  	_ =	shalt  }
0x6d: {  	_ =	shalt  }
0x6e: {  	_ =	shalt  }
0x6f: {  	_ =	shalt  }
0x70: {  	_ =	shalt  }
0x71: {  	_ =	shalt  }
0x72: {  	_ =	shalt  }
0x73: {  	_ =	shalt  }
0x74: {  	_ =	shalt  }
0x75: {  	_ =	shalt  }
0x76: {  	_ =	shalt  }
0x77: {  	_ =	shalt  }
0x78: {  	_ =	shalt  }
0x79: {  	_ =	shalt  }
0x7a: {  	_ =	shalt  }
0x7b: {  	_ =	shalt  }
0x7c: {  	_ =	shalt  }
0x7d: {  	_ =	shalt  }
0x7e: {  	_ =	shalt  }
0x7f: {  	_ =	shalt  }
0x80: {  	_ =	shalt  }
0x81: {  	_ =	shalt  }
0x82: {  	_ =	shalt  }
0x83: {  	_ =	shalt  }
0x84: {  	_ =	shalt  }
0x85: {  	_ =	shalt  }
0x86: {  	_ =	shalt  }
0x87: {  	_ =	shalt  }
.Lfunc_end0:
.L_simem_size_0:
called_computation.2_lowered:
.L_overlay_start_0:
0x88: {  	s2 =	sld [smem:$0x3FD9]  }
0x89: {  	s3 =	sld [smem:$0x3FFE];
	_ =	sdelay $0x1  }
0x8a: {  	s1 =	srdreg.scid  }
0x8b: {  	s0 =	sand.u32 $0x1, s1  }
0x8c: {  	s16 =	sshll.u32 s0, $0xA;
	s2 =	sadd.s32 s3, s2  }
0x8d: {  	s2 =	sadd.s32 s2, s16  }
0x8e: {  	[smem:$0x3FB5] =	sst s2  }
0x8f: {  	_ = 	snop  }
0x90: {  	(tm) =	ssettm $0x1  }
0x91: {  	s17 =	sld [smem:$0x3FFB];
	_ =	sdelay $0x3  }
0x92: {  	_ =	strace s17  }
0x93: {  	s2 =	sld [smem:$0x3FFC];
	_ =	sdelay $0x3  }
0x94: {  	_ =	strace s2  }
0x95: {  	s2 =	sld [smem:$0x3FFD];
	_ =	sdelay $0x3  }
0x96: {  	_ =	strace s2  }
0x97: {  	_ =	strace $0x8FFFFFFF  }
0x98: {  	s18 =	sld [smem:$0x3FDB];
	_ =	sdelay $0x1  }
0x99: {  	s19 =	simm.s32 $_scs_section_size  }
0x9a: {  	s4 =	simm.s32 $_size__tile_overlayer_lowered;
	s5 =	simm.s32 $_tile_overlayer_lowered  }
0x9b: {  	s22 =	simm.s32 $0x1BFF;
	s21 =	sshll.u32 s5, $0x1;
	s2 =	sadd.s32 s19, s18  }
0x9c: {  	s6 =	simm.s32 $0x0;
	s20 =	sshll.u32 s4, $0x1;
	s4 =	sadd.s32 s21, s2  }
0x9d: {  	[timem:s6], [sflag:s22] =	dma.local [hbm:s4], s20  }
0x9e: {  	_ =	swait.ge [sflag:s22], s20  }
0x9f: {  	s3 =	ssub.s32 $0x0, s20;
	[sflag:s22] =	ssyncset.done $0x0  }
0xa0: {  	[sflag:s22] =	ssyncadd.s32 s3;
	_ =	sdelay $0x1  }
0xa1: {  	s23 =	simm.s32 $0x1B8B  }
0xa2: {  	_ =	swait.ge [sflag:s23], $0x1  }
0xa3: {  	[sflag:s23] =	ssyncset.done $0x0  }
0xa4: {  	s25 =	simm.s32 $0x1B8E;
	s24 =	sld [smem:$0x3FFE];
	[sflag:s23] =	ssyncadd.s32 $0xFFFFFFFF  }
0xa5: {  	s26 =	simm.s32 $execute0_lowered;
	[smem:$0x3FD2] =	sst s25  }
0xa6: {  	s4 =	sshll.u32 s26, $0x1;
	_ =	strace $0x8000004C;
	[dreg:$0x1] =	wrdreg $0xFFFFFFFF  }
0xa7: {  	s28 =	simm.s32 $_size_execute0_lowered;
	s2 =	sadd.s32 s2, s4;
	[dreg:$0x0] =	wrdreg $0x0  }
0xa8: {  	s4 =	sshll.u32 s28, $0x1;
	[dreg:$0x2] =	wrdreg s2  }
0xa9: {  	[dreg:$0x3] =	wrdreg s4  }
0xaa: {  	[dreg:$0x4] =	wrdreg $0xC0  }
0xab: {  	_ =	task [dreg:s6], $0x5FFFF  }
0xac: {  	[dreg:$0x1] =	wrdreg $0xFFFFFFFF  }
0xad: {  	[dreg:$0x0] =	wrdreg $0x60  }
0xae: {  	[dreg:$0x2] =	wrdreg s24  }
0xaf: {  	[dreg:$0x3] =	wrdreg $0x10F000  }
0xb0: {  	[dreg:$0x4] =	wrdreg $0x9  }
0xb1: {  	_ =	task.clear_ibuf [dreg:s6], $0x5FFFF;
	_ =	strace $0x9000004C  }
0xb2: {  	s29 =	simm.s32 $0x9;
	_ =	strace $0x8000004E  }
0xb3: {  	_ =	swait.ge [sflag:s29], $0x1  }
0xb4: {  	[sflag:s29] =	ssyncadd.s32 $0xFFFFFFFF  }
0xb5: {  	_ =	strace $0x9000004E  }
0xb6: {  	_ =	sfence  }
0xb7: {  	s30 =	sld [smem:$0x0];
	_ =	sdelay $0x2  }
0xb8: {  	s31 =	sshll.u32 s1, $0xD;
	s1 =	sshrl.u32 s1, $0x2  }
0xb9: {  	s3 =	sand.u32 $0x4000, s31;
	s1 =	sadd.s32 s1, s30  }
0xba: {  	s0 =	sor.u32 s3, s0;
	s1 =	sshll.u32 s1, $0x11  }
0xbb: {  	s0 =	sor.u32 s1, s0  }
0xbc: {  	s0 =	sadd.s32 $0x8F2B, s0  }
0xbd: {  	[sflag:s0] =	ssyncadd.remote.s32 $0x1  }
0xbe: {  	_ =	sfence.sel $0xFFFF  }
0xbf: {  	[dreg:$0x0] =	wrdreg $0xFFFFFFFF;
	(pc) =	sbr.abs _section_cstart, $3  }
0xc0: {  	[dreg:$0x1] =	wrdreg $0xFFFFFFFF  }
0xc1: {  	_ =	task.clear_ibuf [dreg:s6], $0x2FFFF;
	_ =	strace $0x9FFFFFFF  }
0xc2: {  	(tm) =	ssettm $0x7FFFFFFF  }
0xc3: {  	_ =	shalt  }
tec
execute0_lowered:
.L_overlay_start_1:
0x0: {  	(tag) =	ssettag $0x1  }
0x1: {  	s0 =	srdreg.scid  }
0x2: {  	s3 =	stileid.u32;
	s5 =	rddreg [dreg:$0x0]  }
0x3: {  	s2 =	rddreg [dreg:$0x1];
	s4 =	simm.s32 $0x0;
	s10 =	simm.s32 $0xD  }
0x4: {  	s14 =	simm.s32 $0x80;
	s15 =	simm.s32 $0x4F00;
	s16 =	simm.s32 $0x6F00  }
0x5: {  	s18 =	simm.s32 $0x8F00;
	s20 =	simm.s32 $0xAF00;
	s21 =	simm.s32 $0x1  }
0x6: {  	s22 =	simm.s32 $0xCF00;
	s28 =	simm.s32 $0x4;
	s29 =	simm.s32 $0x8  }
0x7: {  	s30 =	simm.s32 $0x6;
	s31 =	simm.s32 $0xA;
	s11 =	simm.s32 $0x0  }
0x8: {  	s0 =	sand.u32 $0x1, s0;
	s6 =	smul.u32 $0x14000, s3;
	[smem:$0x7FF] =	sst s4  }
0x9: {  	s4 =	sadd.s32 $0x60400, s5;
	s8 =	sadd.s32 $0xF000, s5;
	s26 =	sshll.u32 s3, $0x6  }
0xa: {  	s1 =	sshll.u32 s0, $0x4;
	s7 =	smul.u32 $0x140000, s0;
	_ =	strace $0x8000004D  }
0xb: {  	s0 =	ssub.s32 $0x2, s0;
	[dreg:$0x3] =	wrdreg s8;
	s1 =	sor.u32 s3, s1  }
0xc: {  	s23 =	sshrl.u32 s0, $0x1;
	s1 =	smul.u32 $0x4F0, s1;
	s7 =	sadd.s32 s6, s7  }
0xd: {  	s0 =	ssub.s32 s0, s23;
	s6 =	sshrl.u32 s6, $0x1;
	s23 =	simm.s32 $0x2  }
0xe: {  	s7 =	sshrl.u32 s7, $0x4;
	s25 =	sadd.s32 s6, s2;
	s0 =	smax.u32 s0, $0x1  }
0xf: {  	s1 =	sadd.s32 s1, s5;
	s5 =	sadd.s32 s7, s5;
	[dreg:$0x7] =	wrdreg s0  }
.Ltmp0:
0x10: {  	s7 =	sor.u32 $0x1C0D, s26;
	s8 =	sshrl.u32 s25, $0x3;
	(pc) =	sbr.rel .LBB2_1-.Ltmp0, $4  }
0x11: {  	s25 =	simm.s32 $0x3;
	s24 =	sadd.s32 $0xB6800, s1;
	[dreg:$0x8] =	wrdreg s8  }
0x12: {  	s26 =	simm.s32 $0x7;
	s1 =	sadd.s32 $0x4C00, s1;
	[dreg:$0x4] =	wrdreg s24  }
0x13: {  	s0 =	simm.s32 $0xB;
	s5 =	sadd.s32 $0x73E00, s5;
	[dreg:$0x5] =	wrdreg s1  }
0x14: {  	[dreg:$0x6] =	wrdreg s5;
	s24 =	simm.s32 $0xEF00;
	s1 =	simm.s32 $0xC  }
.LBB2_10:
0x15: {  	_ =	swait.ge [sflag:s26], $0x2000  }
0x16: {  	[sflag:s26] =	ssyncset.done $0x0  }
0x17: {  	[sflag:s26] =	ssyncadd.s32 $0xFFFFE000  }
0x18: {  	_ =	swait.ge [sflag:s1], $0x2000  }
0x19: {  	[sflag:s1] =	ssyncset.done $0x0  }
0x1a: {  	[sflag:s1] =	ssyncadd.s32 $0xFFFFE000  }
0x1b: {  	[bflag:$0x0] =	sbarrier.arrive $0xFFFF  }
0x1c: {  	s3 =	rddreg [dreg:$0x6]  }
0x1d: {  	s8 =	rddreg [dreg:$0x8]  }
0x1e: {  	[hbm:s3], [sflag:s13] =	dma.local [spmem:s8], $0x1400  }
0x1f: {  	_ =	swait.ge [sflag:s10], $0x1400  }
0x20: {  	s11 =	sadd.s32 $0x1, s11;
	s19 =	rddreg [dreg:$0x7]  }
0x21: {  	p0 =	sne.s32 s11, s19  }
.Ltmp1:
0x22: {  	_ = 	snop;
	(pc) =	sbr.rel @!p0 .LBB2_11-.Ltmp1, $3  }
0x23: {  	_ =	sdelay $0x1  }
0x24: {  	[sflag:s10] =	ssyncset.done $0x0  }
0x25: {  	s7 =	smov.u32 s13;
	[sflag:s10] =	ssyncadd.s32 $0xFFFFEC00  }
.LBB2_1:
0x26: {  	s3 =	simm.s32 $0x0;
	s5 =	rddreg [dreg:$0x4]  }
0x27: {  	[tilespmem:s3], [sflag:$0xD] =	stream.linear.gather [hbm4b:s5+s3], $0x2780, $0x38;
	[tilespmem:$0x1AF00] =	vst v63  }
0x28: {  	_ =	swait.ge [sflag:s10], $0x2780  }
0x29: {  	[sflag:s10] =	ssyncset.done $0x0  }
0x2a: {  	s6 =	simm.s32 $0x2780;
	s9 =	rddreg [dreg:$0x5];
	[sflag:s10] =	ssyncadd.s32 $0xFFFFD880  }
0x2b: {  	[tilespmem:s6], [sflag:$0xD] =	stream.linear.gather [hbm4b:s9+s3], $0x2780, $0x38;
	[tilespmem:$0x1AF00] =	vst v63  }
0x2c: {  	_ =	swait.ge [sflag:s10], $0x2780  }
0x2d: {  	[sflag:s10] =	ssyncset.done $0x0  }
0x2e: {  	s12 =	rddreg [dreg:$0x3];
	[sflag:s10] =	ssyncadd.s32 $0xFFFFD880  }
0x2f: {  	[spmem:s8], [sflag:s7] =	dma.local [hbm:s12], $0x1400  }
0x30: {  	_ =	swait.ge [sflag:s10], $0x1400  }
0x31: {  	[sflag:s10] =	ssyncset.done $0x0  }
0x32: {  	[sflag:s10] =	ssyncadd.s32 $0xFFFFEC00  }
0x33: {  	[tilespmem:s15], [sflag:$0x1] =	stream.indirect.gather [hbm4b:s4+s14], $0x40, s3, s14, $0xb8;
	[tilespmem:$0x1AF00] =	vst v63  }
0x34: {  	_ = 	snop  }
0x35: {  	[tilespmem:s16], [sflag:$0x2] =	stream.indirect.gather [hbm4b:s4+s14], $0x40, s14, s14, $0xb8;
	[tilespmem:$0x1AF00] =	vst v63  }
0x36: {  	s17 =	simm.s32 $0x100  }
0x37: {  	[tilespmem:s18], [sflag:$0x3] =	stream.indirect.gather [hbm4b:s4+s14], $0x40, s17, s14, $0xb8;
	[tilespmem:$0x1AF00] =	vst v63  }
.Ltmp2:
0x38: {  	_ = 	snop;
	(pc) =	sbr.rel .LBB2_2-.Ltmp2, $4  }
0x39: {  	s19 =	simm.s32 $0x180  }
0x3a: {  	[tilespmem:s20], [sflag:$0x4] =	stream.indirect.gather [hbm4b:s4+s14], $0x40, s19, s14, $0xb8;
	[tilespmem:$0x1AF00] =	vst v63  }
0x3b: {  	s13 =	smov.u32 s7;
	[bflag:$0x0] =	sbarrier.arrive $0xFFFF  }
0x3c: {  	s5 =	simm.s32 $0x0;
	s17 =	simm.s32 $0x4;
	s19 =	simm.s32 $0x0  }
.LBB2_3:
0x3d: {  	s6 =	simm.s32 $0x2780  }
0x3e: {  	[spmem:s2] =	stream.indirect.scatter.add.bf16 [tilespmem:s15], [sflag:$0x7], $0x40, s6, s14, $0xb8;
	[tilespmem:$0x1AF00] =	vst v63  }
0x3f: {  	s9 =	simm.s32 $0x200  }
0x40: {  	[tilespmem:s22], [sflag:$0x5] =	stream.indirect.gather [hbm4b:s4+s14], $0x40, s9, s14, $0xb8;
	[tilespmem:$0x1AF00] =	vst v63  }
0x41: {  	_ =	swait.ge [sflag:s23], $0x2000  }
0x42: {  	[sflag:s23] =	ssyncset.done $0x0  }
0x43: {  	s8 =	simm.s32 $0x0;
	s7 =	simm.s32 $0x4;
	[sflag:s23] =	ssyncadd.s32 $0xFFFFE000  }
.LBB2_8:
0x44: {  	s9 =	sshra.s32 s9, $0x2  }
0x45: {  	s12 =	sshra.s32 s8, $0x2;
	s9 =	sadd.s32 $0x2780, s9  }
0x46: {  	[spmem:s2] =	stream.indirect.scatter.add.bf16 [tilespmem:s16], [sflag:$0x8], $0x40, s9, s14, $0xb8;
	[tilespmem:$0x1AF00] =	vst v63  }
0x47: {  	s9 =	sadd.s32 $0x280, s12  }
0x48: {  	[tilespmem:s24], [sflag:$0x6] =	stream.indirect.gather [hbm4b:s4+s14], $0x40, s9, s14, $0xb8;
	[tilespmem:$0x1AF00] =	vst v63  }
.LBB2_9:
0x49: {  	_ =	swait.ge [sflag:s25], $0x2000  }
0x4a: {  	[sflag:s25] =	ssyncset.done $0x0  }
0x4b: {  	[sflag:s25] =	ssyncadd.s32 $0xFFFFE000  }
0x4c: {  	_ =	swait.ge [sflag:s26], $0x2000  }
0x4d: {  	[sflag:s26] =	ssyncset.done $0x0  }
0x4e: {  	s9 =	sadd.s32 $0x100, s6;
	s8 =	sshra.s32 s8, $0x2;
	[sflag:s26] =	ssyncadd.s32 $0xFFFFE000  }
0x4f: {  	[spmem:s2] =	stream.indirect.scatter.add.bf16 [tilespmem:s18], [sflag:$0x9], $0x40, s9, s14, $0xb8;
	[tilespmem:$0x1AF00] =	vst v63  }
0x50: {  	s12 =	sadd.s32 $0x300, s8  }
0x51: {  	[tilespmem:s15], [sflag:$0x1] =	stream.indirect.gather [hbm4b:s4+s14], $0x40, s12, s14, $0xb8;
	[tilespmem:$0x1AF00] =	vst v63  }
0x52: {  	_ =	swait.ge [sflag:s28], $0x2000  }
0x53: {  	[sflag:s28] =	ssyncset.done $0x0  }
0x54: {  	[sflag:s28] =	ssyncadd.s32 $0xFFFFE000  }
0x55: {  	_ =	swait.ge [sflag:s29], $0x2000  }
0x56: {  	p0 =	sgt.u32 s5, $0xB;
	[sflag:s29] =	ssyncset.done $0x0  }
0x57: {  	s3 =	sadd.s32 $0x180, s6;
	s9 =	simm.s32 @p0 $0x5;
	[sflag:s29] =	ssyncadd.s32 $0xFFFFE000  }
0x58: {  	[spmem:s2] =	stream.indirect.scatter.add.bf16 [tilespmem:s20], [sflag:$0xA], $0x40, s3, s14, $0xb8;
	[tilespmem:$0x1AF00] =	vst v63  }
0x59: {  	_ =	swait.ge @p0 [sflag:s9], $0x2000  }
0x5a: {  	[sflag:s9] =	ssyncset.done @p0 $0x0  }
0x5b: {  	[sflag:s9] =	ssyncadd.s32 @p0 $0xFFFFE000;
	s9 =	simm.s32 @p0 $0x9  }
0x5c: {  	s3 =	sshll.u32 @p0 s7, $0x7;
	_ =	swait.ge @p0 [sflag:s9], $0x2000  }
0x5d: {  	s12 =	simm.s32 @p0 $0xCF00;
	s3 =	sand.u32 @p0 $0x3FFFFF80, s3;
	[sflag:s9] =	ssyncset.done @p0 $0x0  }
0x5e: {  	s3 =	sadd.s32 @p0 $0x2780, s3;
	[sflag:s9] =	ssyncadd.s32 @p0 $0xFFFFE000;
	s9 =	simm.s32 @p0 $0x80  }
0x5f: {  	[spmem:s2] =	stream.indirect.scatter.add.bf16 @p0 [tilespmem:s12], [sflag:$0xB], $0x40, s3, s9, $0xb8;
	[tilespmem:$0x1AF00] =	vst v63  }
0x60: {  	s3 =	sadd.s32 @!p0 $0x380, s8;
	s9 =	simm.s32 @!p0 $0x80;
	s12 =	simm.s32 @!p0 $0x6F00  }
0x61: {  	[tilespmem:s12], [sflag:$0x2] =	stream.indirect.gather @!p0 [hbm4b:s4+s9], $0x40, s3, s9, $0xb8;
	[tilespmem:$0x1AF00] =	vst v63  }
0x62: {  	s3 =	simm.s32 @!p0 $0x5  }
0x63: {  	_ =	swait.ge @!p0 [sflag:s3], $0x2000  }
0x64: {  	[sflag:s3] =	ssyncset.done @!p0 $0x0  }
0x65: {  	[sflag:s3] =	ssyncadd.s32 @!p0 $0xFFFFE000;
	s3 =	simm.s32 @!p0 $0x9  }
0x66: {  	s7 =	sshll.u32 @!p0 s7, $0x7;
	_ =	swait.ge @!p0 [sflag:s3], $0x2000  }
0x67: {  	s7 =	sand.u32 @!p0 $0x3FFFFF80, s7;
	[sflag:s3] =	ssyncset.done @!p0 $0x0  }
0x68: {  	[sflag:s3] =	ssyncadd.s32 @!p0 $0xFFFFE000;
	s3 =	sadd.s32 @!p0 $0x2780, s7;
	s7 =	simm.s32 @!p0 $0xCF00  }
0x69: {  	[spmem:s2] =	stream.indirect.scatter.add.bf16 @!p0 [tilespmem:s7], [sflag:$0xB], $0x40, s3, s9, $0xb8;
	[tilespmem:$0x1AF00] =	vst v63  }
0x6a: {  	s3 =	sadd.s32 @!p0 $0x400, s8;
	s7 =	simm.s32 @!p0 $0x8F00  }
0x6b: {  	[tilespmem:s7], [sflag:$0x3] =	stream.indirect.gather @!p0 [hbm4b:s4+s9], $0x40, s3, s9, $0xb8;
	[tilespmem:$0x1AF00] =	vst v63  }
0x6c: {  	_ =	swait.ge [sflag:s30], $0x2000  }
0x6d: {  	[sflag:s30] =	ssyncset.done $0x0  }
0x6e: {  	[sflag:s30] =	ssyncadd.s32 $0xFFFFE000  }
0x6f: {  	_ =	swait.ge [sflag:s31], $0x2000  }
0x70: {  	[sflag:s31] =	ssyncset.done $0x0  }
0x71: {  	s12 =	sadd.s32 $0x280, s6;
	[sflag:s31] =	ssyncadd.s32 $0xFFFFE000  }
0x72: {  	[spmem:s2] =	stream.indirect.scatter.add.bf16 [tilespmem:s24], [sflag:$0xC], $0x40, s12, s14, $0xb8;
	[tilespmem:$0x1AF00] =	vst v63  }
0x73: {  	s19 =	sadd.s32 $0xC00, s19;
	s6 =	simm.s32 @!p0 $0xAF00;
	s3 =	sadd.s32 @!p0 $0x480, s8  }
0x74: {  	[tilespmem:s6], [sflag:$0x4] =	stream.indirect.gather @!p0 [hbm4b:s4+s9], $0x40, s3, s9, $0xb8;
	[tilespmem:$0x1AF00] =	vst v63  }
0x75: {  	p0 =	sne.s32 s19, $0xA800  }
.Ltmp3:
0x76: {  	_ = 	snop;
	(pc) =	sbr.rel @!p0 .LBB2_10-.Ltmp3, $2  }
0x77: {  	_ =	sdelay $0x2  }
0x78: {  	s5 =	sadd.s32 $0x1, s5;
	s17 =	sadd.s32 $0x6, s17  }
.LBB2_2:
0x79: {  	p0 =	sne.s32 s19, $0x0  }
.Ltmp4:
0x7a: {  	_ = 	snop;
	(pc) =	sbr.rel @!p0 .LBB2_3-.Ltmp4, $4  }
0x7b: {  	_ = 	snop  }
0x7c: {  	_ =	swait.ge [sflag:s21], $0x2000  }
0x7d: {  	[sflag:s21] =	ssyncset.done $0x0  }
0x7e: {  	[sflag:s21] =	ssyncadd.s32 $0xFFFFE000  }
0x7f: {  	p0 =	seq.s32 s19, $0x9C00  }
.Ltmp5:
0x80: {  	_ = 	snop;
	(pc) =	sbr.rel @p0 .LBB2_10-.Ltmp5, $4  }
0x81: {  	_ =	swait.ge [sflag:s0], $0x2000  }
0x82: {  	s7 =	sshra.s32 s19, $0x2;
	[sflag:s0] =	ssyncset.done $0x0  }
0x83: {  	s6 =	sadd.s32 $0x2780, s7;
	[sflag:s0] =	ssyncadd.s32 $0xFFFFE000  }
0x84: {  	[spmem:s2] =	stream.indirect.scatter.add.bf16 [tilespmem:s15], [sflag:$0x7], $0x40, s6, s14, $0xb8;
	[tilespmem:$0x1AF00] =	vst v63  }
0x85: {  	s12 =	sadd.s32 $0xFFFFFFFD, s17  }
0x86: {  	p0 =	sgt.u32 s12, $0x4E  }
.Ltmp6:
0x87: {  	_ = 	snop;
	(pc) =	sbr.rel @p0 .LBB2_6-.Ltmp6, $3  }
0x88: {  	_ =	sdelay $0x1  }
0x89: {  	s7 =	sadd.s32 $0x200, s7  }
0x8a: {  	[tilespmem:s22], [sflag:$0x5] =	stream.indirect.gather [hbm4b:s4+s14], $0x40, s7, s14, $0xb8;
	[tilespmem:$0x1AF00] =	vst v63  }
0x8b: {  	_ =	swait.ge [sflag:s23], $0x2000  }
.Ltmp7:
0x8c: {  	[sflag:s23] =	ssyncset.done $0x0;
	(pc) =	sbr.rel .LBB2_8-.Ltmp7, $4  }
0x8d: {  	[sflag:s23] =	ssyncadd.s32 $0xFFFFE000  }
0x8e: {  	_ =	swait.ge [sflag:s1], $0x2000  }
0x8f: {  	s9 =	sadd.s32 $0x200, s19;
	[sflag:s1] =	ssyncset.done $0x0  }
0x90: {  	s7 =	smov.u32 s17;
	s8 =	smov.u32 s19;
	[sflag:s1] =	ssyncadd.s32 $0xFFFFE000  }
.LBB2_6:
.Ltmp8:
0x91: {  	(pc) =	sbr.rel .LBB2_9-.Ltmp8, $2  }
0x92: {  	_ =	sdelay $0x2  }
0x93: {  	s8 =	smov.u32 s19;
	s7 =	smov.u32 s17  }
.LBB2_11:
0x94: {  	_ =	sfence.sel $0x180000  }
0x95: {  	[bflag:$0x0] =	sbarrier.arrive $0xFFFF  }
0x96: {  	_ =	strace $0x9000004D  }
0x97: {  	s0 =	stileid.u32;
	[bflag:$0x2] =	sbarrier.arrive $0xFFFF  }
0x98: {  	p0 =	sne.s32 s0, $0x0;
	s0 =	rddreg [dreg:$0x2]  }
0x99: {  	s0 =	sadd.s32 @!p0 $0x100000, s0  }
0x9a: {  	[sflag:s0] =	ssyncadd.tile.s32 @!p0 $0x1;
	_ =	shalt  }
.Lfunc_end2:
_tile_overlayer_lowered:
.L_overlay_start_2:
0x9b: {  	(tag) =	ssettag $0x2  }
0x9c: {  	s0 =	rddreg [dreg:$0x0];
	s2 =	stileid.u32  }
0x9d: {  	s1 =	rddreg [dreg:$0x1];
	p0 =	sne.s32 s2, $0x0  }
0x9e: {  	s3 =	rddreg [dreg:$0x2];
	[bflag:$0x3] =	sbarrier.arrive $0xFFFF;
	s2 =	simm.s32 @!p0 $0x1C0D  }
0x9f: {  	[timem:s3], [sflag:s2] =	dma.local @!p0 [hbm:s0], s1  }
0xa0: {  	s0 =	simm.s32 @!p0 $0xD  }
0xa1: {  	_ =	swait.ge @!p0 [sflag:s0], s1  }
0xa2: {  	s1 =	ssub.s32 @!p0 $0x0, s1;
	[sflag:s0] =	ssyncset.done @!p0 $0x0  }
0xa3: {  	[sflag:s0] =	ssyncadd.s32 @!p0 s1  }
0xa4: {  	[bflag:$0x3] =	sbarrier.arrive $0xFFFF  }
0xa5: {  	_ =	shalt  }

// kernel: kernel.8.cloned.1.call-start
scs
__scs_entry_jumppad:
0x0: {  	(pc) =	sbr.rel $0x88, $3  }
0x1: {  	(tag) =	ssettag $0x0;
	lr =	simm.s32 $0x1  }
0x2: {  	[smem:$0x3F8E] =	sst lr;
	_ =	strace $0xD0000000  }
0x3: {  	_ = 	snop  }
0x4: {  	_ = 	snop  }
0x5: {  	_ = 	snop  }
0x6: {  	_ = 	snop  }
0x7: {  	_ = 	snop  }
__scs_overlays_trampoline_lowered:
0x8: {  	[smem:$0x3F9D] =	sst s0  }
0x9: {  	[smem:$0x3F9E] =	sst s1  }
0xa: {  	[smem:$0x3F9F] =	sst s2  }
0xb: {  	[smem:$0x3FA0] =	sst s3  }
0xc: {  	[smem:$0x3FA1] =	sst s4  }
0xd: {  	[smem:$0x3FA2] =	sst s5  }
0xe: {  	[smem:$0x3FA3] =	sst s6  }
0xf: {  	[smem:$0x3FA4] =	sst s7  }
0x10: {  	[smem:$0x3FA5] =	sst s8  }
0x11: {  	[smem:$0x3FA6] =	sst s9;
	s0 =	simm.s32 @!p0 $0x0  }
0x12: {  	s1 =	sld [smem:$0x3F8C];
	s0 =	simm.s32 @p0 $0x1  }
0x13: {  	[smem:$0x3FA7] =	sst s0;
	s0 =	simm.s32 @!p1 $0x0  }
0x14: {  	s2 =	sld [smem:$0x3F8B];
	s0 =	simm.s32 @p1 $0x1  }
0x15: {  	[smem:$0x3FA8] =	sst s0;
	s0 =	simm.s32 @!p2 $0x0  }
0x16: {  	s3 =	sld [smem:$0x3FDB];
	s0 =	simm.s32 @p2 $0x1  }
0x17: {  	s4 =	simm.s32 $0x1BF5;
	[smem:$0x3FAA] =	sst s0  }
0x18: {  	s0 =	sld [smem:$0x3F8D];
	_ =	swait.ge [sflag:s4], $0x0  }
0x19: {  	s7 =	sld [smem:$0x3F8E]  }
0x1a: {  	s8 =	sadd.s32 $0xFFFFE003, lr  }
0x1b: {  	s9 =	sadd.s32 $0xFFFFFEF7, lr;
	s5 =	simm.s32 $0xFFFFFFFF;
	p2 =	slt.u32 s8, $0xFFFFF086  }
0x1c: {  	p1 =	slt.u32 s9, $0xF7A;
	s5 =	simm.s32 @!p2 $0x0  }
0x1d: {  	s5 =	simm.s32 @p1 $0x1;
	p0 =	seq.s32 s7, s2  }
0x1e: {  	s7 =	smul.u32 @!p0 $0xF7A, s2;
	p2 =	seq.s32 @!p0 s5, $0x0  }
0x1f: {  	s9 =	smul.u32 $0xF7A, s1;
	s8 =	simm.s32 @!p0 $0x1BF5;
	p2 =	por !p2, p0  }
0x20: {  	[sflag:s8] =	ssyncset.s32 @!p0 $0xFFFFF086;
	s6 =	sadd.s32 @!p0 s3, s7;
	s7 =	simm.s32 @!p0 $0x108  }
0x21: {  	s3 =	sadd.s32 s3, s9;
	s6 =	sadd.s32 @!p0 $0x88, s6;
	s7 =	simm.s32 @p2 $0x1082  }
0x22: {  	[simem:s7], [sflag:s8] =	dma.local @!p0 [hbm:s6], $0xF7A  }
0x23: {  	s9 =	sor.u32 $0xD0000000, s2;
	s6 =	simm.s32 $0x108;
	_ =	swait.ge @!p0 [sflag:s8], $0x0  }
0x24: {  	s3 =	sadd.s32 $0x88, s3;
	s6 =	simm.s32 @!p1 $0x1082;
	[sflag:s4] =	ssyncset.s32 $0xFFFFF086  }
0x25: {  	[simem:s6], [sflag:s4] =	dma.local [hbm:s3], $0xF7A  }
0x26: {  	[smem:$0x3F8E] =	sst s1;
	(tag) =	ssettag s2;
	_ =	strace s9  }
0x27: {  	s1 =	sld [smem:$0x3F9E]  }
0x28: {  	s2 =	sld [smem:$0x3F9F]  }
0x29: {  	s4 =	sld [smem:$0x3FA1]  }
0x2a: {  	p0 =	seq.s32 s5, $0x0;
	s5 =	sld [smem:$0x3FA2]  }
0x2b: {  	s6 =	sld [smem:$0x3FA3]  }
0x2c: {  	s7 =	sld [smem:$0x3FA4]  }
0x2d: {  	s3 =	simm.s32 $0x108;
	s8 =	sld [smem:$0x3FA5]  }
0x2e: {  	s3 =	simm.s32 @!p0 $0x1082;
	s9 =	sld [smem:$0x3FA6]  }
0x2f: {  	lr =	sadd.s32 s0, s3;
	s0 =	sld [smem:$0x3F9D]  }
0x30: {  	s3 =	sld [smem:$0x3FA0]  }
0x31: {  	[smem:$0x3FA9] =	sst s10  }
0x32: {  	s10 =	sld [smem:$0x3FA7];
	_ =	sdelay $0x3  }
0x33: {  	p0 =	seq.s32 s10, $0x1;
	s10 =	sld [smem:$0x3FA9];
	_ =	sdelay $0x3  }
0x34: {  	[smem:$0x3FA9] =	sst s10  }
0x35: {  	s10 =	sld [smem:$0x3FA8];
	_ =	sdelay $0x3  }
0x36: {  	p1 =	seq.s32 s10, $0x1;
	s10 =	sld [smem:$0x3FA9];
	_ =	sdelay $0x3  }
0x37: {  	[smem:$0x3FA9] =	sst s10  }
0x38: {  	s10 =	sld [smem:$0x3FAA]  }
0x39: {  	_ = 	snop;
	(pc) =	sbr.ind lr, $3  }
0x3a: {  	_ = 	snop  }
0x3b: {  	_ = 	snop  }
0x3c: {  	p2 =	seq.s32 s10, $0x1;
	s10 =	sld [smem:$0x3FA9]  }
0x3d: {  	_ =	shalt  }
0x3e: {  	_ =	shalt  }
0x3f: {  	_ =	shalt  }
0x40: {  	_ =	shalt  }
0x41: {  	_ =	shalt  }
0x42: {  	_ =	shalt  }
0x43: {  	_ =	shalt  }
0x44: {  	_ =	shalt  }
0x45: {  	_ =	shalt  }
0x46: {  	_ =	shalt  }
0x47: {  	_ =	shalt  }
0x48: {  	_ =	shalt  }
0x49: {  	_ =	shalt  }
0x4a: {  	_ =	shalt  }
0x4b: {  	_ =	shalt  }
0x4c: {  	_ =	shalt  }
0x4d: {  	_ =	shalt  }
0x4e: {  	_ =	shalt  }
0x4f: {  	_ =	shalt  }
0x50: {  	_ =	shalt  }
0x51: {  	_ =	shalt  }
0x52: {  	_ =	shalt  }
0x53: {  	_ =	shalt  }
0x54: {  	_ =	shalt  }
0x55: {  	_ =	shalt  }
0x56: {  	_ =	shalt  }
0x57: {  	_ =	shalt  }
0x58: {  	_ =	shalt  }
0x59: {  	_ =	shalt  }
0x5a: {  	_ =	shalt  }
0x5b: {  	_ =	shalt  }
0x5c: {  	_ =	shalt  }
0x5d: {  	_ =	shalt  }
0x5e: {  	_ =	shalt  }
0x5f: {  	_ =	shalt  }
0x60: {  	_ =	shalt  }
0x61: {  	_ =	shalt  }
0x62: {  	_ =	shalt  }
0x63: {  	_ =	shalt  }
0x64: {  	_ =	shalt  }
0x65: {  	_ =	shalt  }
0x66: {  	_ =	shalt  }
0x67: {  	_ =	shalt  }
0x68: {  	_ =	shalt  }
0x69: {  	_ =	shalt  }
0x6a: {  	_ =	shalt  }
0x6b: {  	_ =	shalt  }
0x6c: {  	_ =	shalt  }
0x6d: {  	_ =	shalt  }
0x6e: {  	_ =	shalt  }
0x6f: {  	_ =	shalt  }
0x70: {  	_ =	shalt  }
0x71: {  	_ =	shalt  }
0x72: {  	_ =	shalt  }
0x73: {  	_ =	shalt  }
0x74: {  	_ =	shalt  }
0x75: {  	_ =	shalt  }
0x76: {  	_ =	shalt  }
0x77: {  	_ =	shalt  }
0x78: {  	_ =	shalt  }
0x79: {  	_ =	shalt  }
0x7a: {  	_ =	shalt  }
0x7b: {  	_ =	shalt  }
0x7c: {  	_ =	shalt  }
0x7d: {  	_ =	shalt  }
0x7e: {  	_ =	shalt  }
0x7f: {  	_ =	shalt  }
0x80: {  	_ =	shalt  }
0x81: {  	_ =	shalt  }
0x82: {  	_ =	shalt  }
0x83: {  	_ =	shalt  }
0x84: {  	_ =	shalt  }
0x85: {  	_ =	shalt  }
0x86: {  	_ =	shalt  }
0x87: {  	_ =	shalt  }
.Lfunc_end0:
.L_simem_size_0:
called_computation_lowered:
.L_overlay_start_0:
0x88: {  	s2 =	sld [smem:$0x3FD9]  }
0x89: {  	s3 =	sld [smem:$0x3FFE];
	_ =	sdelay $0x1  }
0x8a: {  	s1 =	srdreg.scid  }
0x8b: {  	s0 =	sand.u32 $0x1, s1  }
0x8c: {  	s16 =	sshll.u32 s0, $0xA;
	s2 =	sadd.s32 s3, s2  }
0x8d: {  	s2 =	sadd.s32 s2, s16  }
0x8e: {  	[smem:$0x3FB5] =	sst s2  }
0x8f: {  	_ = 	snop  }
0x90: {  	(tm) =	ssettm $0x1  }
0x91: {  	s17 =	sld [smem:$0x3FFB];
	_ =	sdelay $0x3  }
0x92: {  	_ =	strace s17  }
0x93: {  	s2 =	sld [smem:$0x3FFC];
	_ =	sdelay $0x3  }
0x94: {  	_ =	strace s2  }
0x95: {  	s2 =	sld [smem:$0x3FFD];
	_ =	sdelay $0x3  }
0x96: {  	_ =	strace s2  }
0x97: {  	_ =	strace $0x8FFFFFFF  }
0x98: {  	s18 =	sld [smem:$0x3FDB];
	_ =	sdelay $0x1  }
0x99: {  	s19 =	simm.s32 $_scs_section_size  }
0x9a: {  	s4 =	simm.s32 $_size__tile_overlayer_lowered;
	s5 =	simm.s32 $_tile_overlayer_lowered  }
0x9b: {  	s22 =	simm.s32 $0x1BFF;
	s21 =	sshll.u32 s5, $0x1;
	s2 =	sadd.s32 s19, s18  }
0x9c: {  	s6 =	simm.s32 $0x0;
	s20 =	sshll.u32 s4, $0x1;
	s4 =	sadd.s32 s21, s2  }
0x9d: {  	[timem:s6], [sflag:s22] =	dma.local [hbm:s4], s20  }
0x9e: {  	_ =	swait.ge [sflag:s22], s20  }
0x9f: {  	s3 =	ssub.s32 $0x0, s20;
	[sflag:s22] =	ssyncset.done $0x0  }
0xa0: {  	[sflag:s22] =	ssyncadd.s32 s3;
	_ =	sdelay $0x1  }
0xa1: {  	s23 =	simm.s32 $0x1B8B  }
0xa2: {  	_ =	swait.ge [sflag:s23], $0x1  }
0xa3: {  	[sflag:s23] =	ssyncset.done $0x0  }
0xa4: {  	s25 =	simm.s32 $0x1B8E;
	s24 =	sld [smem:$0x3FFE];
	[sflag:s23] =	ssyncadd.s32 $0xFFFFFFFF  }
0xa5: {  	s26 =	simm.s32 $execute0_lowered;
	[smem:$0x3FD2] =	sst s25  }
0xa6: {  	s4 =	sshll.u32 s26, $0x1;
	_ =	strace $0x80000046;
	[dreg:$0x1] =	wrdreg $0xFFFFFFFF  }
0xa7: {  	s28 =	simm.s32 $_size_execute0_lowered;
	s2 =	sadd.s32 s2, s4;
	[dreg:$0x0] =	wrdreg $0x0  }
0xa8: {  	s4 =	sshll.u32 s28, $0x1;
	[dreg:$0x2] =	wrdreg s2  }
0xa9: {  	[dreg:$0x3] =	wrdreg s4  }
0xaa: {  	[dreg:$0x4] =	wrdreg $0xC0  }
0xab: {  	_ =	task [dreg:s6], $0x5FFFF  }
0xac: {  	[dreg:$0x1] =	wrdreg $0xFFFFFFFF  }
0xad: {  	[dreg:$0x0] =	wrdreg $0x60  }
0xae: {  	[dreg:$0x2] =	wrdreg s24  }
0xaf: {  	[dreg:$0x3] =	wrdreg $0x57800  }
0xb0: {  	[dreg:$0x4] =	wrdreg $0x9  }
0xb1: {  	_ =	task.clear_ibuf [dreg:s6], $0x5FFFF;
	_ =	strace $0x90000046  }
0xb2: {  	s29 =	simm.s32 $0x9;
	_ =	strace $0x80000048  }
0xb3: {  	_ =	swait.ge [sflag:s29], $0x1  }
0xb4: {  	[sflag:s29] =	ssyncadd.s32 $0xFFFFFFFF  }
0xb5: {  	_ =	strace $0x90000048  }
0xb6: {  	_ =	sfence  }
0xb7: {  	s30 =	sld [smem:$0x0];
	_ =	sdelay $0x2  }
0xb8: {  	s31 =	sshll.u32 s1, $0xD;
	s1 =	sshrl.u32 s1, $0x2  }
0xb9: {  	s3 =	sand.u32 $0x4000, s31;
	s1 =	sadd.s32 s1, s30  }
0xba: {  	s0 =	sor.u32 s3, s0;
	s1 =	sshll.u32 s1, $0x11  }
0xbb: {  	s0 =	sor.u32 s1, s0  }
0xbc: {  	s0 =	sadd.s32 $0x8F2B, s0  }
0xbd: {  	[sflag:s0] =	ssyncadd.remote.s32 $0x1  }
0xbe: {  	_ =	sfence.sel $0xFFFF  }
0xbf: {  	[dreg:$0x0] =	wrdreg $0xFFFFFFFF;
	(pc) =	sbr.abs _section_cstart, $3  }
0xc0: {  	[dreg:$0x1] =	wrdreg $0xFFFFFFFF  }
0xc1: {  	_ =	task.clear_ibuf [dreg:s6], $0x2FFFF;
	_ =	strace $0x9FFFFFFF  }
0xc2: {  	(tm) =	ssettm $0x7FFFFFFF  }
0xc3: {  	_ =	shalt  }
tec
execute0_lowered:
.L_overlay_start_1:
0x0: {  	(tag) =	ssettag $0x1  }
0x1: {  	s0 =	srdreg.scid;
	s5 =	rddreg [dreg:$0x0]  }
0x2: {  	s11 =	stileid.u32;
	s2 =	rddreg [dreg:$0x1];
	s3 =	simm.s32 $0x0  }
0x3: {  	s28 =	simm.s32 $0x80;
	s30 =	simm.s32 $0x3;
	s31 =	simm.s32 $0x7  }
0x4: {  	s0 =	sand.u32 $0x1, s0;
	s7 =	smul.u32 $0x2800, s11;
	[smem:$0x7FF] =	sst s3  }
0x5: {  	s4 =	sadd.s32 $0x18800, s5;
	s29 =	sadd.s32 $0xEA00, s5;
	s15 =	smul.u32 $0x27800, s11  }
0x6: {  	s1 =	sshll.u32 s0, $0x4;
	s8 =	smul.u32 $0x28000, s0;
	_ =	strace $0x80000047  }
0x7: {  	[dreg:$0x3] =	wrdreg s29;
	s29 =	sshll.u32 s11, $0x6;
	s1 =	sor.u32 s11, s1  }
0x8: {  	s11 =	sor.u32 $0x1C0D, s29;
	s6 =	smul.u32 $0x4F0, s1;
	s10 =	sadd.s32 s7, s8  }
0x9: {  	s7 =	sadd.s32 s7, s2;
	[dreg:$0xc] =	wrdreg s11;
	s8 =	sshrl.u32 s10, $0x3  }
0xa: {  	s10 =	ssub.s32 $0x2, s0;
	s0 =	smul.u32 $0x278000, s0;
	s9 =	sadd.s32 s6, s5  }
0xb: {  	s6 =	smul.u32 $0x27800, s1;
	s5 =	sadd.s32 s8, s5;
	s12 =	sshrl.u32 s10, $0x1  }
0xc: {  	s1 =	smul.u32 $0x4F00, s1;
	s8 =	ssub.s32 s10, s12;
	s9 =	sadd.s32 $0x4C00, s9  }
0xd: {  	s0 =	sadd.s32 s15, s0;
	s19 =	sadd.s32 $0xC0600, s5;
	s10 =	simm.s32 $0xD  }
0xe: {  	s12 =	sshrl.u32 s7, $0x3;
	s5 =	simm.s32 $0xA;
	s7 =	simm.s32 $0x4F80  }
0xf: {  	s13 =	sshrl.u32 s6, $0x3;
	[dreg:$0x4] =	wrdreg s9;
	s1 =	sadd.s32 s4, s1  }
0x10: {  	[dreg:$0x9] =	wrdreg s19;
	s20 =	smax.u32 s8, $0x1;
	s21 =	sadd.s32 $0x3800, s0  }
0x11: {  	s22 =	sadd.s32 $0x3000, s0;
	s23 =	sadd.s32 $0x4000, s0;
	[dreg:$0xd] =	wrdreg s12  }
0x12: {  	s25 =	sadd.s32 $0x4800, s0;
	s0 =	sadd.s32 $0x2800, s0;
	[dreg:$0x5] =	wrdreg s1  }
0x13: {  	s9 =	simm.s32 $0xB;
	s14 =	sadd.s32 s4, s13;
	[dreg:$0xa] =	wrdreg s20  }
0x14: {  	[dreg:$0xb] =	wrdreg s22;
	s1 =	sshrl.u32 s21, $0x3;
	s24 =	sshrl.u32 s23, $0x3  }
0x15: {  	s26 =	sshrl.u32 s25, $0x3;
	s0 =	sshrl.u32 s0, $0x3;
	s22 =	simm.s32 $0x2780  }
0x16: {  	s25 =	simm.s32 $0x3F80;
	s23 =	simm.s32 $0x6;
	s16 =	sadd.s32 $0x100, s14  }
.Ltmp0:
0x17: {  	s17 =	sadd.s32 $0x200, s14;
	[dreg:$0x6] =	wrdreg s16;
	(pc) =	sbr.rel .LBB2_1-.Ltmp0, $4  }
0x18: {  	s13 =	simm.s32 $0x0;
	s18 =	sadd.s32 $0x300, s14;
	[dreg:$0x7] =	wrdreg s17  }
0x19: {  	s15 =	sadd.s32 s1, s4;
	s1 =	simm.s32 $0x4;
	[dreg:$0x8] =	wrdreg s18  }
0x1a: {  	s16 =	sadd.s32 s24, s4;
	s17 =	sadd.s32 s26, s4;
	s18 =	sadd.s32 s0, s4  }
0x1b: {  	s24 =	simm.s32 $0x3780;
	s26 =	simm.s32 $0x1;
	s0 =	simm.s32 $0x8  }
.LBB2_6:
0x1c: {  	_ =	swait.ge [sflag:s31], $0x800  }
0x1d: {  	[sflag:s31] =	ssyncset.done $0x0  }
0x1e: {  	s8 =	simm.s32 $0xC;
	[sflag:s31] =	ssyncadd.s32 $0xFFFFF800  }
0x1f: {  	_ =	swait.ge [sflag:s8], $0x800  }
0x20: {  	[sflag:s8] =	ssyncset.done $0x0  }
0x21: {  	[sflag:s8] =	ssyncadd.s32 $0xFFFFF800  }
0x22: {  	[bflag:$0x0] =	sbarrier.arrive $0xFFFF  }
0x23: {  	s21 =	rddreg [dreg:$0x9]  }
0x24: {  	s11 =	rddreg [dreg:$0xc]  }
0x25: {  	s10 =	simm.s32 $0xD;
	s12 =	rddreg [dreg:$0xd]  }
0x26: {  	[hbm:s21], [sflag:s11] =	dma.local [spmem:s12], $0x500  }
0x27: {  	_ =	swait.ge [sflag:s10], $0x500  }
0x28: {  	s13 =	rddreg [dreg:$0xe]  }
0x29: {  	s29 =	rddreg [dreg:$0xa];
	s13 =	sadd.s32 $0x1, s13  }
0x2a: {  	p0 =	sne.s32 s13, s29  }
.Ltmp1:
0x2b: {  	_ = 	snop;
	(pc) =	sbr.rel @!p0 .LBB2_7-.Ltmp1, $3  }
0x2c: {  	_ =	sdelay $0x1  }
0x2d: {  	[sflag:s10] =	ssyncset.done $0x0  }
0x2e: {  	[sflag:s10] =	ssyncadd.s32 $0xFFFFFB00  }
.LBB2_1:
0x2f: {  	[dreg:$0xe] =	wrdreg s13  }
0x30: {  	s8 =	rddreg [dreg:$0x4]  }
0x31: {  	[tilespmem:s3], [sflag:$0xD] =	stream.linear.gather [hbm4b:s8+s3], $0x2780, $0x38;
	[tilespmem:$0x7F80] =	vst v63  }
0x32: {  	_ =	swait.ge [sflag:s10], $0x2780  }
0x33: {  	[sflag:s10] =	ssyncset.done $0x0  }
0x34: {  	s13 =	rddreg [dreg:$0x3];
	[sflag:s10] =	ssyncadd.s32 $0xFFFFD880  }
0x35: {  	[spmem:s12], [sflag:s11] =	dma.local [hbm:s13], $0x500  }
0x36: {  	_ =	swait.ge [sflag:s10], $0x500  }
0x37: {  	[sflag:s10] =	ssyncset.done $0x0  }
0x38: {  	s14 =	rddreg [dreg:$0x5];
	[sflag:s10] =	ssyncadd.s32 $0xFFFFFB00  }
0x39: {  	[tilespmem:s22], [sflag:$0x1] =	stream.linear.gather [hbm4b:s14+s3], $0x800, $0x38;
	[tilespmem:$0x7F80] =	vst v63  }
0x3a: {  	s20 =	simm.s32 $0x2F80;
	s19 =	rddreg [dreg:$0x6]  }
0x3b: {  	[tilespmem:s20], [sflag:$0x2] =	stream.linear.gather [hbm4b:s19+s3], $0x800, $0x38;
	[tilespmem:$0x7F80] =	vst v63  }
0x3c: {  	s21 =	rddreg [dreg:$0x7]  }
0x3d: {  	[tilespmem:s24], [sflag:$0x3] =	stream.linear.gather [hbm4b:s21+s3], $0x800, $0x38;
	[tilespmem:$0x7F80] =	vst v63  }
.Ltmp2:
0x3e: {  	_ = 	snop;
	(pc) =	sbr.rel .LBB2_2-.Ltmp2, $4  }
0x3f: {  	s29 =	rddreg [dreg:$0x8]  }
0x40: {  	[tilespmem:s25], [sflag:$0x4] =	stream.linear.gather [hbm4b:s29+s3], $0x800, $0x38;
	[tilespmem:$0x7F80] =	vst v63  }
0x41: {  	s8 =	simm.s32 $0x0;
	s13 =	simm.s32 $0x0;
	[bflag:$0x0] =	sbarrier.arrive $0xFFFF  }
0x42: {  	s12 =	simm.s32 $0x0;
	s21 =	simm.s32 $0x4;
	s14 =	rddreg [dreg:$0xb]  }
.LBB2_3:
0x43: {  	s20 =	simm.s32 $0x0;
	s11 =	simm.s32 $0x4  }
0x44: {  	[spmem:s2] =	stream.indirect.scatter.add.f32 [tilespmem:s22], [sflag:$0x7], $0x10, s20, s28, $0xb8;
	[tilespmem:$0x7F80] =	vst v63  }
.LBB2_5:
0x45: {  	s19 =	sshll.u32 s11, $0xB  }
0x46: {  	s19 =	sadd.s32 s6, s19  }
0x47: {  	s19 =	sshrl.u32 s19, $0x3  }
0x48: {  	s10 =	simm.s32 $0x4780;
	s19 =	sadd.s32 s4, s19  }
0x49: {  	[tilespmem:s10], [sflag:$0x5] =	stream.linear.gather [hbm4b:s19+s3], $0x800, $0x38;
	[tilespmem:$0x7F80] =	vst v63  }
0x4a: {  	s10 =	sadd.s32 $0xFFFFFFFD, s21  }
0x4b: {  	p0 =	sgt.u32 s10, $0x4E  }
0x4c: {  	s19 =	simm.s32 @!p0 $0x2  }
0x4d: {  	p1 =	seq.s32 @!p0 s13, $0x0;
	_ =	swait.ge @!p0 [sflag:s19], $0x800  }
0x4e: {  	p1 =	por p1, p0;
	[sflag:s19] =	ssyncset.done @!p0 $0x0  }
0x4f: {  	[sflag:s19] =	ssyncadd.s32 @!p0 $0xFFFFF800;
	s19 =	simm.s32 @!p1 $0xC  }
0x50: {  	_ =	swait.ge @!p1 [sflag:s19], $0x800  }
0x51: {  	s10 =	simm.s32 @!p0 $0x80;
	[sflag:s19] =	ssyncset.done @!p1 $0x0  }
0x52: {  	s29 =	simm.s32 @!p0 $0x2F80;
	[sflag:s19] =	ssyncadd.s32 @!p1 $0xFFFFF800;
	s19 =	sadd.s32 @!p0 $0x80, s12  }
0x53: {  	[spmem:s2] =	stream.indirect.scatter.add.f32 @!p0 [tilespmem:s29], [sflag:$0x8], $0x10, s19, s10, $0xb8;
	[tilespmem:$0x7F80] =	vst v63  }
0x54: {  	s10 =	sadd.s32 @!p0 s13, s18;
	s19 =	simm.s32 @!p0 $0x0;
	s29 =	simm.s32 @!p0 $0x4F80  }
0x55: {  	[tilespmem:s29], [sflag:$0x6] =	stream.linear.gather @!p0 [hbm4b:s10+s19], $0x800, $0x38;
	[tilespmem:$0x7F80] =	vst v63  }
0x56: {  	_ =	swait.ge [sflag:s30], $0x800  }
0x57: {  	[sflag:s30] =	ssyncset.done $0x0  }
0x58: {  	[sflag:s30] =	ssyncadd.s32 $0xFFFFF800  }
0x59: {  	_ =	swait.ge [sflag:s31], $0x800  }
0x5a: {  	[sflag:s31] =	ssyncset.done $0x0  }
0x5b: {  	s19 =	sadd.s32 $0x100, s20;
	s29 =	sshrl.u32 s14, $0x3;
	[sflag:s31] =	ssyncadd.s32 $0xFFFFF800  }
0x5c: {  	[spmem:s2] =	stream.indirect.scatter.add.f32 [tilespmem:s24], [sflag:$0x9], $0x10, s19, s28, $0xb8;
	[tilespmem:$0x7F80] =	vst v63  }
0x5d: {  	s10 =	sadd.s32 s4, s29  }
0x5e: {  	[tilespmem:s22], [sflag:$0x1] =	stream.linear.gather [hbm4b:s10+s3], $0x800, $0x38;
	[tilespmem:$0x7F80] =	vst v63  }
0x5f: {  	_ =	swait.ge [sflag:s1], $0x800  }
0x60: {  	[sflag:s1] =	ssyncset.done $0x0  }
0x61: {  	[sflag:s1] =	ssyncadd.s32 $0xFFFFF800  }
0x62: {  	_ =	swait.ge [sflag:s0], $0x800  }
0x63: {  	p0 =	sgt.u32 s8, $0xB;
	[sflag:s0] =	ssyncset.done $0x0  }
0x64: {  	s19 =	sadd.s32 $0x180, s20;
	s10 =	simm.s32 @p0 $0x5;
	[sflag:s0] =	ssyncadd.s32 $0xFFFFF800  }
0x65: {  	[spmem:s2] =	stream.indirect.scatter.add.f32 [tilespmem:s25], [sflag:$0xA], $0x10, s19, s28, $0xb8;
	[tilespmem:$0x7F80] =	vst v63  }
0x66: {  	_ =	swait.ge @p0 [sflag:s10], $0x800  }
0x67: {  	[sflag:s10] =	ssyncset.done @p0 $0x0  }
0x68: {  	[sflag:s10] =	ssyncadd.s32 @p0 $0xFFFFF800;
	s10 =	simm.s32 @p0 $0x9  }
0x69: {  	_ =	swait.ge @p0 [sflag:s10], $0x800  }
0x6a: {  	[sflag:s10] =	ssyncset.done @p0 $0x0  }
0x6b: {  	[sflag:s10] =	ssyncadd.s32 @p0 $0xFFFFF800;
	s10 =	sshll.u32 @p0 s11, $0x7  }
0x6c: {  	s29 =	simm.s32 @p0 $0x4780;
	s19 =	simm.s32 @p0 $0x80;
	s10 =	sand.u32 @p0 $0x3FFFFF80, s10  }
0x6d: {  	[spmem:s2] =	stream.indirect.scatter.add.f32 @p0 [tilespmem:s29], [sflag:$0xB], $0x10, s10, s19, $0xb8;
	[tilespmem:$0x7F80] =	vst v63  }
0x6e: {  	s10 =	sadd.s32 @!p0 s13, s15;
	s19 =	simm.s32 @!p0 $0x0;
	s29 =	simm.s32 @!p0 $0x2F80  }
0x6f: {  	[tilespmem:s29], [sflag:$0x2] =	stream.linear.gather @!p0 [hbm4b:s10+s19], $0x800, $0x38;
	[tilespmem:$0x7F80] =	vst v63  }
0x70: {  	s10 =	simm.s32 @!p0 $0x5  }
0x71: {  	_ =	swait.ge @!p0 [sflag:s10], $0x800  }
0x72: {  	[sflag:s10] =	ssyncset.done @!p0 $0x0  }
0x73: {  	[sflag:s10] =	ssyncadd.s32 @!p0 $0xFFFFF800;
	s10 =	simm.s32 @!p0 $0x9  }
0x74: {  	_ =	swait.ge @!p0 [sflag:s10], $0x800  }
0x75: {  	[sflag:s10] =	ssyncset.done @!p0 $0x0  }
0x76: {  	[sflag:s10] =	ssyncadd.s32 @!p0 $0xFFFFF800;
	s10 =	sshll.u32 @!p0 s11, $0x7  }
0x77: {  	s29 =	simm.s32 @!p0 $0x4780;
	s11 =	simm.s32 @!p0 $0x80;
	s10 =	sand.u32 @!p0 $0x3FFFFF80, s10  }
0x78: {  	[spmem:s2] =	stream.indirect.scatter.add.f32 @!p0 [tilespmem:s29], [sflag:$0xB], $0x10, s10, s11, $0xb8;
	[tilespmem:$0x7F80] =	vst v63  }
0x79: {  	s10 =	sadd.s32 @!p0 s13, s16;
	s11 =	simm.s32 @!p0 $0x3780  }
0x7a: {  	[tilespmem:s11], [sflag:$0x3] =	stream.linear.gather @!p0 [hbm4b:s10+s19], $0x800, $0x38;
	[tilespmem:$0x7F80] =	vst v63  }
0x7b: {  	_ =	swait.ge [sflag:s23], $0x800  }
0x7c: {  	[sflag:s23] =	ssyncset.done $0x0  }
0x7d: {  	[sflag:s23] =	ssyncadd.s32 $0xFFFFF800  }
0x7e: {  	_ =	swait.ge [sflag:s5], $0x800  }
0x7f: {  	[sflag:s5] =	ssyncset.done $0x0  }
0x80: {  	s29 =	sadd.s32 $0x280, s20;
	[sflag:s5] =	ssyncadd.s32 $0xFFFFF800  }
0x81: {  	[spmem:s2] =	stream.indirect.scatter.add.f32 [tilespmem:s7], [sflag:$0xC], $0x10, s29, s28, $0xb8;
	[tilespmem:$0x7F80] =	vst v63  }
0x82: {  	s10 =	sadd.s32 @!p0 s13, s17;
	s11 =	simm.s32 @!p0 $0x3F80;
	s13 =	sadd.s32 $0x600, s13  }
0x83: {  	[tilespmem:s11], [sflag:$0x4] =	stream.linear.gather @!p0 [hbm4b:s10+s19], $0x800, $0x38;
	[tilespmem:$0x7F80] =	vst v63  }
0x84: {  	p0 =	sne.s32 s13, $0x5400  }
.Ltmp3:
0x85: {  	_ = 	snop;
	(pc) =	sbr.rel @!p0 .LBB2_6-.Ltmp3, $3  }
0x86: {  	_ =	sdelay $0x1  }
0x87: {  	s21 =	sadd.s32 $0x6, s21  }
0x88: {  	s12 =	sadd.s32 $0x300, s12;
	s8 =	sadd.s32 $0x1, s8;
	s14 =	sadd.s32 $0x3000, s14  }
.LBB2_2:
0x89: {  	p0 =	sne.s32 s13, $0x0  }
.Ltmp4:
0x8a: {  	_ = 	snop;
	(pc) =	sbr.rel @!p0 .LBB2_3-.Ltmp4, $4  }
0x8b: {  	_ = 	snop  }
0x8c: {  	_ =	swait.ge [sflag:s26], $0x800  }
0x8d: {  	[sflag:s26] =	ssyncset.done $0x0  }
0x8e: {  	[sflag:s26] =	ssyncadd.s32 $0xFFFFF800  }
0x8f: {  	p0 =	seq.s32 s13, $0x4E00  }
.Ltmp5:
0x90: {  	_ = 	snop;
	(pc) =	sbr.rel @!p0 .LBB2_5-.Ltmp5, $4  }
.Ltmp6:
0x91: {  	_ =	swait.ge [sflag:s9], $0x800;
	(pc) =	sbr.rel @p0 .LBB2_6-.Ltmp6, $4  }
0x92: {  	[sflag:s9] =	ssyncset.done $0x0  }
0x93: {  	s11 =	smov.u32 s21;
	s20 =	smov.u32 s12;
	[sflag:s9] =	ssyncadd.s32 $0xFFFFF800  }
0x94: {  	[spmem:s2] =	stream.indirect.scatter.add.f32 [tilespmem:s22], [sflag:$0x7], $0x10, s12, s28, $0xb8;
	[tilespmem:$0x7F80] =	vst v63  }
0x95: {  	_ = 	snop  }
.LBB2_7:
0x96: {  	_ =	sfence.sel $0x180000  }
0x97: {  	[bflag:$0x0] =	sbarrier.arrive $0xFFFF  }
0x98: {  	_ =	strace $0x90000047  }
0x99: {  	s0 =	stileid.u32;
	[bflag:$0x2] =	sbarrier.arrive $0xFFFF  }
0x9a: {  	p0 =	sne.s32 s0, $0x0;
	s0 =	rddreg [dreg:$0x2]  }
0x9b: {  	s0 =	sadd.s32 @!p0 $0x100000, s0  }
0x9c: {  	[sflag:s0] =	ssyncadd.tile.s32 @!p0 $0x1;
	_ =	shalt  }
.Lfunc_end2:
_tile_overlayer_lowered:
.L_overlay_start_2:
0x9d: {  	(tag) =	ssettag $0x2  }
0x9e: {  	s0 =	rddreg [dreg:$0x0];
	s2 =	stileid.u32  }
0x9f: {  	s1 =	rddreg [dreg:$0x1];
	p0 =	sne.s32 s2, $0x0  }
0xa0: {  	s3 =	rddreg [dreg:$0x2];
	[bflag:$0x3] =	sbarrier.arrive $0xFFFF;
	s2 =	simm.s32 @!p0 $0x1C0D  }
0xa1: {  	[timem:s3], [sflag:s2] =	dma.local @!p0 [hbm:s0], s1  }
0xa2: {  	s0 =	simm.s32 @!p0 $0xD  }
0xa3: {  	_ =	swait.ge @!p0 [sflag:s0], s1  }
0xa4: {  	s1 =	ssub.s32 @!p0 $0x0, s1;
	[sflag:s0] =	ssyncset.done @!p0 $0x0  }
0xa5: {  	[sflag:s0] =	ssyncadd.s32 @!p0 s1  }
0xa6: {  	[bflag:$0x3] =	sbarrier.arrive $0xFFFF  }
0xa7: {  	_ =	shalt  }

</sc_bundles>
